<compile_context>
chip_gen: v7x
topology: tpu7x:2x2x1
jax: 0.10.2.dev20260603
libtpu: 0.0.44.dev20260713+nightly
codegen_flags: <defaults>
</compile_context>

<pallas_src>
import functools

import jax
import jax.numpy as jnp
from jax import lax
from jax.experimental import pallas as pl
from jax.experimental.pallas import tpu as pltpu
from jax.experimental.pallas import tpu_sc as plsc

VOCAB = 1000000
MAX_SEQ = 2048
HID = 64
B = 4096
L = 200

NUM_CORES = 2
NUM_SUBCORES = 16
NUM_WORKERS = NUM_CORES * NUM_SUBCORES
BBLK = B // NUM_WORKERS
NSLOT = 2
PL = 2


def _sc_body(xt_hbm, tok_hbm, pos_hbm, out_hbm, idx_s, idx_v, pos_v, rows_v,
             btile_v, g0, g1, s0, s1):
    g_sems = (g0, g1)
    s_sems = (s0, s1)
    wid = lax.axis_index("s") * NUM_CORES + lax.axis_index("c")

    pltpu.sync_copy(pos_hbm.at[pl.ds(0, L)], pos_v)
    for half_l in range(2):
        pltpu.sync_copy(
            xt_hbm.at[pl.ds(half_l * (L // 2), L // 2),
                      pl.ds(wid * BBLK, BBLK)], idx_s)

        def repack_body(r, _):
            dst_row = (half_l * (L // 2) + r) // PL
            dst_off = lax.rem(half_l * (L // 2) + r, PL) * BBLK
            for c in range(BBLK // 16):
                sl = pl.ds(c * 16, 16)
                idx_v[dst_row, pl.ds(dst_off + c * 16, 16)] = idx_s[r, sl]
            return 0
        lax.fori_loop(0, L // 2, repack_body, 0)

    def issue_gather(step, slot):
        pltpu.async_copy(tok_hbm.at[idx_v.at[step]],
                         rows_v.at[pl.ds(slot * PL * BBLK, PL * BBLK)],
                         g_sems[slot])

    def wait_gather(slot):
        pltpu.make_async_copy(tok_hbm.at[idx_v.at[0]],
                              rows_v.at[pl.ds(slot * PL * BBLK, PL * BBLK)],
                              g_sems[slot]).wait()

    def issue_store(l, slot, half):
        pltpu.async_copy(
            btile_v.at[pl.ds((slot * PL + half) * 8, 8), :, :, :],
            out_hbm.at[l, :, pl.ds(wid, 1), :, :], s_sems[slot])

    def wait_store(slot):
        for _half in range(PL):
            pltpu.make_async_copy(btile_v.at[pl.ds(0, 8), :, :, :],
                                  out_hbm.at[0, :, pl.ds(0, 1), :, :],
                                  s_sems[slot]).wait()

    lane = lax.broadcasted_iota(jnp.int32, (16,), 0)
    zeros16 = lane * 0

    def compute(l, slot, half):
        rbase = (slot * PL + half) * BBLK
        brow = (slot * PL + half) * 8
        pos_regs = [pos_v[l, pl.ds(k * 16, 16)] for k in range(HID // 16)]

        def add_body(j, _):
            for k in range(HID // 16):
                sl = pl.ds(k * 16, 16)
                rows_v[rbase + j, sl] = rows_v[rbase + j, sl] + pos_regs[k]
            return 0
        lax.fori_loop(0, BBLK, add_body, 0, unroll=4)

        def blk_body(t, _):
            jj = lax.shift_right_logical(t, 4)
            d = lax.bitwise_and(t, 15)
            jvec = jj * 16 + lane
            rowvec = rbase + jvec
            perm = lax.bitwise_and(lane + d, 15)
            perm_hi = lax.shift_right_logical(perm, 3)
            perm_lo = lax.bitwise_and(perm, 7)
            for k in range(HID // 16):
                v = plsc.load_gather(rows_v, [rowvec, k * 16 + perm])
                plsc.store_scatter(
                    btile_v,
                    [brow + k * 2 + perm_hi, zeros16, perm_lo, jvec],
                    v)
            return 0
        lax.fori_loop(0, (BBLK // 16) * 16, blk_body, 0, unroll=4)

    issue_gather(0, 0)

    NSTEP = L // PL

    def macro_body(i, _):
        for p in range(2):
            step = 2 * i + p
            slot = p
            other = 1 - p
            wait_gather(slot)
            @pl.when(i > 0)
            def _():
                wait_store(other)
            @pl.when(step + 1 < NSTEP)
            def _():
                issue_gather(step + 1, other)
            for half in range(PL):
                l = step * PL + half
                compute(l, slot, half)
                issue_store(l, slot, half)
        return 0

    lax.fori_loop(0, NSTEP // 2, macro_body, 0)

    for slot in range(NSLOT):
        wait_store(slot)


@jax.jit
def _tpe(xt, tok_table, pos_table):
    mesh = plsc.VectorSubcoreMesh(core_axis_name="c", subcore_axis_name="s")
    kern = functools.partial(
        pl.kernel,
        mesh=mesh,
        out_type=jax.ShapeDtypeStruct((L, 8, NUM_WORKERS, 8, 128),
                                      jnp.float32),
        scratch_types=[
            pltpu.VMEM((L // 2, BBLK), jnp.int32),
            pltpu.VMEM((L // PL, PL * BBLK), jnp.int32),
            pltpu.VMEM((L, HID), jnp.float32),
            pltpu.VMEM((NSLOT * PL * BBLK, HID), jnp.float32),
            pltpu.VMEM((NSLOT * PL * 8, 1, 8, 128), jnp.float32),
            pltpu.SemaphoreType.DMA,
            pltpu.SemaphoreType.DMA,
            pltpu.SemaphoreType.DMA,
            pltpu.SemaphoreType.DMA,
        ],
        compiler_params=pltpu.CompilerParams(use_tc_tiling_on_sc=False,
                                             needs_layout_passes=False),
    )(_sc_body)
    return kern(xt, tok_table, pos_table)


def kernel(x, tok_table, pos_table):
    xt = x.T.astype(jnp.int32)
    out5 = _tpe(xt, tok_table, pos_table)
    return out5.transpose(2, 4, 0, 1, 3).reshape(B, L, HID)

# --- scband reference (transcript-rebuilt; emitter-appended) ---
"""Pipeline reference for scband-token-position-embedder-5729486372950 (READ-ONLY COPY).

The authoritative reference and input builder live on the scoring server;
editing this copy changes nothing except your own understanding.
"""

import jax, jax.numpy as jnp
import numpy as np

VOCAB = 1000000
MAX_SEQ = 2048
HID = 64
B = 4096
L = 200

def setup_inputs(seed: int = 0) -> dict:
    key = jax.random.key(seed)
    k1, k2, k3 = jax.random.split(key, 3)
    x = jax.random.randint(k1, (B, L), 0, VOCAB, dtype=jnp.int64 if jax.config.jax_enable_x64 else jnp.int32)
    tok_table = jax.random.normal(k2, (VOCAB, HID), dtype=jnp.float32) * 0.02
    pos_table = jax.random.normal(k3, (MAX_SEQ, HID), dtype=jnp.float32) * 0.02
    return {"x": x, "tok_table": tok_table, "pos_table": pos_table}

def reference(x, tok_table, pos_table):
    # positions = arange(L) expanded over batch
    positions = jnp.arange(x.shape[1])
    tok = jnp.take(tok_table, x, axis=0)              # [B, L, HID]
    pos = jnp.take(pos_table, positions, axis=0)      # [L, HID]
    return tok + pos[None, :, :]

if __name__ == "__main__":
    import jax
    _d = setup_inputs()
    print(jax.jit(kernel)(*tuple(_d.values())))

</pallas_src>

<mosaic_0001>
#map = affine_map<(d0, d1) -> (0, 0)>
#map1 = affine_map<(d0, d1) -> (0, 0, 0, 0, 0)>
module attributes {stable_mosaic.version = 14 : i64} {
  func.func @_sc_body(%arg0: i32, %arg1: i32, %arg2: memref<200x4096xi32, #tpu.memory_space<hbm>>, %arg3: memref<1000000x64xf32, #tpu.memory_space<hbm>>, %arg4: memref<2048x64xf32, #tpu.memory_space<hbm>>, %arg5: memref<200x8x32x8x128xf32, #tpu.memory_space<hbm>>, %arg6: memref<100x128xi32, #tpu.memory_space<vmem>>, %arg7: memref<100x256xi32, #tpu.memory_space<vmem>>, %arg8: memref<200x64xf32, #tpu.memory_space<vmem>>, %arg9: memref<512x64xf32, #tpu.memory_space<vmem>>, %arg10: memref<32x1x8x128xf32, #tpu.memory_space<vmem>>, %arg11: memref<!tpu.dma_semaphore, #tpu.memory_space<semaphore_mem>>, %arg12: memref<!tpu.dma_semaphore, #tpu.memory_space<semaphore_mem>>, %arg13: memref<!tpu.dma_semaphore, #tpu.memory_space<semaphore_mem>>, %arg14: memref<!tpu.dma_semaphore, #tpu.memory_space<semaphore_mem>>) attributes {dimension_semantics = [#tpu.dimension_semantics<core_parallel>, #tpu.dimension_semantics<subcore_parallel>], iteration_bounds = array<i64: 2, 16>, scalar_prefetch = 0 : i64, scratch_operands = 9 : i64, tpu.core_type = #tpu.core_type<sc_vector_subcore>, window_params = [{transform_indices = #map}, {transform_indices = #map}, {transform_indices = #map}, {transform_indices = #map1}]} {
    %mul3A = arith.constant 2 : i32
    %mul3A_0 = arith.muli %arg1, %mul3A : i32
    %add3A = arith.addi %mul3A_0, %arg0 : i32
    "tpu.region"() ({
      %run_scoped3A = tpu.sem_alloc : memref<!tpu.dma_semaphore, #tpu.memory_space<semaphore_mem>>
      %dma_start3A_128 = arith.constant 0 : i32
      %dma_start3A_129 = arith.constant 0 : i32
      %dma_start3A_130 = tpu.memref_slice %arg4[%dma_start3A_128, %dma_start3A_129] : memref<2048x64xf32, #tpu.memory_space<hbm>> -> memref<200x64xf32, #tpu.memory_space<hbm>>
      %dma_start3A_131 = arith.constant 0 : i32
      %dma_start3A_132 = arith.constant 0 : i32
      %dma_start3A_133 = tpu.memref_slice %arg4[%dma_start3A_131, %dma_start3A_132] : memref<2048x64xf32, #tpu.memory_space<hbm>> -> memref<200x64xf32, #tpu.memory_space<hbm>>
      tpu.enqueue_dma source(%dma_start3A_133 : memref<200x64xf32, #tpu.memory_space<hbm>>) target(%arg8 : memref<200x64xf32, #tpu.memory_space<vmem>>) target_semaphore(%run_scoped3A : memref<!tpu.dma_semaphore, #tpu.memory_space<semaphore_mem>>)
      %dma_wait3A_134 = arith.constant 0 : i32
      %dma_wait3A_135 = arith.constant 0 : i32
      %dma_wait3A_136 = tpu.memref_slice %arg4[%dma_wait3A_134, %dma_wait3A_135] : memref<2048x64xf32, #tpu.memory_space<hbm>> -> memref<200x64xf32, #tpu.memory_space<hbm>>
      %dma_wait3A_137 = arith.constant 0 : i32
      %dma_wait3A_138 = arith.constant 0 : i32
      %dma_wait3A_139 = tpu.memref_slice %arg4[%dma_wait3A_137, %dma_wait3A_138] : memref<2048x64xf32, #tpu.memory_space<hbm>> -> memref<200x64xf32, #tpu.memory_space<hbm>>
      tpu.wait_dma2 semaphore(%run_scoped3A : memref<!tpu.dma_semaphore, #tpu.memory_space<semaphore_mem>>) src(%dma_wait3A_139 : memref<200x64xf32, #tpu.memory_space<hbm>>) dst(%arg8 : memref<200x64xf32, #tpu.memory_space<vmem>>)
      tpu.yield
    }) : () -> ()
    %mul3A_1 = arith.constant 128 : i32
    %mul3A_2 = arith.muli %add3A, %mul3A_1 : i32
    "tpu.region"() ({
      %run_scoped3A = tpu.sem_alloc : memref<!tpu.dma_semaphore, #tpu.memory_space<semaphore_mem>>
      %dma_start3A_128 = arith.constant 0 : i32
      %dma_start3A_129 = tpu.memref_slice %arg2[%dma_start3A_128, %mul3A_2] : memref<200x4096xi32, #tpu.memory_space<hbm>> -> memref<100x128xi32, #tpu.memory_space<hbm>>
      %dma_start3A_130 = arith.constant 0 : i32
      %dma_start3A_131 = tpu.memref_slice %arg2[%dma_start3A_130, %mul3A_2] : memref<200x4096xi32, #tpu.memory_space<hbm>> -> memref<100x128xi32, #tpu.memory_space<hbm>>
      tpu.enqueue_dma source(%dma_start3A_131 : memref<100x128xi32, #tpu.memory_space<hbm>>) target(%arg6 : memref<100x128xi32, #tpu.memory_space<vmem>>) target_semaphore(%run_scoped3A : memref<!tpu.dma_semaphore, #tpu.memory_space<semaphore_mem>>)
      %dma_wait3A_132 = arith.constant 0 : i32
      %dma_wait3A_133 = tpu.memref_slice %arg2[%dma_wait3A_132, %mul3A_2] : memref<200x4096xi32, #tpu.memory_space<hbm>> -> memref<100x128xi32, #tpu.memory_space<hbm>>
      %dma_wait3A_134 = arith.constant 0 : i32
      %dma_wait3A_135 = tpu.memref_slice %arg2[%dma_wait3A_134, %mul3A_2] : memref<200x4096xi32, #tpu.memory_space<hbm>> -> memref<100x128xi32, #tpu.memory_space<hbm>>
      tpu.wait_dma2 semaphore(%run_scoped3A : memref<!tpu.dma_semaphore, #tpu.memory_space<semaphore_mem>>) src(%dma_wait3A_135 : memref<100x128xi32, #tpu.memory_space<hbm>>) dst(%arg6 : memref<100x128xi32, #tpu.memory_space<vmem>>)
      tpu.yield
    }) : () -> ()
    %scan3A = arith.constant 0 : i32
    %scan3A_3 = arith.constant 0 : i32
    %scan3A_4 = arith.constant 100 : i32
    %scan3A_5 = arith.addi %scan3A_3, %scan3A_4 : i32
    %scan3A_6 = arith.constant 1 : i32
    %scan3A_7 = scf.for %scan3A_128 = %scan3A_3 to %scan3A_5 step %scan3A_6 iter_args(%scan3A_129 = %scan3A) -> (i32)  : i32 {
      %add3A_130 = arith.constant 0 : i32
      %add3A_131 = arith.addi %add3A_130, %scan3A_128 : i32
      %jit3A = arith.constant 2 : i32
      %div3A = arith.divsi %add3A_131, %jit3A : i32
      %sign3A = arith.constant 0 : i32
      %sign3A_132 = arith.cmpi sgt, %add3A_131, %sign3A : i32
      %sign3A_133 = arith.extui %sign3A_132 : i1 to i32
      %sign3A_134 = arith.constant 0 : i32
      %sign3A_135 = arith.cmpi slt, %add3A_131, %sign3A_134 : i32
      %sign3A_136 = arith.extui %sign3A_135 : i1 to i32
      %sign3A_137 = arith.subi %sign3A_133, %sign3A_136 : i32
      %sign3A_138 = arith.constant 0 : i32
      %sign3A_139 = arith.cmpi sgt, %jit3A, %sign3A_138 : i32
      %sign3A_140 = arith.extui %sign3A_139 : i1 to i32
      %sign3A_141 = arith.constant 0 : i32
      %sign3A_142 = arith.cmpi slt, %jit3A, %sign3A_141 : i32
      %sign3A_143 = arith.extui %sign3A_142 : i1 to i32
      %sign3A_144 = arith.subi %sign3A_140, %sign3A_143 : i32
      %ne3A = arith.cmpi ne, %sign3A_137, %sign3A_144 : i32
      %rem3A = arith.remsi %add3A_131, %jit3A : i32
      %ne3A_145 = arith.constant 0 : i32
      %ne3A_146 = arith.cmpi ne, %rem3A, %ne3A_145 : i32
      %and3A = arith.andi %ne3A, %ne3A_146 : i1
      %sub3A = arith.constant 1 : i32
      %sub3A_147 = arith.subi %div3A, %sub3A : i32
      %select_n3A = arith.select %and3A, %sub3A_147, %div3A : i32
      %add3A_148 = arith.constant 0 : i32
      %add3A_149 = arith.addi %add3A_148, %scan3A_128 : i32
      %rem3A_150 = arith.constant 2 : i32
      %rem3A_151 = arith.remsi %add3A_149, %rem3A_150 : i32
      %mul3A_152 = arith.constant 128 : i32
      %mul3A_153 = arith.muli %rem3A_151, %mul3A_152 : i32
      %get3A = arith.index_cast %scan3A_128 : i32 to index
      %get3A_154 = arith.constant 0 : index
      %get3A_155 = tpu.vector_load %arg6[%get3A, %get3A_154] {strides = array<i32>} : memref<100x128xi32, #tpu.memory_space<vmem>>, vector<16xi32>,
      %add3A_156 = arith.constant 0 : i32
      %add3A_157 = arith.addi %mul3A_153, %add3A_156 : i32
      %swap3A = arith.index_cast %select_n3A : i32 to index
      %swap3A_158 = arith.index_cast %add3A_157 : i32 to index
      %swap3A_159 = tpu.vector_load %arg7[%swap3A, %swap3A_158] {strides = array<i32>} : memref<100x256xi32, #tpu.memory_space<vmem>>, vector<16xi32>,
      tpu.vector_store %arg7[%swap3A, %swap3A_158], %get3A_155 {strides = array<i32>} : memref<100x256xi32, #tpu.memory_space<vmem>>, vector<16xi32>,
      %get3A_160 = arith.index_cast %scan3A_128 : i32 to index
      %get3A_161 = arith.constant 16 : index
      %get3A_162 = tpu.vector_load %arg6[%get3A_160, %get3A_161] {strides = array<i32>} : memref<100x128xi32, #tpu.memory_space<vmem>>, vector<16xi32>,
      %add3A_163 = arith.constant 16 : i32
      %add3A_164 = arith.addi %mul3A_153, %add3A_163 : i32
      %swap3A_165 = arith.index_cast %select_n3A : i32 to index
      %swap3A_166 = arith.index_cast %add3A_164 : i32 to index
      %swap3A_167 = tpu.vector_load %arg7[%swap3A_165, %swap3A_166] {strides = array<i32>} : memref<100x256xi32, #tpu.memory_space<vmem>>, vector<16xi32>,
      tpu.vector_store %arg7[%swap3A_165, %swap3A_166], %get3A_162 {strides = array<i32>} : memref<100x256xi32, #tpu.memory_space<vmem>>, vector<16xi32>,
      %get3A_168 = arith.index_cast %scan3A_128 : i32 to index
      %get3A_169 = arith.constant 32 : index
      %get3A_170 = tpu.vector_load %arg6[%get3A_168, %get3A_169] {strides = array<i32>} : memref<100x128xi32, #tpu.memory_space<vmem>>, vector<16xi32>,
      %add3A_171 = arith.constant 32 : i32
      %add3A_172 = arith.addi %mul3A_153, %add3A_171 : i32
      %swap3A_173 = arith.index_cast %select_n3A : i32 to index
      %swap3A_174 = arith.index_cast %add3A_172 : i32 to index
      %swap3A_175 = tpu.vector_load %arg7[%swap3A_173, %swap3A_174] {strides = array<i32>} : memref<100x256xi32, #tpu.memory_space<vmem>>, vector<16xi32>,
      tpu.vector_store %arg7[%swap3A_173, %swap3A_174], %get3A_170 {strides = array<i32>} : memref<100x256xi32, #tpu.memory_space<vmem>>, vector<16xi32>,
      %get3A_176 = arith.index_cast %scan3A_128 : i32 to index
      %get3A_177 = arith.constant 48 : index
      %get3A_178 = tpu.vector_load %arg6[%get3A_176, %get3A_177] {strides = array<i32>} : memref<100x128xi32, #tpu.memory_space<vmem>>, vector<16xi32>,
      %add3A_179 = arith.constant 48 : i32
      %add3A_180 = arith.addi %mul3A_153, %add3A_179 : i32
      %swap3A_181 = arith.index_cast %select_n3A : i32 to index
      %swap3A_182 = arith.index_cast %add3A_180 : i32 to index
      %swap3A_183 = tpu.vector_load %arg7[%swap3A_181, %swap3A_182] {strides = array<i32>} : memref<100x256xi32, #tpu.memory_space<vmem>>, vector<16xi32>,
      tpu.vector_store %arg7[%swap3A_181, %swap3A_182], %get3A_178 {strides = array<i32>} : memref<100x256xi32, #tpu.memory_space<vmem>>, vector<16xi32>,
      %get3A_184 = arith.index_cast %scan3A_128 : i32 to index
      %get3A_185 = arith.constant 64 : index
      %get3A_186 = tpu.vector_load %arg6[%get3A_184, %get3A_185] {strides = array<i32>} : memref<100x128xi32, #tpu.memory_space<vmem>>, vector<16xi32>,
      %add3A_187 = arith.constant 64 : i32
      %add3A_188 = arith.addi %mul3A_153, %add3A_187 : i32
      %swap3A_189 = arith.index_cast %select_n3A : i32 to index
      %swap3A_190 = arith.index_cast %add3A_188 : i32 to index
      %swap3A_191 = tpu.vector_load %arg7[%swap3A_189, %swap3A_190] {strides = array<i32>} : memref<100x256xi32, #tpu.memory_space<vmem>>, vector<16xi32>,
      tpu.vector_store %arg7[%swap3A_189, %swap3A_190], %get3A_186 {strides = array<i32>} : memref<100x256xi32, #tpu.memory_space<vmem>>, vector<16xi32>,
      %get3A_192 = arith.index_cast %scan3A_128 : i32 to index
      %get3A_193 = arith.constant 80 : index
      %get3A_194 = tpu.vector_load %arg6[%get3A_192, %get3A_193] {strides = array<i32>} : memref<100x128xi32, #tpu.memory_space<vmem>>, vector<16xi32>,
      %add3A_195 = arith.constant 80 : i32
      %add3A_196 = arith.addi %mul3A_153, %add3A_195 : i32
      %swap3A_197 = arith.index_cast %select_n3A : i32 to index
      %swap3A_198 = arith.index_cast %add3A_196 : i32 to index
      %swap3A_199 = tpu.vector_load %arg7[%swap3A_197, %swap3A_198] {strides = array<i32>} : memref<100x256xi32, #tpu.memory_space<vmem>>, vector<16xi32>,
      tpu.vector_store %arg7[%swap3A_197, %swap3A_198], %get3A_194 {strides = array<i32>} : memref<100x256xi32, #tpu.memory_space<vmem>>, vector<16xi32>,
      %get3A_200 = arith.index_cast %scan3A_128 : i32 to index
      %get3A_201 = arith.constant 96 : index
      %get3A_202 = tpu.vector_load %arg6[%get3A_200, %get3A_201] {strides = array<i32>} : memref<100x128xi32, #tpu.memory_space<vmem>>, vector<16xi32>,
      %add3A_203 = arith.constant 96 : i32
      %add3A_204 = arith.addi %mul3A_153, %add3A_203 : i32
      %swap3A_205 = arith.index_cast %select_n3A : i32 to index
      %swap3A_206 = arith.index_cast %add3A_204 : i32 to index
      %swap3A_207 = tpu.vector_load %arg7[%swap3A_205, %swap3A_206] {strides = array<i32>} : memref<100x256xi32, #tpu.memory_space<vmem>>, vector<16xi32>,
      tpu.vector_store %arg7[%swap3A_205, %swap3A_206], %get3A_202 {strides = array<i32>} : memref<100x256xi32, #tpu.memory_space<vmem>>, vector<16xi32>,
      %get3A_208 = arith.index_cast %scan3A_128 : i32 to index
      %get3A_209 = arith.constant 112 : index
      %get3A_210 = tpu.vector_load %arg6[%get3A_208, %get3A_209] {strides = array<i32>} : memref<100x128xi32, #tpu.memory_space<vmem>>, vector<16xi32>,
      %add3A_211 = arith.constant 112 : i32
      %add3A_212 = arith.addi %mul3A_153, %add3A_211 : i32
      %swap3A_213 = arith.index_cast %select_n3A : i32 to index
      %swap3A_214 = arith.index_cast %add3A_212 : i32 to index
      %swap3A_215 = tpu.vector_load %arg7[%swap3A_213, %swap3A_214] {strides = array<i32>} : memref<100x256xi32, #tpu.memory_space<vmem>>, vector<16xi32>,
      tpu.vector_store %arg7[%swap3A_213, %swap3A_214], %get3A_210 {strides = array<i32>} : memref<100x256xi32, #tpu.memory_space<vmem>>, vector<16xi32>,
      %scan3A_216 = arith.constant 0 : i32
      scf.yield %scan3A_216 : i32
    }
    %scan3A_8 = arith.constant 100 : i32
    %mul3A_9 = arith.constant 128 : i32
    %mul3A_10 = arith.muli %add3A, %mul3A_9 : i32
    "tpu.region"() ({
      %run_scoped3A = tpu.sem_alloc : memref<!tpu.dma_semaphore, #tpu.memory_space<semaphore_mem>>
      %dma_start3A_128 = arith.constant 100 : i32
      %dma_start3A_129 = tpu.memref_slice %arg2[%dma_start3A_128, %mul3A_10] : memref<200x4096xi32, #tpu.memory_space<hbm>> -> memref<100x128xi32, #tpu.memory_space<hbm>>
      %dma_start3A_130 = arith.constant 100 : i32
      %dma_start3A_131 = tpu.memref_slice %arg2[%dma_start3A_130, %mul3A_10] : memref<200x4096xi32, #tpu.memory_space<hbm>> -> memref<100x128xi32, #tpu.memory_space<hbm>>
      tpu.enqueue_dma source(%dma_start3A_131 : memref<100x128xi32, #tpu.memory_space<hbm>>) target(%arg6 : memref<100x128xi32, #tpu.memory_space<vmem>>) target_semaphore(%run_scoped3A : memref<!tpu.dma_semaphore, #tpu.memory_space<semaphore_mem>>)
      %dma_wait3A_132 = arith.constant 100 : i32
      %dma_wait3A_133 = tpu.memref_slice %arg2[%dma_wait3A_132, %mul3A_10] : memref<200x4096xi32, #tpu.memory_space<hbm>> -> memref<100x128xi32, #tpu.memory_space<hbm>>
      %dma_wait3A_134 = arith.constant 100 : i32
      %dma_wait3A_135 = tpu.memref_slice %arg2[%dma_wait3A_134, %mul3A_10] : memref<200x4096xi32, #tpu.memory_space<hbm>> -> memref<100x128xi32, #tpu.memory_space<hbm>>
      tpu.wait_dma2 semaphore(%run_scoped3A : memref<!tpu.dma_semaphore, #tpu.memory_space<semaphore_mem>>) src(%dma_wait3A_135 : memref<100x128xi32, #tpu.memory_space<hbm>>) dst(%arg6 : memref<100x128xi32, #tpu.memory_space<vmem>>)
      tpu.yield
    }) : () -> ()
    %scan3A_11 = arith.constant 0 : i32
    %scan3A_12 = arith.constant 0 : i32
    %scan3A_13 = arith.constant 100 : i32
    %scan3A_14 = arith.addi %scan3A_12, %scan3A_13 : i32
    %scan3A_15 = arith.constant 1 : i32
    %scan3A_16 = scf.for %scan3A_128 = %scan3A_12 to %scan3A_14 step %scan3A_15 iter_args(%scan3A_129 = %scan3A_11) -> (i32)  : i32 {
      %add3A_130 = arith.constant 100 : i32
      %add3A_131 = arith.addi %add3A_130, %scan3A_128 : i32
      %jit3A = arith.constant 2 : i32
      %div3A = arith.divsi %add3A_131, %jit3A : i32
      %sign3A = arith.constant 0 : i32
      %sign3A_132 = arith.cmpi sgt, %add3A_131, %sign3A : i32
      %sign3A_133 = arith.extui %sign3A_132 : i1 to i32
      %sign3A_134 = arith.constant 0 : i32
      %sign3A_135 = arith.cmpi slt, %add3A_131, %sign3A_134 : i32
      %sign3A_136 = arith.extui %sign3A_135 : i1 to i32
      %sign3A_137 = arith.subi %sign3A_133, %sign3A_136 : i32
      %sign3A_138 = arith.constant 0 : i32
      %sign3A_139 = arith.cmpi sgt, %jit3A, %sign3A_138 : i32
      %sign3A_140 = arith.extui %sign3A_139 : i1 to i32
      %sign3A_141 = arith.constant 0 : i32
      %sign3A_142 = arith.cmpi slt, %jit3A, %sign3A_141 : i32
      %sign3A_143 = arith.extui %sign3A_142 : i1 to i32
      %sign3A_144 = arith.subi %sign3A_140, %sign3A_143 : i32
      %ne3A = arith.cmpi ne, %sign3A_137, %sign3A_144 : i32
      %rem3A = arith.remsi %add3A_131, %jit3A : i32
      %ne3A_145 = arith.constant 0 : i32
      %ne3A_146 = arith.cmpi ne, %rem3A, %ne3A_145 : i32
      %and3A = arith.andi %ne3A, %ne3A_146 : i1
      %sub3A = arith.constant 1 : i32
      %sub3A_147 = arith.subi %div3A, %sub3A : i32
      %select_n3A = arith.select %and3A, %sub3A_147, %div3A : i32
      %add3A_148 = arith.constant 100 : i32
      %add3A_149 = arith.addi %add3A_148, %scan3A_128 : i32
      %rem3A_150 = arith.constant 2 : i32
      %rem3A_151 = arith.remsi %add3A_149, %rem3A_150 : i32
      %mul3A_152 = arith.constant 128 : i32
      %mul3A_153 = arith.muli %rem3A_151, %mul3A_152 : i32
      %get3A = arith.index_cast %scan3A_128 : i32 to index
      %get3A_154 = arith.constant 0 : index
      %get3A_155 = tpu.vector_load %arg6[%get3A, %get3A_154] {strides = array<i32>} : memref<100x128xi32, #tpu.memory_space<vmem>>, vector<16xi32>,
      %add3A_156 = arith.constant 0 : i32
      %add3A_157 = arith.addi %mul3A_153, %add3A_156 : i32
      %swap3A = arith.index_cast %select_n3A : i32 to index
      %swap3A_158 = arith.index_cast %add3A_157 : i32 to index
      %swap3A_159 = tpu.vector_load %arg7[%swap3A, %swap3A_158] {strides = array<i32>} : memref<100x256xi32, #tpu.memory_space<vmem>>, vector<16xi32>,
      tpu.vector_store %arg7[%swap3A, %swap3A_158], %get3A_155 {strides = array<i32>} : memref<100x256xi32, #tpu.memory_space<vmem>>, vector<16xi32>,
      %get3A_160 = arith.index_cast %scan3A_128 : i32 to index
      %get3A_161 = arith.constant 16 : index
      %get3A_162 = tpu.vector_load %arg6[%get3A_160, %get3A_161] {strides = array<i32>} : memref<100x128xi32, #tpu.memory_space<vmem>>, vector<16xi32>,
      %add3A_163 = arith.constant 16 : i32
      %add3A_164 = arith.addi %mul3A_153, %add3A_163 : i32
      %swap3A_165 = arith.index_cast %select_n3A : i32 to index
      %swap3A_166 = arith.index_cast %add3A_164 : i32 to index
      %swap3A_167 = tpu.vector_load %arg7[%swap3A_165, %swap3A_166] {strides = array<i32>} : memref<100x256xi32, #tpu.memory_space<vmem>>, vector<16xi32>,
      tpu.vector_store %arg7[%swap3A_165, %swap3A_166], %get3A_162 {strides = array<i32>} : memref<100x256xi32, #tpu.memory_space<vmem>>, vector<16xi32>,
      %get3A_168 = arith.index_cast %scan3A_128 : i32 to index
      %get3A_169 = arith.constant 32 : index
      %get3A_170 = tpu.vector_load %arg6[%get3A_168, %get3A_169] {strides = array<i32>} : memref<100x128xi32, #tpu.memory_space<vmem>>, vector<16xi32>,
      %add3A_171 = arith.constant 32 : i32
      %add3A_172 = arith.addi %mul3A_153, %add3A_171 : i32
      %swap3A_173 = arith.index_cast %select_n3A : i32 to index
      %swap3A_174 = arith.index_cast %add3A_172 : i32 to index
      %swap3A_175 = tpu.vector_load %arg7[%swap3A_173, %swap3A_174] {strides = array<i32>} : memref<100x256xi32, #tpu.memory_space<vmem>>, vector<16xi32>,
      tpu.vector_store %arg7[%swap3A_173, %swap3A_174], %get3A_170 {strides = array<i32>} : memref<100x256xi32, #tpu.memory_space<vmem>>, vector<16xi32>,
      %get3A_176 = arith.index_cast %scan3A_128 : i32 to index
      %get3A_177 = arith.constant 48 : index
      %get3A_178 = tpu.vector_load %arg6[%get3A_176, %get3A_177] {strides = array<i32>} : memref<100x128xi32, #tpu.memory_space<vmem>>, vector<16xi32>,
      %add3A_179 = arith.constant 48 : i32
      %add3A_180 = arith.addi %mul3A_153, %add3A_179 : i32
      %swap3A_181 = arith.index_cast %select_n3A : i32 to index
      %swap3A_182 = arith.index_cast %add3A_180 : i32 to index
      %swap3A_183 = tpu.vector_load %arg7[%swap3A_181, %swap3A_182] {strides = array<i32>} : memref<100x256xi32, #tpu.memory_space<vmem>>, vector<16xi32>,
      tpu.vector_store %arg7[%swap3A_181, %swap3A_182], %get3A_178 {strides = array<i32>} : memref<100x256xi32, #tpu.memory_space<vmem>>, vector<16xi32>,
      %get3A_184 = arith.index_cast %scan3A_128 : i32 to index
      %get3A_185 = arith.constant 64 : index
      %get3A_186 = tpu.vector_load %arg6[%get3A_184, %get3A_185] {strides = array<i32>} : memref<100x128xi32, #tpu.memory_space<vmem>>, vector<16xi32>,
      %add3A_187 = arith.constant 64 : i32
      %add3A_188 = arith.addi %mul3A_153, %add3A_187 : i32
      %swap3A_189 = arith.index_cast %select_n3A : i32 to index
      %swap3A_190 = arith.index_cast %add3A_188 : i32 to index
      %swap3A_191 = tpu.vector_load %arg7[%swap3A_189, %swap3A_190] {strides = array<i32>} : memref<100x256xi32, #tpu.memory_space<vmem>>, vector<16xi32>,
      tpu.vector_store %arg7[%swap3A_189, %swap3A_190], %get3A_186 {strides = array<i32>} : memref<100x256xi32, #tpu.memory_space<vmem>>, vector<16xi32>,
      %get3A_192 = arith.index_cast %scan3A_128 : i32 to index
      %get3A_193 = arith.constant 80 : index
      %get3A_194 = tpu.vector_load %arg6[%get3A_192, %get3A_193] {strides = array<i32>} : memref<100x128xi32, #tpu.memory_space<vmem>>, vector<16xi32>,
      %add3A_195 = arith.constant 80 : i32
      %add3A_196 = arith.addi %mul3A_153, %add3A_195 : i32
      %swap3A_197 = arith.index_cast %select_n3A : i32 to index
      %swap3A_198 = arith.index_cast %add3A_196 : i32 to index
      %swap3A_199 = tpu.vector_load %arg7[%swap3A_197, %swap3A_198] {strides = array<i32>} : memref<100x256xi32, #tpu.memory_space<vmem>>, vector<16xi32>,
      tpu.vector_store %arg7[%swap3A_197, %swap3A_198], %get3A_194 {strides = array<i32>} : memref<100x256xi32, #tpu.memory_space<vmem>>, vector<16xi32>,
      %get3A_200 = arith.index_cast %scan3A_128 : i32 to index
      %get3A_201 = arith.constant 96 : index
      %get3A_202 = tpu.vector_load %arg6[%get3A_200, %get3A_201] {strides = array<i32>} : memref<100x128xi32, #tpu.memory_space<vmem>>, vector<16xi32>,
      %add3A_203 = arith.constant 96 : i32
      %add3A_204 = arith.addi %mul3A_153, %add3A_203 : i32
      %swap3A_205 = arith.index_cast %select_n3A : i32 to index
      %swap3A_206 = arith.index_cast %add3A_204 : i32 to index
      %swap3A_207 = tpu.vector_load %arg7[%swap3A_205, %swap3A_206] {strides = array<i32>} : memref<100x256xi32, #tpu.memory_space<vmem>>, vector<16xi32>,
      tpu.vector_store %arg7[%swap3A_205, %swap3A_206], %get3A_202 {strides = array<i32>} : memref<100x256xi32, #tpu.memory_space<vmem>>, vector<16xi32>,
      %get3A_208 = arith.index_cast %scan3A_128 : i32 to index
      %get3A_209 = arith.constant 112 : index
      %get3A_210 = tpu.vector_load %arg6[%get3A_208, %get3A_209] {strides = array<i32>} : memref<100x128xi32, #tpu.memory_space<vmem>>, vector<16xi32>,
      %add3A_211 = arith.constant 112 : i32
      %add3A_212 = arith.addi %mul3A_153, %add3A_211 : i32
      %swap3A_213 = arith.index_cast %select_n3A : i32 to index
      %swap3A_214 = arith.index_cast %add3A_212 : i32 to index
      %swap3A_215 = tpu.vector_load %arg7[%swap3A_213, %swap3A_214] {strides = array<i32>} : memref<100x256xi32, #tpu.memory_space<vmem>>, vector<16xi32>,
      tpu.vector_store %arg7[%swap3A_213, %swap3A_214], %get3A_210 {strides = array<i32>} : memref<100x256xi32, #tpu.memory_space<vmem>>, vector<16xi32>,
      %scan3A_216 = arith.constant 0 : i32
      scf.yield %scan3A_216 : i32
    }
    %scan3A_17 = arith.constant 100 : i32
    %iota3A = tpu.iota {dimensions = array<i32: 0>} : vector<16xi32>
    %mul3A_18 = arith.constant 0 : i32
    %mul3A_19 = vector.broadcast %mul3A_18 : i32 to vector<16xi32>
    %mul3A_20 = arith.muli %iota3A, %mul3A_19 : vector<16xi32>
    %dma_start3A = arith.constant 0 : i32
    %dma_start3A_21 = arith.constant 0 : i32
    %dma_start3A_22 = arith.constant 0 : i32
    %dma_start3A_23 = tpu.memref_slice %arg9[%dma_start3A_21, %dma_start3A_22] : memref<512x64xf32, #tpu.memory_space<vmem>> -> memref<256x64xf32, #tpu.memory_space<vmem>>
    %dma_start3A_24 = arith.constant 0 : i32
    %dma_start3A_25 = tpu.memref_slice %arg7[%dma_start3A, %dma_start3A_24] : memref<100x256xi32, #tpu.memory_space<vmem>> -> memref<1x256xi32, #tpu.memory_space<vmem>>
    %dma_start3A_26 = tpu.memref_squeeze %dma_start3A_25 : memref<1x256xi32, #tpu.memory_space<vmem>> -> memref<256xi32, #tpu.memory_space<vmem>>
    %dma_start3A_27 = arith.constant 0 : i32
    %dma_start3A_28 = arith.constant 0 : i32
    %dma_start3A_29 = tpu.memref_slice %arg3[%dma_start3A_27, %dma_start3A_28] : memref<1000000x64xf32, #tpu.memory_space<hbm>> -> memref<1000000x64xf32, #tpu.memory_space<hbm>>
    tpu.enqueue_indirect_dma source(%dma_start3A_29 : memref<1000000x64xf32, #tpu.memory_space<hbm>>) target(%dma_start3A_23 : memref<256x64xf32, #tpu.memory_space<vmem>>) offsets(%dma_start3A_26 : memref<256xi32, #tpu.memory_space<vmem>>) semaphore(%arg11 : memref<!tpu.dma_semaphore, #tpu.memory_space<semaphore_mem>>)
    %scan3A_30 = arith.constant 0 : i32
    %scan3A_31 = arith.constant 0 : i32
    %scan3A_32 = arith.constant 50 : i32
    %scan3A_33 = arith.addi %scan3A_31, %scan3A_32 : i32
    %scan3A_34 = arith.constant 1 : i32
    %scan3A_35 = scf.for %scan3A_128 = %scan3A_31 to %scan3A_33 step %scan3A_34 iter_args(%scan3A_129 = %scan3A_30) -> (i32)  : i32 {
      %mul3A_130 = arith.constant 2 : i32
      %mul3A_131 = arith.muli %mul3A_130, %scan3A_128 : i32
      %add3A_132 = arith.constant 0 : i32
      %add3A_133 = arith.addi %mul3A_131, %add3A_132 : i32
      %dma_wait3A_134 = arith.constant 0 : i32
      %dma_wait3A_135 = arith.constant 0 : i32
      %dma_wait3A_136 = arith.constant 0 : i32
      %dma_wait3A_137 = tpu.memref_slice %arg9[%dma_wait3A_135, %dma_wait3A_136] : memref<512x64xf32, #tpu.memory_space<vmem>> -> memref<256x64xf32, #tpu.memory_space<vmem>>
      %dma_wait3A_138 = arith.constant 0 : i32
      %dma_wait3A_139 = tpu.memref_slice %arg7[%dma_wait3A_134, %dma_wait3A_138] : memref<100x256xi32, #tpu.memory_space<vmem>> -> memref<1x256xi32, #tpu.memory_space<vmem>>
      %dma_wait3A_140 = tpu.memref_squeeze %dma_wait3A_139 : memref<1x256xi32, #tpu.memory_space<vmem>> -> memref<256xi32, #tpu.memory_space<vmem>>
      %dma_wait3A_141 = arith.constant 0 : i32
      %dma_wait3A_142 = arith.constant 0 : i32
      %dma_wait3A_143 = tpu.memref_slice %arg3[%dma_wait3A_141, %dma_wait3A_142] : memref<1000000x64xf32, #tpu.memory_space<hbm>> -> memref<1000000x64xf32, #tpu.memory_space<hbm>>
      tpu.wait_indirect_dma semaphore(%arg11 : memref<!tpu.dma_semaphore, #tpu.memory_space<semaphore_mem>>) src(%dma_wait3A_143 : memref<1000000x64xf32, #tpu.memory_space<hbm>>) dst(%dma_wait3A_137 : memref<256x64xf32, #tpu.memory_space<vmem>>)
      %gt3A = arith.constant 0 : i32
      %gt3A_144 = arith.cmpi sgt, %scan3A_128, %gt3A : i32
      %convert_element_type3A = arith.extui %gt3A_144 : i1 to i32
      %cond3A = arith.constant 0 : i32
      %cond3A_145 = arith.cmpi ne, %convert_element_type3A, %cond3A : i32
      scf.if %cond3A_145 {
        %dma_wait3A_378 = arith.constant 0 : i32
        %dma_wait3A_379 = arith.constant 0 : i32
        %dma_wait3A_380 = arith.constant 0 : i32
        %dma_wait3A_381 = arith.constant 0 : i32
        %dma_wait3A_382 = arith.constant 0 : i32
        %dma_wait3A_383 = tpu.memref_slice %arg10[%dma_wait3A_379, %dma_wait3A_380, %dma_wait3A_381, %dma_wait3A_382] : memref<32x1x8x128xf32, #tpu.memory_space<vmem>> -> memref<8x1x8x128xf32, #tpu.memory_space<vmem>>
        %dma_wait3A_384 = arith.constant 0 : i32
        %dma_wait3A_385 = arith.constant 0 : i32
        %dma_wait3A_386 = arith.constant 0 : i32
        %dma_wait3A_387 = arith.constant 0 : i32
        %dma_wait3A_388 = tpu.memref_slice %arg5[%dma_wait3A_378, %dma_wait3A_384, %dma_wait3A_385, %dma_wait3A_386, %dma_wait3A_387] : memref<200x8x32x8x128xf32, #tpu.memory_space<hbm>> -> memref<1x8x1x8x128xf32, #tpu.memory_space<hbm>>
        %dma_wait3A_389 = tpu.memref_squeeze %dma_wait3A_388 : memref<1x8x1x8x128xf32, #tpu.memory_space<hbm>> -> memref<8x1x8x128xf32, #tpu.memory_space<hbm>>
        %dma_wait3A_390 = arith.constant 0 : i32
        %dma_wait3A_391 = arith.constant 0 : i32
        %dma_wait3A_392 = arith.constant 0 : i32
        %dma_wait3A_393 = arith.constant 0 : i32
        %dma_wait3A_394 = tpu.memref_slice %arg5[%dma_wait3A_378, %dma_wait3A_390, %dma_wait3A_391, %dma_wait3A_392, %dma_wait3A_393] : memref<200x8x32x8x128xf32, #tpu.memory_space<hbm>> -> memref<1x8x1x8x128xf32, #tpu.memory_space<hbm>>
        %dma_wait3A_395 = tpu.memref_squeeze %dma_wait3A_394 : memref<1x8x1x8x128xf32, #tpu.memory_space<hbm>> -> memref<8x1x8x128xf32, #tpu.memory_space<hbm>>
        %dma_wait3A_396 = arith.constant 0 : i32
        %dma_wait3A_397 = arith.constant 0 : i32
        %dma_wait3A_398 = arith.constant 0 : i32
        %dma_wait3A_399 = arith.constant 0 : i32
        %dma_wait3A_400 = tpu.memref_slice %arg10[%dma_wait3A_396, %dma_wait3A_397, %dma_wait3A_398, %dma_wait3A_399] : memref<32x1x8x128xf32, #tpu.memory_space<vmem>> -> memref<8x1x8x128xf32, #tpu.memory_space<vmem>>
        tpu.wait_dma2 semaphore(%arg14 : memref<!tpu.dma_semaphore, #tpu.memory_space<semaphore_mem>>) src(%dma_wait3A_400 : memref<8x1x8x128xf32, #tpu.memory_space<vmem>>) dst(%dma_wait3A_395 : memref<8x1x8x128xf32, #tpu.memory_space<hbm>>)
        %dma_wait3A_401 = arith.constant 0 : i32
        %dma_wait3A_402 = arith.constant 0 : i32
        %dma_wait3A_403 = arith.constant 0 : i32
        %dma_wait3A_404 = arith.constant 0 : i32
        %dma_wait3A_405 = arith.constant 0 : i32
        %dma_wait3A_406 = tpu.memref_slice %arg10[%dma_wait3A_402, %dma_wait3A_403, %dma_wait3A_404, %dma_wait3A_405] : memref<32x1x8x128xf32, #tpu.memory_space<vmem>> -> memref<8x1x8x128xf32, #tpu.memory_space<vmem>>
        %dma_wait3A_407 = arith.constant 0 : i32
        %dma_wait3A_408 = arith.constant 0 : i32
        %dma_wait3A_409 = arith.constant 0 : i32
        %dma_wait3A_410 = arith.constant 0 : i32
        %dma_wait3A_411 = tpu.memref_slice %arg5[%dma_wait3A_401, %dma_wait3A_407, %dma_wait3A_408, %dma_wait3A_409, %dma_wait3A_410] : memref<200x8x32x8x128xf32, #tpu.memory_space<hbm>> -> memref<1x8x1x8x128xf32, #tpu.memory_space<hbm>>
        %dma_wait3A_412 = tpu.memref_squeeze %dma_wait3A_411 : memref<1x8x1x8x128xf32, #tpu.memory_space<hbm>> -> memref<8x1x8x128xf32, #tpu.memory_space<hbm>>
        %dma_wait3A_413 = arith.constant 0 : i32
        %dma_wait3A_414 = arith.constant 0 : i32
        %dma_wait3A_415 = arith.constant 0 : i32
        %dma_wait3A_416 = arith.constant 0 : i32
        %dma_wait3A_417 = tpu.memref_slice %arg5[%dma_wait3A_401, %dma_wait3A_413, %dma_wait3A_414, %dma_wait3A_415, %dma_wait3A_416] : memref<200x8x32x8x128xf32, #tpu.memory_space<hbm>> -> memref<1x8x1x8x128xf32, #tpu.memory_space<hbm>>
        %dma_wait3A_418 = tpu.memref_squeeze %dma_wait3A_417 : memref<1x8x1x8x128xf32, #tpu.memory_space<hbm>> -> memref<8x1x8x128xf32, #tpu.memory_space<hbm>>
        %dma_wait3A_419 = arith.constant 0 : i32
        %dma_wait3A_420 = arith.constant 0 : i32
        %dma_wait3A_421 = arith.constant 0 : i32
        %dma_wait3A_422 = arith.constant 0 : i32
        %dma_wait3A_423 = tpu.memref_slice %arg10[%dma_wait3A_419, %dma_wait3A_420, %dma_wait3A_421, %dma_wait3A_422] : memref<32x1x8x128xf32, #tpu.memory_space<vmem>> -> memref<8x1x8x128xf32, #tpu.memory_space<vmem>>
        tpu.wait_dma2 semaphore(%arg14 : memref<!tpu.dma_semaphore, #tpu.memory_space<semaphore_mem>>) src(%dma_wait3A_423 : memref<8x1x8x128xf32, #tpu.memory_space<vmem>>) dst(%dma_wait3A_418 : memref<8x1x8x128xf32, #tpu.memory_space<hbm>>)
      } else {
      }
      %add3A_146 = arith.constant 1 : i32
      %add3A_147 = arith.addi %add3A_133, %add3A_146 : i32
      %lt3A = arith.constant 100 : i32
      %lt3A_148 = arith.cmpi slt, %add3A_147, %lt3A : i32
      %convert_element_type3A_149 = arith.extui %lt3A_148 : i1 to i32
      %cond3A_150 = arith.constant 0 : i32
      %cond3A_151 = arith.cmpi ne, %convert_element_type3A_149, %cond3A_150 : i32
      scf.if %cond3A_151 {
        %add3A_378 = arith.constant 1 : i32
        %add3A_379 = arith.addi %add3A_133, %add3A_378 : i32
        %dma_start3A_380 = arith.constant 256 : i32
        %dma_start3A_381 = arith.constant 0 : i32
        %dma_start3A_382 = tpu.memref_slice %arg9[%dma_start3A_380, %dma_start3A_381] : memref<512x64xf32, #tpu.memory_space<vmem>> -> memref<256x64xf32, #tpu.memory_space<vmem>>
        %dma_start3A_383 = arith.constant 0 : i32
        %dma_start3A_384 = tpu.memref_slice %arg7[%add3A_379, %dma_start3A_383] : memref<100x256xi32, #tpu.memory_space<vmem>> -> memref<1x256xi32, #tpu.memory_space<vmem>>
        %dma_start3A_385 = tpu.memref_squeeze %dma_start3A_384 : memref<1x256xi32, #tpu.memory_space<vmem>> -> memref<256xi32, #tpu.memory_space<vmem>>
        %dma_start3A_386 = arith.constant 0 : i32
        %dma_start3A_387 = arith.constant 0 : i32
        %dma_start3A_388 = tpu.memref_slice %arg3[%dma_start3A_386, %dma_start3A_387] : memref<1000000x64xf32, #tpu.memory_space<hbm>> -> memref<1000000x64xf32, #tpu.memory_space<hbm>>
        tpu.enqueue_indirect_dma source(%dma_start3A_388 : memref<1000000x64xf32, #tpu.memory_space<hbm>>) target(%dma_start3A_382 : memref<256x64xf32, #tpu.memory_space<vmem>>) offsets(%dma_start3A_385 : memref<256xi32, #tpu.memory_space<vmem>>) semaphore(%arg12 : memref<!tpu.dma_semaphore, #tpu.memory_space<semaphore_mem>>)
      } else {
      }
      %mul3A_152 = arith.constant 2 : i32
      %mul3A_153 = arith.muli %add3A_133, %mul3A_152 : i32
      %add3A_154 = arith.constant 0 : i32
      %add3A_155 = arith.addi %mul3A_153, %add3A_154 : i32
      %get3A = arith.index_cast %add3A_155 : i32 to index
      %get3A_156 = arith.constant 0 : index
      %get3A_157 = tpu.vector_load %arg8[%get3A, %get3A_156] {strides = array<i32>} : memref<200x64xf32, #tpu.memory_space<vmem>>, vector<16xf32>,
      %get3A_158 = arith.index_cast %add3A_155 : i32 to index
      %get3A_159 = arith.constant 16 : index
      %get3A_160 = tpu.vector_load %arg8[%get3A_158, %get3A_159] {strides = array<i32>} : memref<200x64xf32, #tpu.memory_space<vmem>>, vector<16xf32>,
      %get3A_161 = arith.index_cast %add3A_155 : i32 to index
      %get3A_162 = arith.constant 32 : index
      %get3A_163 = tpu.vector_load %arg8[%get3A_161, %get3A_162] {strides = array<i32>} : memref<200x64xf32, #tpu.memory_space<vmem>>, vector<16xf32>,
      %get3A_164 = arith.index_cast %add3A_155 : i32 to index
      %get3A_165 = arith.constant 48 : index
      %get3A_166 = tpu.vector_load %arg8[%get3A_164, %get3A_165] {strides = array<i32>} : memref<200x64xf32, #tpu.memory_space<vmem>>, vector<16xf32>,
      %scan3A_167 = arith.constant 0 : i32
      %scan3A_168 = arith.constant 0 : i32
      %scan3A_169 = arith.constant 128 : i32
      %scan3A_170 = arith.addi %scan3A_168, %scan3A_169 : i32
      %scan3A_171 = arith.constant 4 : i32
      %scan3A_172 = scf.for %scan3A_378 = %scan3A_168 to %scan3A_170 step %scan3A_171 iter_args(%scan3A_379 = %scan3A_167) -> (i32)  : i32 {
        %add3A_380 = arith.constant 0 : i32
        %add3A_381 = arith.addi %add3A_380, %scan3A_378 : i32
        %get3A_382 = arith.index_cast %add3A_381 : i32 to index
        %get3A_383 = arith.constant 0 : index
        %get3A_384 = tpu.vector_load %arg9[%get3A_382, %get3A_383] {strides = array<i32>} : memref<512x64xf32, #tpu.memory_space<vmem>>, vector<16xf32>,
        %add3A_385 = arith.addf %get3A_384, %get3A_157 : vector<16xf32>
        %add3A_386 = arith.constant 0 : i32
        %add3A_387 = arith.addi %add3A_386, %scan3A_378 : i32
        %swap3A = arith.index_cast %add3A_387 : i32 to index
        %swap3A_388 = arith.constant 0 : index
        %swap3A_389 = tpu.vector_load %arg9[%swap3A, %swap3A_388] {strides = array<i32>} : memref<512x64xf32, #tpu.memory_space<vmem>>, vector<16xf32>,
        tpu.vector_store %arg9[%swap3A, %swap3A_388], %add3A_385 {strides = array<i32>} : memref<512x64xf32, #tpu.memory_space<vmem>>, vector<16xf32>,
        %add3A_390 = arith.constant 0 : i32
        %add3A_391 = arith.addi %add3A_390, %scan3A_378 : i32
        %get3A_392 = arith.index_cast %add3A_391 : i32 to index
        %get3A_393 = arith.constant 16 : index
        %get3A_394 = tpu.vector_load %arg9[%get3A_392, %get3A_393] {strides = array<i32>} : memref<512x64xf32, #tpu.memory_space<vmem>>, vector<16xf32>,
        %add3A_395 = arith.addf %get3A_394, %get3A_160 : vector<16xf32>
        %add3A_396 = arith.constant 0 : i32
        %add3A_397 = arith.addi %add3A_396, %scan3A_378 : i32
        %swap3A_398 = arith.index_cast %add3A_397 : i32 to index
        %swap3A_399 = arith.constant 16 : index
        %swap3A_400 = tpu.vector_load %arg9[%swap3A_398, %swap3A_399] {strides = array<i32>} : memref<512x64xf32, #tpu.memory_space<vmem>>, vector<16xf32>,
        tpu.vector_store %arg9[%swap3A_398, %swap3A_399], %add3A_395 {strides = array<i32>} : memref<512x64xf32, #tpu.memory_space<vmem>>, vector<16xf32>,
        %add3A_401 = arith.constant 0 : i32
        %add3A_402 = arith.addi %add3A_401, %scan3A_378 : i32
        %get3A_403 = arith.index_cast %add3A_402 : i32 to index
        %get3A_404 = arith.constant 32 : index
        %get3A_405 = tpu.vector_load %arg9[%get3A_403, %get3A_404] {strides = array<i32>} : memref<512x64xf32, #tpu.memory_space<vmem>>, vector<16xf32>,
        %add3A_406 = arith.addf %get3A_405, %get3A_163 : vector<16xf32>
        %add3A_407 = arith.constant 0 : i32
        %add3A_408 = arith.addi %add3A_407, %scan3A_378 : i32
        %swap3A_409 = arith.index_cast %add3A_408 : i32 to index
        %swap3A_410 = arith.constant 32 : index
        %swap3A_411 = tpu.vector_load %arg9[%swap3A_409, %swap3A_410] {strides = array<i32>} : memref<512x64xf32, #tpu.memory_space<vmem>>, vector<16xf32>,
        tpu.vector_store %arg9[%swap3A_409, %swap3A_410], %add3A_406 {strides = array<i32>} : memref<512x64xf32, #tpu.memory_space<vmem>>, vector<16xf32>,
        %add3A_412 = arith.constant 0 : i32
        %add3A_413 = arith.addi %add3A_412, %scan3A_378 : i32
        %get3A_414 = arith.index_cast %add3A_413 : i32 to index
        %get3A_415 = arith.constant 48 : index
        %get3A_416 = tpu.vector_load %arg9[%get3A_414, %get3A_415] {strides = array<i32>} : memref<512x64xf32, #tpu.memory_space<vmem>>, vector<16xf32>,
        %add3A_417 = arith.addf %get3A_416, %get3A_166 : vector<16xf32>
        %add3A_418 = arith.constant 0 : i32
        %add3A_419 = arith.addi %add3A_418, %scan3A_378 : i32
        %swap3A_420 = arith.index_cast %add3A_419 : i32 to index
        %swap3A_421 = arith.constant 48 : index
        %swap3A_422 = tpu.vector_load %arg9[%swap3A_420, %swap3A_421] {strides = array<i32>} : memref<512x64xf32, #tpu.memory_space<vmem>>, vector<16xf32>,
        tpu.vector_store %arg9[%swap3A_420, %swap3A_421], %add3A_417 {strides = array<i32>} : memref<512x64xf32, #tpu.memory_space<vmem>>, vector<16xf32>,
        %scan3A_423 = arith.constant 0 : i32
        %scan3A_424 = arith.constant 1 : i32
        %scan3A_425 = arith.addi %scan3A_378, %scan3A_424 : i32
        %add3A_426 = arith.constant 0 : i32
        %add3A_427 = arith.addi %add3A_426, %scan3A_425 : i32
        %get3A_428 = arith.index_cast %add3A_427 : i32 to index
        %get3A_429 = arith.constant 0 : index
        %get3A_430 = tpu.vector_load %arg9[%get3A_428, %get3A_429] {strides = array<i32>} : memref<512x64xf32, #tpu.memory_space<vmem>>, vector<16xf32>,
        %add3A_431 = arith.addf %get3A_430, %get3A_157 : vector<16xf32>
        %add3A_432 = arith.constant 0 : i32
        %add3A_433 = arith.addi %add3A_432, %scan3A_425 : i32
        %swap3A_434 = arith.index_cast %add3A_433 : i32 to index
        %swap3A_435 = arith.constant 0 : index
        %swap3A_436 = tpu.vector_load %arg9[%swap3A_434, %swap3A_435] {strides = array<i32>} : memref<512x64xf32, #tpu.memory_space<vmem>>, vector<16xf32>,
        tpu.vector_store %arg9[%swap3A_434, %swap3A_435], %add3A_431 {strides = array<i32>} : memref<512x64xf32, #tpu.memory_space<vmem>>, vector<16xf32>,
        %add3A_437 = arith.constant 0 : i32
        %add3A_438 = arith.addi %add3A_437, %scan3A_425 : i32
        %get3A_439 = arith.index_cast %add3A_438 : i32 to index
        %get3A_440 = arith.constant 16 : index
        %get3A_441 = tpu.vector_load %arg9[%get3A_439, %get3A_440] {strides = array<i32>} : memref<512x64xf32, #tpu.memory_space<vmem>>, vector<16xf32>,
        %add3A_442 = arith.addf %get3A_441, %get3A_160 : vector<16xf32>
        %add3A_443 = arith.constant 0 : i32
        %add3A_444 = arith.addi %add3A_443, %scan3A_425 : i32
        %swap3A_445 = arith.index_cast %add3A_444 : i32 to index
        %swap3A_446 = arith.constant 16 : index
        %swap3A_447 = tpu.vector_load %arg9[%swap3A_445, %swap3A_446] {strides = array<i32>} : memref<512x64xf32, #tpu.memory_space<vmem>>, vector<16xf32>,
        tpu.vector_store %arg9[%swap3A_445, %swap3A_446], %add3A_442 {strides = array<i32>} : memref<512x64xf32, #tpu.memory_space<vmem>>, vector<16xf32>,
        %add3A_448 = arith.constant 0 : i32
        %add3A_449 = arith.addi %add3A_448, %scan3A_425 : i32
        %get3A_450 = arith.index_cast %add3A_449 : i32 to index
        %get3A_451 = arith.constant 32 : index
        %get3A_452 = tpu.vector_load %arg9[%get3A_450, %get3A_451] {strides = array<i32>} : memref<512x64xf32, #tpu.memory_space<vmem>>, vector<16xf32>,
        %add3A_453 = arith.addf %get3A_452, %get3A_163 : vector<16xf32>
        %add3A_454 = arith.constant 0 : i32
        %add3A_455 = arith.addi %add3A_454, %scan3A_425 : i32
        %swap3A_456 = arith.index_cast %add3A_455 : i32 to index
        %swap3A_457 = arith.constant 32 : index
        %swap3A_458 = tpu.vector_load %arg9[%swap3A_456, %swap3A_457] {strides = array<i32>} : memref<512x64xf32, #tpu.memory_space<vmem>>, vector<16xf32>,
        tpu.vector_store %arg9[%swap3A_456, %swap3A_457], %add3A_453 {strides = array<i32>} : memref<512x64xf32, #tpu.memory_space<vmem>>, vector<16xf32>,
        %add3A_459 = arith.constant 0 : i32
        %add3A_460 = arith.addi %add3A_459, %scan3A_425 : i32
        %get3A_461 = arith.index_cast %add3A_460 : i32 to index
        %get3A_462 = arith.constant 48 : index
        %get3A_463 = tpu.vector_load %arg9[%get3A_461, %get3A_462] {strides = array<i32>} : memref<512x64xf32, #tpu.memory_space<vmem>>, vector<16xf32>,
        %add3A_464 = arith.addf %get3A_463, %get3A_166 : vector<16xf32>
        %add3A_465 = arith.constant 0 : i32
        %add3A_466 = arith.addi %add3A_465, %scan3A_425 : i32
        %swap3A_467 = arith.index_cast %add3A_466 : i32 to index
        %swap3A_468 = arith.constant 48 : index
        %swap3A_469 = tpu.vector_load %arg9[%swap3A_467, %swap3A_468] {strides = array<i32>} : memref<512x64xf32, #tpu.memory_space<vmem>>, vector<16xf32>,
        tpu.vector_store %arg9[%swap3A_467, %swap3A_468], %add3A_464 {strides = array<i32>} : memref<512x64xf32, #tpu.memory_space<vmem>>, vector<16xf32>,
        %scan3A_470 = arith.constant 0 : i32
        %scan3A_471 = arith.constant 2 : i32
        %scan3A_472 = arith.addi %scan3A_378, %scan3A_471 : i32
        %add3A_473 = arith.constant 0 : i32
        %add3A_474 = arith.addi %add3A_473, %scan3A_472 : i32
        %get3A_475 = arith.index_cast %add3A_474 : i32 to index
        %get3A_476 = arith.constant 0 : index
        %get3A_477 = tpu.vector_load %arg9[%get3A_475, %get3A_476] {strides = array<i32>} : memref<512x64xf32, #tpu.memory_space<vmem>>, vector<16xf32>,
        %add3A_478 = arith.addf %get3A_477, %get3A_157 : vector<16xf32>
        %add3A_479 = arith.constant 0 : i32
        %add3A_480 = arith.addi %add3A_479, %scan3A_472 : i32
        %swap3A_481 = arith.index_cast %add3A_480 : i32 to index
        %swap3A_482 = arith.constant 0 : index
        %swap3A_483 = tpu.vector_load %arg9[%swap3A_481, %swap3A_482] {strides = array<i32>} : memref<512x64xf32, #tpu.memory_space<vmem>>, vector<16xf32>,
        tpu.vector_store %arg9[%swap3A_481, %swap3A_482], %add3A_478 {strides = array<i32>} : memref<512x64xf32, #tpu.memory_space<vmem>>, vector<16xf32>,
        %add3A_484 = arith.constant 0 : i32
        %add3A_485 = arith.addi %add3A_484, %scan3A_472 : i32
        %get3A_486 = arith.index_cast %add3A_485 : i32 to index
        %get3A_487 = arith.constant 16 : index
        %get3A_488 = tpu.vector_load %arg9[%get3A_486, %get3A_487] {strides = array<i32>} : memref<512x64xf32, #tpu.memory_space<vmem>>, vector<16xf32>,
        %add3A_489 = arith.addf %get3A_488, %get3A_160 : vector<16xf32>
        %add3A_490 = arith.constant 0 : i32
        %add3A_491 = arith.addi %add3A_490, %scan3A_472 : i32
        %swap3A_492 = arith.index_cast %add3A_491 : i32 to index
        %swap3A_493 = arith.constant 16 : index
        %swap3A_494 = tpu.vector_load %arg9[%swap3A_492, %swap3A_493] {strides = array<i32>} : memref<512x64xf32, #tpu.memory_space<vmem>>, vector<16xf32>,
        tpu.vector_store %arg9[%swap3A_492, %swap3A_493], %add3A_489 {strides = array<i32>} : memref<512x64xf32, #tpu.memory_space<vmem>>, vector<16xf32>,
        %add3A_495 = arith.constant 0 : i32
        %add3A_496 = arith.addi %add3A_495, %scan3A_472 : i32
        %get3A_497 = arith.index_cast %add3A_496 : i32 to index
        %get3A_498 = arith.constant 32 : index
        %get3A_499 = tpu.vector_load %arg9[%get3A_497, %get3A_498] {strides = array<i32>} : memref<512x64xf32, #tpu.memory_space<vmem>>, vector<16xf32>,
        %add3A_500 = arith.addf %get3A_499, %get3A_163 : vector<16xf32>
        %add3A_501 = arith.constant 0 : i32
        %add3A_502 = arith.addi %add3A_501, %scan3A_472 : i32
        %swap3A_503 = arith.index_cast %add3A_502 : i32 to index
        %swap3A_504 = arith.constant 32 : index
        %swap3A_505 = tpu.vector_load %arg9[%swap3A_503, %swap3A_504] {strides = array<i32>} : memref<512x64xf32, #tpu.memory_space<vmem>>, vector<16xf32>,
        tpu.vector_store %arg9[%swap3A_503, %swap3A_504], %add3A_500 {strides = array<i32>} : memref<512x64xf32, #tpu.memory_space<vmem>>, vector<16xf32>,
        %add3A_506 = arith.constant 0 : i32
        %add3A_507 = arith.addi %add3A_506, %scan3A_472 : i32
        %get3A_508 = arith.index_cast %add3A_507 : i32 to index
        %get3A_509 = arith.constant 48 : index
        %get3A_510 = tpu.vector_load %arg9[%get3A_508, %get3A_509] {strides = array<i32>} : memref<512x64xf32, #tpu.memory_space<vmem>>, vector<16xf32>,
        %add3A_511 = arith.addf %get3A_510, %get3A_166 : vector<16xf32>
        %add3A_512 = arith.constant 0 : i32
        %add3A_513 = arith.addi %add3A_512, %scan3A_472 : i32
        %swap3A_514 = arith.index_cast %add3A_513 : i32 to index
        %swap3A_515 = arith.constant 48 : index
        %swap3A_516 = tpu.vector_load %arg9[%swap3A_514, %swap3A_515] {strides = array<i32>} : memref<512x64xf32, #tpu.memory_space<vmem>>, vector<16xf32>,
        tpu.vector_store %arg9[%swap3A_514, %swap3A_515], %add3A_511 {strides = array<i32>} : memref<512x64xf32, #tpu.memory_space<vmem>>, vector<16xf32>,
        %scan3A_517 = arith.constant 0 : i32
        %scan3A_518 = arith.constant 3 : i32
        %scan3A_519 = arith.addi %scan3A_378, %scan3A_518 : i32
        %add3A_520 = arith.constant 0 : i32
        %add3A_521 = arith.addi %add3A_520, %scan3A_519 : i32
        %get3A_522 = arith.index_cast %add3A_521 : i32 to index
        %get3A_523 = arith.constant 0 : index
        %get3A_524 = tpu.vector_load %arg9[%get3A_522, %get3A_523] {strides = array<i32>} : memref<512x64xf32, #tpu.memory_space<vmem>>, vector<16xf32>,
        %add3A_525 = arith.addf %get3A_524, %get3A_157 : vector<16xf32>
        %add3A_526 = arith.constant 0 : i32
        %add3A_527 = arith.addi %add3A_526, %scan3A_519 : i32
        %swap3A_528 = arith.index_cast %add3A_527 : i32 to index
        %swap3A_529 = arith.constant 0 : index
        %swap3A_530 = tpu.vector_load %arg9[%swap3A_528, %swap3A_529] {strides = array<i32>} : memref<512x64xf32, #tpu.memory_space<vmem>>, vector<16xf32>,
        tpu.vector_store %arg9[%swap3A_528, %swap3A_529], %add3A_525 {strides = array<i32>} : memref<512x64xf32, #tpu.memory_space<vmem>>, vector<16xf32>,
        %add3A_531 = arith.constant 0 : i32
        %add3A_532 = arith.addi %add3A_531, %scan3A_519 : i32
        %get3A_533 = arith.index_cast %add3A_532 : i32 to index
        %get3A_534 = arith.constant 16 : index
        %get3A_535 = tpu.vector_load %arg9[%get3A_533, %get3A_534] {strides = array<i32>} : memref<512x64xf32, #tpu.memory_space<vmem>>, vector<16xf32>,
        %add3A_536 = arith.addf %get3A_535, %get3A_160 : vector<16xf32>
        %add3A_537 = arith.constant 0 : i32
        %add3A_538 = arith.addi %add3A_537, %scan3A_519 : i32
        %swap3A_539 = arith.index_cast %add3A_538 : i32 to index
        %swap3A_540 = arith.constant 16 : index
        %swap3A_541 = tpu.vector_load %arg9[%swap3A_539, %swap3A_540] {strides = array<i32>} : memref<512x64xf32, #tpu.memory_space<vmem>>, vector<16xf32>,
        tpu.vector_store %arg9[%swap3A_539, %swap3A_540], %add3A_536 {strides = array<i32>} : memref<512x64xf32, #tpu.memory_space<vmem>>, vector<16xf32>,
        %add3A_542 = arith.constant 0 : i32
        %add3A_543 = arith.addi %add3A_542, %scan3A_519 : i32
        %get3A_544 = arith.index_cast %add3A_543 : i32 to index
        %get3A_545 = arith.constant 32 : index
        %get3A_546 = tpu.vector_load %arg9[%get3A_544, %get3A_545] {strides = array<i32>} : memref<512x64xf32, #tpu.memory_space<vmem>>, vector<16xf32>,
        %add3A_547 = arith.addf %get3A_546, %get3A_163 : vector<16xf32>
        %add3A_548 = arith.constant 0 : i32
        %add3A_549 = arith.addi %add3A_548, %scan3A_519 : i32
        %swap3A_550 = arith.index_cast %add3A_549 : i32 to index
        %swap3A_551 = arith.constant 32 : index
        %swap3A_552 = tpu.vector_load %arg9[%swap3A_550, %swap3A_551] {strides = array<i32>} : memref<512x64xf32, #tpu.memory_space<vmem>>, vector<16xf32>,
        tpu.vector_store %arg9[%swap3A_550, %swap3A_551], %add3A_547 {strides = array<i32>} : memref<512x64xf32, #tpu.memory_space<vmem>>, vector<16xf32>,
        %add3A_553 = arith.constant 0 : i32
        %add3A_554 = arith.addi %add3A_553, %scan3A_519 : i32
        %get3A_555 = arith.index_cast %add3A_554 : i32 to index
        %get3A_556 = arith.constant 48 : index
        %get3A_557 = tpu.vector_load %arg9[%get3A_555, %get3A_556] {strides = array<i32>} : memref<512x64xf32, #tpu.memory_space<vmem>>, vector<16xf32>,
        %add3A_558 = arith.addf %get3A_557, %get3A_166 : vector<16xf32>
        %add3A_559 = arith.constant 0 : i32
        %add3A_560 = arith.addi %add3A_559, %scan3A_519 : i32
        %swap3A_561 = arith.index_cast %add3A_560 : i32 to index
        %swap3A_562 = arith.constant 48 : index
        %swap3A_563 = tpu.vector_load %arg9[%swap3A_561, %swap3A_562] {strides = array<i32>} : memref<512x64xf32, #tpu.memory_space<vmem>>, vector<16xf32>,
        tpu.vector_store %arg9[%swap3A_561, %swap3A_562], %add3A_558 {strides = array<i32>} : memref<512x64xf32, #tpu.memory_space<vmem>>, vector<16xf32>,
        %scan3A_564 = arith.constant 0 : i32
        scf.yield %scan3A_564 : i32
      }
      %scan3A_173 = arith.constant 128 : i32
      %scan3A_174 = arith.constant 0 : i32
      %scan3A_175 = arith.constant 0 : i32
      %scan3A_176 = arith.constant 128 : i32
      %scan3A_177 = arith.addi %scan3A_175, %scan3A_176 : i32
      %scan3A_178 = arith.constant 4 : i32
      %scan3A_179 = scf.for %scan3A_378 = %scan3A_175 to %scan3A_177 step %scan3A_178 iter_args(%scan3A_379 = %scan3A_174) -> (i32)  : i32 {
        %shift_right_logical3A = arith.constant 4 : i32
        %shift_right_logical3A_380 = arith.shrui %scan3A_378, %shift_right_logical3A : i32
        %and3A = arith.constant 15 : i32
        %and3A_381 = arith.andi %scan3A_378, %and3A : i32
        %mul3A_382 = arith.constant 16 : i32
        %mul3A_383 = arith.muli %shift_right_logical3A_380, %mul3A_382 : i32
        %add3A_384 = vector.broadcast %mul3A_383 : i32 to vector<16xi32>
        %add3A_385 = arith.addi %add3A_384, %iota3A : vector<16xi32>
        %add3A_386 = arith.constant 0 : i32
        %add3A_387 = vector.broadcast %add3A_386 : i32 to vector<16xi32>
        %add3A_388 = arith.addi %add3A_387, %add3A_385 : vector<16xi32>
        %add3A_389 = vector.broadcast %and3A_381 : i32 to vector<16xi32>
        %add3A_390 = arith.addi %iota3A, %add3A_389 : vector<16xi32>
        %and3A_391 = arith.constant 15 : i32
        %and3A_392 = vector.broadcast %and3A_391 : i32 to vector<16xi32>
        %and3A_393 = arith.andi %add3A_390, %and3A_392 : vector<16xi32>
        %shift_right_logical3A_394 = arith.constant 3 : i32
        %shift_right_logical3A_395 = vector.broadcast %shift_right_logical3A_394 : i32 to vector<16xi32>
        %shift_right_logical3A_396 = arith.shrui %and3A_393, %shift_right_logical3A_395 : vector<16xi32>
        %and3A_397 = arith.constant 7 : i32
        %and3A_398 = vector.broadcast %and3A_397 : i32 to vector<16xi32>
        %and3A_399 = arith.andi %and3A_393, %and3A_398 : vector<16xi32>
        %add3A_400 = arith.constant 0 : i32
        %add3A_401 = vector.broadcast %add3A_400 : i32 to vector<16xi32>
        %add3A_402 = arith.addi %add3A_401, %and3A_393 : vector<16xi32>
        %gather3A = tpu.vector_load_idx %arg9[%add3A_388, %add3A_402] : memref<512x64xf32, #tpu.memory_space<vmem>>[vector<16xi32>, vector<16xi32>], vector<16xf32>,
        %add3A_403 = arith.constant 0 : i32
        %add3A_404 = vector.broadcast %add3A_403 : i32 to vector<16xi32>
        %add3A_405 = arith.addi %add3A_404, %shift_right_logical3A_396 : vector<16xi32>
        tpu.vector_store_idx %arg10[%add3A_405, %mul3A_20, %and3A_399, %add3A_385], %gather3A : memref<32x1x8x128xf32, #tpu.memory_space<vmem>>[vector<16xi32>, vector<16xi32>, vector<16xi32>, vector<16xi32>], vector<16xf32>,
        %add3A_406 = arith.constant 16 : i32
        %add3A_407 = vector.broadcast %add3A_406 : i32 to vector<16xi32>
        %add3A_408 = arith.addi %add3A_407, %and3A_393 : vector<16xi32>
        %gather3A_409 = tpu.vector_load_idx %arg9[%add3A_388, %add3A_408] : memref<512x64xf32, #tpu.memory_space<vmem>>[vector<16xi32>, vector<16xi32>], vector<16xf32>,
        %add3A_410 = arith.constant 2 : i32
        %add3A_411 = vector.broadcast %add3A_410 : i32 to vector<16xi32>
        %add3A_412 = arith.addi %add3A_411, %shift_right_logical3A_396 : vector<16xi32>
        tpu.vector_store_idx %arg10[%add3A_412, %mul3A_20, %and3A_399, %add3A_385], %gather3A_409 : memref<32x1x8x128xf32, #tpu.memory_space<vmem>>[vector<16xi32>, vector<16xi32>, vector<16xi32>, vector<16xi32>], vector<16xf32>,
        %add3A_413 = arith.constant 32 : i32
        %add3A_414 = vector.broadcast %add3A_413 : i32 to vector<16xi32>
        %add3A_415 = arith.addi %add3A_414, %and3A_393 : vector<16xi32>
        %gather3A_416 = tpu.vector_load_idx %arg9[%add3A_388, %add3A_415] : memref<512x64xf32, #tpu.memory_space<vmem>>[vector<16xi32>, vector<16xi32>], vector<16xf32>,
        %add3A_417 = arith.constant 4 : i32
        %add3A_418 = vector.broadcast %add3A_417 : i32 to vector<16xi32>
        %add3A_419 = arith.addi %add3A_418, %shift_right_logical3A_396 : vector<16xi32>
        tpu.vector_store_idx %arg10[%add3A_419, %mul3A_20, %and3A_399, %add3A_385], %gather3A_416 : memref<32x1x8x128xf32, #tpu.memory_space<vmem>>[vector<16xi32>, vector<16xi32>, vector<16xi32>, vector<16xi32>], vector<16xf32>,
        %add3A_420 = arith.constant 48 : i32
        %add3A_421 = vector.broadcast %add3A_420 : i32 to vector<16xi32>
        %add3A_422 = arith.addi %add3A_421, %and3A_393 : vector<16xi32>
        %gather3A_423 = tpu.vector_load_idx %arg9[%add3A_388, %add3A_422] : memref<512x64xf32, #tpu.memory_space<vmem>>[vector<16xi32>, vector<16xi32>], vector<16xf32>,
        %add3A_424 = arith.constant 6 : i32
        %add3A_425 = vector.broadcast %add3A_424 : i32 to vector<16xi32>
        %add3A_426 = arith.addi %add3A_425, %shift_right_logical3A_396 : vector<16xi32>
        tpu.vector_store_idx %arg10[%add3A_426, %mul3A_20, %and3A_399, %add3A_385], %gather3A_423 : memref<32x1x8x128xf32, #tpu.memory_space<vmem>>[vector<16xi32>, vector<16xi32>, vector<16xi32>, vector<16xi32>], vector<16xf32>,
        %scan3A_427 = arith.constant 0 : i32
        %scan3A_428 = arith.constant 1 : i32
        %scan3A_429 = arith.addi %scan3A_378, %scan3A_428 : i32
        %shift_right_logical3A_430 = arith.constant 4 : i32
        %shift_right_logical3A_431 = arith.shrui %scan3A_429, %shift_right_logical3A_430 : i32
        %and3A_432 = arith.constant 15 : i32
        %and3A_433 = arith.andi %scan3A_429, %and3A_432 : i32
        %mul3A_434 = arith.constant 16 : i32
        %mul3A_435 = arith.muli %shift_right_logical3A_431, %mul3A_434 : i32
        %add3A_436 = vector.broadcast %mul3A_435 : i32 to vector<16xi32>
        %add3A_437 = arith.addi %add3A_436, %iota3A : vector<16xi32>
        %add3A_438 = arith.constant 0 : i32
        %add3A_439 = vector.broadcast %add3A_438 : i32 to vector<16xi32>
        %add3A_440 = arith.addi %add3A_439, %add3A_437 : vector<16xi32>
        %add3A_441 = vector.broadcast %and3A_433 : i32 to vector<16xi32>
        %add3A_442 = arith.addi %iota3A, %add3A_441 : vector<16xi32>
        %and3A_443 = arith.constant 15 : i32
        %and3A_444 = vector.broadcast %and3A_443 : i32 to vector<16xi32>
        %and3A_445 = arith.andi %add3A_442, %and3A_444 : vector<16xi32>
        %shift_right_logical3A_446 = arith.constant 3 : i32
        %shift_right_logical3A_447 = vector.broadcast %shift_right_logical3A_446 : i32 to vector<16xi32>
        %shift_right_logical3A_448 = arith.shrui %and3A_445, %shift_right_logical3A_447 : vector<16xi32>
        %and3A_449 = arith.constant 7 : i32
        %and3A_450 = vector.broadcast %and3A_449 : i32 to vector<16xi32>
        %and3A_451 = arith.andi %and3A_445, %and3A_450 : vector<16xi32>
        %add3A_452 = arith.constant 0 : i32
        %add3A_453 = vector.broadcast %add3A_452 : i32 to vector<16xi32>
        %add3A_454 = arith.addi %add3A_453, %and3A_445 : vector<16xi32>
        %gather3A_455 = tpu.vector_load_idx %arg9[%add3A_440, %add3A_454] : memref<512x64xf32, #tpu.memory_space<vmem>>[vector<16xi32>, vector<16xi32>], vector<16xf32>,
        %add3A_456 = arith.constant 0 : i32
        %add3A_457 = vector.broadcast %add3A_456 : i32 to vector<16xi32>
        %add3A_458 = arith.addi %add3A_457, %shift_right_logical3A_448 : vector<16xi32>
        tpu.vector_store_idx %arg10[%add3A_458, %mul3A_20, %and3A_451, %add3A_437], %gather3A_455 : memref<32x1x8x128xf32, #tpu.memory_space<vmem>>[vector<16xi32>, vector<16xi32>, vector<16xi32>, vector<16xi32>], vector<16xf32>,
        %add3A_459 = arith.constant 16 : i32
        %add3A_460 = vector.broadcast %add3A_459 : i32 to vector<16xi32>
        %add3A_461 = arith.addi %add3A_460, %and3A_445 : vector<16xi32>
        %gather3A_462 = tpu.vector_load_idx %arg9[%add3A_440, %add3A_461] : memref<512x64xf32, #tpu.memory_space<vmem>>[vector<16xi32>, vector<16xi32>], vector<16xf32>,
        %add3A_463 = arith.constant 2 : i32
        %add3A_464 = vector.broadcast %add3A_463 : i32 to vector<16xi32>
        %add3A_465 = arith.addi %add3A_464, %shift_right_logical3A_448 : vector<16xi32>
        tpu.vector_store_idx %arg10[%add3A_465, %mul3A_20, %and3A_451, %add3A_437], %gather3A_462 : memref<32x1x8x128xf32, #tpu.memory_space<vmem>>[vector<16xi32>, vector<16xi32>, vector<16xi32>, vector<16xi32>], vector<16xf32>,
        %add3A_466 = arith.constant 32 : i32
        %add3A_467 = vector.broadcast %add3A_466 : i32 to vector<16xi32>
        %add3A_468 = arith.addi %add3A_467, %and3A_445 : vector<16xi32>
        %gather3A_469 = tpu.vector_load_idx %arg9[%add3A_440, %add3A_468] : memref<512x64xf32, #tpu.memory_space<vmem>>[vector<16xi32>, vector<16xi32>], vector<16xf32>,
        %add3A_470 = arith.constant 4 : i32
        %add3A_471 = vector.broadcast %add3A_470 : i32 to vector<16xi32>
        %add3A_472 = arith.addi %add3A_471, %shift_right_logical3A_448 : vector<16xi32>
        tpu.vector_store_idx %arg10[%add3A_472, %mul3A_20, %and3A_451, %add3A_437], %gather3A_469 : memref<32x1x8x128xf32, #tpu.memory_space<vmem>>[vector<16xi32>, vector<16xi32>, vector<16xi32>, vector<16xi32>], vector<16xf32>,
        %add3A_473 = arith.constant 48 : i32
        %add3A_474 = vector.broadcast %add3A_473 : i32 to vector<16xi32>
        %add3A_475 = arith.addi %add3A_474, %and3A_445 : vector<16xi32>
        %gather3A_476 = tpu.vector_load_idx %arg9[%add3A_440, %add3A_475] : memref<512x64xf32, #tpu.memory_space<vmem>>[vector<16xi32>, vector<16xi32>], vector<16xf32>,
        %add3A_477 = arith.constant 6 : i32
        %add3A_478 = vector.broadcast %add3A_477 : i32 to vector<16xi32>
        %add3A_479 = arith.addi %add3A_478, %shift_right_logical3A_448 : vector<16xi32>
        tpu.vector_store_idx %arg10[%add3A_479, %mul3A_20, %and3A_451, %add3A_437], %gather3A_476 : memref<32x1x8x128xf32, #tpu.memory_space<vmem>>[vector<16xi32>, vector<16xi32>, vector<16xi32>, vector<16xi32>], vector<16xf32>,
        %scan3A_480 = arith.constant 0 : i32
        %scan3A_481 = arith.constant 2 : i32
        %scan3A_482 = arith.addi %scan3A_378, %scan3A_481 : i32
        %shift_right_logical3A_483 = arith.constant 4 : i32
        %shift_right_logical3A_484 = arith.shrui %scan3A_482, %shift_right_logical3A_483 : i32
        %and3A_485 = arith.constant 15 : i32
        %and3A_486 = arith.andi %scan3A_482, %and3A_485 : i32
        %mul3A_487 = arith.constant 16 : i32
        %mul3A_488 = arith.muli %shift_right_logical3A_484, %mul3A_487 : i32
        %add3A_489 = vector.broadcast %mul3A_488 : i32 to vector<16xi32>
        %add3A_490 = arith.addi %add3A_489, %iota3A : vector<16xi32>
        %add3A_491 = arith.constant 0 : i32
        %add3A_492 = vector.broadcast %add3A_491 : i32 to vector<16xi32>
        %add3A_493 = arith.addi %add3A_492, %add3A_490 : vector<16xi32>
        %add3A_494 = vector.broadcast %and3A_486 : i32 to vector<16xi32>
        %add3A_495 = arith.addi %iota3A, %add3A_494 : vector<16xi32>
        %and3A_496 = arith.constant 15 : i32
        %and3A_497 = vector.broadcast %and3A_496 : i32 to vector<16xi32>
        %and3A_498 = arith.andi %add3A_495, %and3A_497 : vector<16xi32>
        %shift_right_logical3A_499 = arith.constant 3 : i32
        %shift_right_logical3A_500 = vector.broadcast %shift_right_logical3A_499 : i32 to vector<16xi32>
        %shift_right_logical3A_501 = arith.shrui %and3A_498, %shift_right_logical3A_500 : vector<16xi32>
        %and3A_502 = arith.constant 7 : i32
        %and3A_503 = vector.broadcast %and3A_502 : i32 to vector<16xi32>
        %and3A_504 = arith.andi %and3A_498, %and3A_503 : vector<16xi32>
        %add3A_505 = arith.constant 0 : i32
        %add3A_506 = vector.broadcast %add3A_505 : i32 to vector<16xi32>
        %add3A_507 = arith.addi %add3A_506, %and3A_498 : vector<16xi32>
        %gather3A_508 = tpu.vector_load_idx %arg9[%add3A_493, %add3A_507] : memref<512x64xf32, #tpu.memory_space<vmem>>[vector<16xi32>, vector<16xi32>], vector<16xf32>,
        %add3A_509 = arith.constant 0 : i32
        %add3A_510 = vector.broadcast %add3A_509 : i32 to vector<16xi32>
        %add3A_511 = arith.addi %add3A_510, %shift_right_logical3A_501 : vector<16xi32>
        tpu.vector_store_idx %arg10[%add3A_511, %mul3A_20, %and3A_504, %add3A_490], %gather3A_508 : memref<32x1x8x128xf32, #tpu.memory_space<vmem>>[vector<16xi32>, vector<16xi32>, vector<16xi32>, vector<16xi32>], vector<16xf32>,
        %add3A_512 = arith.constant 16 : i32
        %add3A_513 = vector.broadcast %add3A_512 : i32 to vector<16xi32>
        %add3A_514 = arith.addi %add3A_513, %and3A_498 : vector<16xi32>
        %gather3A_515 = tpu.vector_load_idx %arg9[%add3A_493, %add3A_514] : memref<512x64xf32, #tpu.memory_space<vmem>>[vector<16xi32>, vector<16xi32>], vector<16xf32>,
        %add3A_516 = arith.constant 2 : i32
        %add3A_517 = vector.broadcast %add3A_516 : i32 to vector<16xi32>
        %add3A_518 = arith.addi %add3A_517, %shift_right_logical3A_501 : vector<16xi32>
        tpu.vector_store_idx %arg10[%add3A_518, %mul3A_20, %and3A_504, %add3A_490], %gather3A_515 : memref<32x1x8x128xf32, #tpu.memory_space<vmem>>[vector<16xi32>, vector<16xi32>, vector<16xi32>, vector<16xi32>], vector<16xf32>,
        %add3A_519 = arith.constant 32 : i32
        %add3A_520 = vector.broadcast %add3A_519 : i32 to vector<16xi32>
        %add3A_521 = arith.addi %add3A_520, %and3A_498 : vector<16xi32>
        %gather3A_522 = tpu.vector_load_idx %arg9[%add3A_493, %add3A_521] : memref<512x64xf32, #tpu.memory_space<vmem>>[vector<16xi32>, vector<16xi32>], vector<16xf32>,
        %add3A_523 = arith.constant 4 : i32
        %add3A_524 = vector.broadcast %add3A_523 : i32 to vector<16xi32>
        %add3A_525 = arith.addi %add3A_524, %shift_right_logical3A_501 : vector<16xi32>
        tpu.vector_store_idx %arg10[%add3A_525, %mul3A_20, %and3A_504, %add3A_490], %gather3A_522 : memref<32x1x8x128xf32, #tpu.memory_space<vmem>>[vector<16xi32>, vector<16xi32>, vector<16xi32>, vector<16xi32>], vector<16xf32>,
        %add3A_526 = arith.constant 48 : i32
        %add3A_527 = vector.broadcast %add3A_526 : i32 to vector<16xi32>
        %add3A_528 = arith.addi %add3A_527, %and3A_498 : vector<16xi32>
        %gather3A_529 = tpu.vector_load_idx %arg9[%add3A_493, %add3A_528] : memref<512x64xf32, #tpu.memory_space<vmem>>[vector<16xi32>, vector<16xi32>], vector<16xf32>,
        %add3A_530 = arith.constant 6 : i32
        %add3A_531 = vector.broadcast %add3A_530 : i32 to vector<16xi32>
        %add3A_532 = arith.addi %add3A_531, %shift_right_logical3A_501 : vector<16xi32>
        tpu.vector_store_idx %arg10[%add3A_532, %mul3A_20, %and3A_504, %add3A_490], %gather3A_529 : memref<32x1x8x128xf32, #tpu.memory_space<vmem>>[vector<16xi32>, vector<16xi32>, vector<16xi32>, vector<16xi32>], vector<16xf32>,
        %scan3A_533 = arith.constant 0 : i32
        %scan3A_534 = arith.constant 3 : i32
        %scan3A_535 = arith.addi %scan3A_378, %scan3A_534 : i32
        %shift_right_logical3A_536 = arith.constant 4 : i32
        %shift_right_logical3A_537 = arith.shrui %scan3A_535, %shift_right_logical3A_536 : i32
        %and3A_538 = arith.constant 15 : i32
        %and3A_539 = arith.andi %scan3A_535, %and3A_538 : i32
        %mul3A_540 = arith.constant 16 : i32
        %mul3A_541 = arith.muli %shift_right_logical3A_537, %mul3A_540 : i32
        %add3A_542 = vector.broadcast %mul3A_541 : i32 to vector<16xi32>
        %add3A_543 = arith.addi %add3A_542, %iota3A : vector<16xi32>
        %add3A_544 = arith.constant 0 : i32
        %add3A_545 = vector.broadcast %add3A_544 : i32 to vector<16xi32>
        %add3A_546 = arith.addi %add3A_545, %add3A_543 : vector<16xi32>
        %add3A_547 = vector.broadcast %and3A_539 : i32 to vector<16xi32>
        %add3A_548 = arith.addi %iota3A, %add3A_547 : vector<16xi32>
        %and3A_549 = arith.constant 15 : i32
        %and3A_550 = vector.broadcast %and3A_549 : i32 to vector<16xi32>
        %and3A_551 = arith.andi %add3A_548, %and3A_550 : vector<16xi32>
        %shift_right_logical3A_552 = arith.constant 3 : i32
        %shift_right_logical3A_553 = vector.broadcast %shift_right_logical3A_552 : i32 to vector<16xi32>
        %shift_right_logical3A_554 = arith.shrui %and3A_551, %shift_right_logical3A_553 : vector<16xi32>
        %and3A_555 = arith.constant 7 : i32
        %and3A_556 = vector.broadcast %and3A_555 : i32 to vector<16xi32>
        %and3A_557 = arith.andi %and3A_551, %and3A_556 : vector<16xi32>
        %add3A_558 = arith.constant 0 : i32
        %add3A_559 = vector.broadcast %add3A_558 : i32 to vector<16xi32>
        %add3A_560 = arith.addi %add3A_559, %and3A_551 : vector<16xi32>
        %gather3A_561 = tpu.vector_load_idx %arg9[%add3A_546, %add3A_560] : memref<512x64xf32, #tpu.memory_space<vmem>>[vector<16xi32>, vector<16xi32>], vector<16xf32>,
        %add3A_562 = arith.constant 0 : i32
        %add3A_563 = vector.broadcast %add3A_562 : i32 to vector<16xi32>
        %add3A_564 = arith.addi %add3A_563, %shift_right_logical3A_554 : vector<16xi32>
        tpu.vector_store_idx %arg10[%add3A_564, %mul3A_20, %and3A_557, %add3A_543], %gather3A_561 : memref<32x1x8x128xf32, #tpu.memory_space<vmem>>[vector<16xi32>, vector<16xi32>, vector<16xi32>, vector<16xi32>], vector<16xf32>,
        %add3A_565 = arith.constant 16 : i32
        %add3A_566 = vector.broadcast %add3A_565 : i32 to vector<16xi32>
        %add3A_567 = arith.addi %add3A_566, %and3A_551 : vector<16xi32>
        %gather3A_568 = tpu.vector_load_idx %arg9[%add3A_546, %add3A_567] : memref<512x64xf32, #tpu.memory_space<vmem>>[vector<16xi32>, vector<16xi32>], vector<16xf32>,
        %add3A_569 = arith.constant 2 : i32
        %add3A_570 = vector.broadcast %add3A_569 : i32 to vector<16xi32>
        %add3A_571 = arith.addi %add3A_570, %shift_right_logical3A_554 : vector<16xi32>
        tpu.vector_store_idx %arg10[%add3A_571, %mul3A_20, %and3A_557, %add3A_543], %gather3A_568 : memref<32x1x8x128xf32, #tpu.memory_space<vmem>>[vector<16xi32>, vector<16xi32>, vector<16xi32>, vector<16xi32>], vector<16xf32>,
        %add3A_572 = arith.constant 32 : i32
        %add3A_573 = vector.broadcast %add3A_572 : i32 to vector<16xi32>
        %add3A_574 = arith.addi %add3A_573, %and3A_551 : vector<16xi32>
        %gather3A_575 = tpu.vector_load_idx %arg9[%add3A_546, %add3A_574] : memref<512x64xf32, #tpu.memory_space<vmem>>[vector<16xi32>, vector<16xi32>], vector<16xf32>,
        %add3A_576 = arith.constant 4 : i32
        %add3A_577 = vector.broadcast %add3A_576 : i32 to vector<16xi32>
        %add3A_578 = arith.addi %add3A_577, %shift_right_logical3A_554 : vector<16xi32>
        tpu.vector_store_idx %arg10[%add3A_578, %mul3A_20, %and3A_557, %add3A_543], %gather3A_575 : memref<32x1x8x128xf32, #tpu.memory_space<vmem>>[vector<16xi32>, vector<16xi32>, vector<16xi32>, vector<16xi32>], vector<16xf32>,
        %add3A_579 = arith.constant 48 : i32
        %add3A_580 = vector.broadcast %add3A_579 : i32 to vector<16xi32>
        %add3A_581 = arith.addi %add3A_580, %and3A_551 : vector<16xi32>
        %gather3A_582 = tpu.vector_load_idx %arg9[%add3A_546, %add3A_581] : memref<512x64xf32, #tpu.memory_space<vmem>>[vector<16xi32>, vector<16xi32>], vector<16xf32>,
        %add3A_583 = arith.constant 6 : i32
        %add3A_584 = vector.broadcast %add3A_583 : i32 to vector<16xi32>
        %add3A_585 = arith.addi %add3A_584, %shift_right_logical3A_554 : vector<16xi32>
        tpu.vector_store_idx %arg10[%add3A_585, %mul3A_20, %and3A_557, %add3A_543], %gather3A_582 : memref<32x1x8x128xf32, #tpu.memory_space<vmem>>[vector<16xi32>, vector<16xi32>, vector<16xi32>, vector<16xi32>], vector<16xf32>,
        %scan3A_586 = arith.constant 0 : i32
        scf.yield %scan3A_586 : i32
      }
      %scan3A_180 = arith.constant 128 : i32
      %dma_start3A_181 = arith.constant 0 : i32
      %dma_start3A_182 = arith.constant 0 : i32
      %dma_start3A_183 = arith.constant 0 : i32
      %dma_start3A_184 = arith.constant 0 : i32
      %dma_start3A_185 = tpu.memref_slice %arg10[%dma_start3A_181, %dma_start3A_182, %dma_start3A_183, %dma_start3A_184] : memref<32x1x8x128xf32, #tpu.memory_space<vmem>> -> memref<8x1x8x128xf32, #tpu.memory_space<vmem>>
      %dma_start3A_186 = arith.constant 0 : i32
      %dma_start3A_187 = arith.constant 0 : i32
      %dma_start3A_188 = arith.constant 0 : i32
      %dma_start3A_189 = tpu.memref_slice %arg5[%add3A_155, %dma_start3A_186, %add3A, %dma_start3A_187, %dma_start3A_188] : memref<200x8x32x8x128xf32, #tpu.memory_space<hbm>> -> memref<1x8x1x8x128xf32, #tpu.memory_space<hbm>>
      %dma_start3A_190 = tpu.memref_squeeze %dma_start3A_189 : memref<1x8x1x8x128xf32, #tpu.memory_space<hbm>> -> memref<8x1x8x128xf32, #tpu.memory_space<hbm>>
      %dma_start3A_191 = arith.constant 0 : i32
      %dma_start3A_192 = arith.constant 0 : i32
      %dma_start3A_193 = arith.constant 0 : i32
      %dma_start3A_194 = tpu.memref_slice %arg5[%add3A_155, %dma_start3A_191, %add3A, %dma_start3A_192, %dma_start3A_193] : memref<200x8x32x8x128xf32, #tpu.memory_space<hbm>> -> memref<1x8x1x8x128xf32, #tpu.memory_space<hbm>>
      %dma_start3A_195 = tpu.memref_squeeze %dma_start3A_194 : memref<1x8x1x8x128xf32, #tpu.memory_space<hbm>> -> memref<8x1x8x128xf32, #tpu.memory_space<hbm>>
      %dma_start3A_196 = arith.constant 0 : i32
      %dma_start3A_197 = arith.constant 0 : i32
      %dma_start3A_198 = arith.constant 0 : i32
      %dma_start3A_199 = arith.constant 0 : i32
      %dma_start3A_200 = tpu.memref_slice %arg10[%dma_start3A_196, %dma_start3A_197, %dma_start3A_198, %dma_start3A_199] : memref<32x1x8x128xf32, #tpu.memory_space<vmem>> -> memref<8x1x8x128xf32, #tpu.memory_space<vmem>>
      tpu.enqueue_dma source(%dma_start3A_200 : memref<8x1x8x128xf32, #tpu.memory_space<vmem>>) target(%dma_start3A_195 : memref<8x1x8x128xf32, #tpu.memory_space<hbm>>) target_semaphore(%arg13 : memref<!tpu.dma_semaphore, #tpu.memory_space<semaphore_mem>>)
      %mul3A_201 = arith.constant 2 : i32
      %mul3A_202 = arith.muli %add3A_133, %mul3A_201 : i32
      %add3A_203 = arith.constant 1 : i32
      %add3A_204 = arith.addi %mul3A_202, %add3A_203 : i32
      %get3A_205 = arith.index_cast %add3A_204 : i32 to index
      %get3A_206 = arith.constant 0 : index
      %get3A_207 = tpu.vector_load %arg8[%get3A_205, %get3A_206] {strides = array<i32>} : memref<200x64xf32, #tpu.memory_space<vmem>>, vector<16xf32>,
      %get3A_208 = arith.index_cast %add3A_204 : i32 to index
      %get3A_209 = arith.constant 16 : index
      %get3A_210 = tpu.vector_load %arg8[%get3A_208, %get3A_209] {strides = array<i32>} : memref<200x64xf32, #tpu.memory_space<vmem>>, vector<16xf32>,
      %get3A_211 = arith.index_cast %add3A_204 : i32 to index
      %get3A_212 = arith.constant 32 : index
      %get3A_213 = tpu.vector_load %arg8[%get3A_211, %get3A_212] {strides = array<i32>} : memref<200x64xf32, #tpu.memory_space<vmem>>, vector<16xf32>,
      %get3A_214 = arith.index_cast %add3A_204 : i32 to index
      %get3A_215 = arith.constant 48 : index
      %get3A_216 = tpu.vector_load %arg8[%get3A_214, %get3A_215] {strides = array<i32>} : memref<200x64xf32, #tpu.memory_space<vmem>>, vector<16xf32>,
      %scan3A_217 = arith.constant 0 : i32
      %scan3A_218 = arith.constant 0 : i32
      %scan3A_219 = arith.constant 128 : i32
      %scan3A_220 = arith.addi %scan3A_218, %scan3A_219 : i32
      %scan3A_221 = arith.constant 4 : i32
      %scan3A_222 = scf.for %scan3A_378 = %scan3A_218 to %scan3A_220 step %scan3A_221 iter_args(%scan3A_379 = %scan3A_217) -> (i32)  : i32 {
        %add3A_380 = arith.constant 128 : i32
        %add3A_381 = arith.addi %add3A_380, %scan3A_378 : i32
        %get3A_382 = arith.index_cast %add3A_381 : i32 to index
        %get3A_383 = arith.constant 0 : index
        %get3A_384 = tpu.vector_load %arg9[%get3A_382, %get3A_383] {strides = array<i32>} : memref<512x64xf32, #tpu.memory_space<vmem>>, vector<16xf32>,
        %add3A_385 = arith.addf %get3A_384, %get3A_207 : vector<16xf32>
        %add3A_386 = arith.constant 128 : i32
        %add3A_387 = arith.addi %add3A_386, %scan3A_378 : i32
        %swap3A = arith.index_cast %add3A_387 : i32 to index
        %swap3A_388 = arith.constant 0 : index
        %swap3A_389 = tpu.vector_load %arg9[%swap3A, %swap3A_388] {strides = array<i32>} : memref<512x64xf32, #tpu.memory_space<vmem>>, vector<16xf32>,
        tpu.vector_store %arg9[%swap3A, %swap3A_388], %add3A_385 {strides = array<i32>} : memref<512x64xf32, #tpu.memory_space<vmem>>, vector<16xf32>,
        %add3A_390 = arith.constant 128 : i32
        %add3A_391 = arith.addi %add3A_390, %scan3A_378 : i32
        %get3A_392 = arith.index_cast %add3A_391 : i32 to index
        %get3A_393 = arith.constant 16 : index
        %get3A_394 = tpu.vector_load %arg9[%get3A_392, %get3A_393] {strides = array<i32>} : memref<512x64xf32, #tpu.memory_space<vmem>>, vector<16xf32>,
        %add3A_395 = arith.addf %get3A_394, %get3A_210 : vector<16xf32>
        %add3A_396 = arith.constant 128 : i32
        %add3A_397 = arith.addi %add3A_396, %scan3A_378 : i32
        %swap3A_398 = arith.index_cast %add3A_397 : i32 to index
        %swap3A_399 = arith.constant 16 : index
        %swap3A_400 = tpu.vector_load %arg9[%swap3A_398, %swap3A_399] {strides = array<i32>} : memref<512x64xf32, #tpu.memory_space<vmem>>, vector<16xf32>,
        tpu.vector_store %arg9[%swap3A_398, %swap3A_399], %add3A_395 {strides = array<i32>} : memref<512x64xf32, #tpu.memory_space<vmem>>, vector<16xf32>,
        %add3A_401 = arith.constant 128 : i32
        %add3A_402 = arith.addi %add3A_401, %scan3A_378 : i32
        %get3A_403 = arith.index_cast %add3A_402 : i32 to index
        %get3A_404 = arith.constant 32 : index
        %get3A_405 = tpu.vector_load %arg9[%get3A_403, %get3A_404] {strides = array<i32>} : memref<512x64xf32, #tpu.memory_space<vmem>>, vector<16xf32>,
        %add3A_406 = arith.addf %get3A_405, %get3A_213 : vector<16xf32>
        %add3A_407 = arith.constant 128 : i32
        %add3A_408 = arith.addi %add3A_407, %scan3A_378 : i32
        %swap3A_409 = arith.index_cast %add3A_408 : i32 to index
        %swap3A_410 = arith.constant 32 : index
        %swap3A_411 = tpu.vector_load %arg9[%swap3A_409, %swap3A_410] {strides = array<i32>} : memref<512x64xf32, #tpu.memory_space<vmem>>, vector<16xf32>,
        tpu.vector_store %arg9[%swap3A_409, %swap3A_410], %add3A_406 {strides = array<i32>} : memref<512x64xf32, #tpu.memory_space<vmem>>, vector<16xf32>,
        %add3A_412 = arith.constant 128 : i32
        %add3A_413 = arith.addi %add3A_412, %scan3A_378 : i32
        %get3A_414 = arith.index_cast %add3A_413 : i32 to index
        %get3A_415 = arith.constant 48 : index
        %get3A_416 = tpu.vector_load %arg9[%get3A_414, %get3A_415] {strides = array<i32>} : memref<512x64xf32, #tpu.memory_space<vmem>>, vector<16xf32>,
        %add3A_417 = arith.addf %get3A_416, %get3A_216 : vector<16xf32>
        %add3A_418 = arith.constant 128 : i32
        %add3A_419 = arith.addi %add3A_418, %scan3A_378 : i32
        %swap3A_420 = arith.index_cast %add3A_419 : i32 to index
        %swap3A_421 = arith.constant 48 : index
        %swap3A_422 = tpu.vector_load %arg9[%swap3A_420, %swap3A_421] {strides = array<i32>} : memref<512x64xf32, #tpu.memory_space<vmem>>, vector<16xf32>,
        tpu.vector_store %arg9[%swap3A_420, %swap3A_421], %add3A_417 {strides = array<i32>} : memref<512x64xf32, #tpu.memory_space<vmem>>, vector<16xf32>,
        %scan3A_423 = arith.constant 0 : i32
        %scan3A_424 = arith.constant 1 : i32
        %scan3A_425 = arith.addi %scan3A_378, %scan3A_424 : i32
        %add3A_426 = arith.constant 128 : i32
        %add3A_427 = arith.addi %add3A_426, %scan3A_425 : i32
        %get3A_428 = arith.index_cast %add3A_427 : i32 to index
        %get3A_429 = arith.constant 0 : index
        %get3A_430 = tpu.vector_load %arg9[%get3A_428, %get3A_429] {strides = array<i32>} : memref<512x64xf32, #tpu.memory_space<vmem>>, vector<16xf32>,
        %add3A_431 = arith.addf %get3A_430, %get3A_207 : vector<16xf32>
        %add3A_432 = arith.constant 128 : i32
        %add3A_433 = arith.addi %add3A_432, %scan3A_425 : i32
        %swap3A_434 = arith.index_cast %add3A_433 : i32 to index
        %swap3A_435 = arith.constant 0 : index
        %swap3A_436 = tpu.vector_load %arg9[%swap3A_434, %swap3A_435] {strides = array<i32>} : memref<512x64xf32, #tpu.memory_space<vmem>>, vector<16xf32>,
        tpu.vector_store %arg9[%swap3A_434, %swap3A_435], %add3A_431 {strides = array<i32>} : memref<512x64xf32, #tpu.memory_space<vmem>>, vector<16xf32>,
        %add3A_437 = arith.constant 128 : i32
        %add3A_438 = arith.addi %add3A_437, %scan3A_425 : i32
        %get3A_439 = arith.index_cast %add3A_438 : i32 to index
        %get3A_440 = arith.constant 16 : index
        %get3A_441 = tpu.vector_load %arg9[%get3A_439, %get3A_440] {strides = array<i32>} : memref<512x64xf32, #tpu.memory_space<vmem>>, vector<16xf32>,
        %add3A_442 = arith.addf %get3A_441, %get3A_210 : vector<16xf32>
        %add3A_443 = arith.constant 128 : i32
        %add3A_444 = arith.addi %add3A_443, %scan3A_425 : i32
        %swap3A_445 = arith.index_cast %add3A_444 : i32 to index
        %swap3A_446 = arith.constant 16 : index
        %swap3A_447 = tpu.vector_load %arg9[%swap3A_445, %swap3A_446] {strides = array<i32>} : memref<512x64xf32, #tpu.memory_space<vmem>>, vector<16xf32>,
        tpu.vector_store %arg9[%swap3A_445, %swap3A_446], %add3A_442 {strides = array<i32>} : memref<512x64xf32, #tpu.memory_space<vmem>>, vector<16xf32>,
        %add3A_448 = arith.constant 128 : i32
        %add3A_449 = arith.addi %add3A_448, %scan3A_425 : i32
        %get3A_450 = arith.index_cast %add3A_449 : i32 to index
        %get3A_451 = arith.constant 32 : index
        %get3A_452 = tpu.vector_load %arg9[%get3A_450, %get3A_451] {strides = array<i32>} : memref<512x64xf32, #tpu.memory_space<vmem>>, vector<16xf32>,
        %add3A_453 = arith.addf %get3A_452, %get3A_213 : vector<16xf32>
        %add3A_454 = arith.constant 128 : i32
        %add3A_455 = arith.addi %add3A_454, %scan3A_425 : i32
        %swap3A_456 = arith.index_cast %add3A_455 : i32 to index
        %swap3A_457 = arith.constant 32 : index
        %swap3A_458 = tpu.vector_load %arg9[%swap3A_456, %swap3A_457] {strides = array<i32>} : memref<512x64xf32, #tpu.memory_space<vmem>>, vector<16xf32>,
        tpu.vector_store %arg9[%swap3A_456, %swap3A_457], %add3A_453 {strides = array<i32>} : memref<512x64xf32, #tpu.memory_space<vmem>>, vector<16xf32>,
        %add3A_459 = arith.constant 128 : i32
        %add3A_460 = arith.addi %add3A_459, %scan3A_425 : i32
        %get3A_461 = arith.index_cast %add3A_460 : i32 to index
        %get3A_462 = arith.constant 48 : index
        %get3A_463 = tpu.vector_load %arg9[%get3A_461, %get3A_462] {strides = array<i32>} : memref<512x64xf32, #tpu.memory_space<vmem>>, vector<16xf32>,
        %add3A_464 = arith.addf %get3A_463, %get3A_216 : vector<16xf32>
        %add3A_465 = arith.constant 128 : i32
        %add3A_466 = arith.addi %add3A_465, %scan3A_425 : i32
        %swap3A_467 = arith.index_cast %add3A_466 : i32 to index
        %swap3A_468 = arith.constant 48 : index
        %swap3A_469 = tpu.vector_load %arg9[%swap3A_467, %swap3A_468] {strides = array<i32>} : memref<512x64xf32, #tpu.memory_space<vmem>>, vector<16xf32>,
        tpu.vector_store %arg9[%swap3A_467, %swap3A_468], %add3A_464 {strides = array<i32>} : memref<512x64xf32, #tpu.memory_space<vmem>>, vector<16xf32>,
        %scan3A_470 = arith.constant 0 : i32
        %scan3A_471 = arith.constant 2 : i32
        %scan3A_472 = arith.addi %scan3A_378, %scan3A_471 : i32
        %add3A_473 = arith.constant 128 : i32
        %add3A_474 = arith.addi %add3A_473, %scan3A_472 : i32
        %get3A_475 = arith.index_cast %add3A_474 : i32 to index
        %get3A_476 = arith.constant 0 : index
        %get3A_477 = tpu.vector_load %arg9[%get3A_475, %get3A_476] {strides = array<i32>} : memref<512x64xf32, #tpu.memory_space<vmem>>, vector<16xf32>,
        %add3A_478 = arith.addf %get3A_477, %get3A_207 : vector<16xf32>
        %add3A_479 = arith.constant 128 : i32
        %add3A_480 = arith.addi %add3A_479, %scan3A_472 : i32
        %swap3A_481 = arith.index_cast %add3A_480 : i32 to index
        %swap3A_482 = arith.constant 0 : index
        %swap3A_483 = tpu.vector_load %arg9[%swap3A_481, %swap3A_482] {strides = array<i32>} : memref<512x64xf32, #tpu.memory_space<vmem>>, vector<16xf32>,
        tpu.vector_store %arg9[%swap3A_481, %swap3A_482], %add3A_478 {strides = array<i32>} : memref<512x64xf32, #tpu.memory_space<vmem>>, vector<16xf32>,
        %add3A_484 = arith.constant 128 : i32
        %add3A_485 = arith.addi %add3A_484, %scan3A_472 : i32
        %get3A_486 = arith.index_cast %add3A_485 : i32 to index
        %get3A_487 = arith.constant 16 : index
        %get3A_488 = tpu.vector_load %arg9[%get3A_486, %get3A_487] {strides = array<i32>} : memref<512x64xf32, #tpu.memory_space<vmem>>, vector<16xf32>,
        %add3A_489 = arith.addf %get3A_488, %get3A_210 : vector<16xf32>
        %add3A_490 = arith.constant 128 : i32
        %add3A_491 = arith.addi %add3A_490, %scan3A_472 : i32
        %swap3A_492 = arith.index_cast %add3A_491 : i32 to index
        %swap3A_493 = arith.constant 16 : index
        %swap3A_494 = tpu.vector_load %arg9[%swap3A_492, %swap3A_493] {strides = array<i32>} : memref<512x64xf32, #tpu.memory_space<vmem>>, vector<16xf32>,
        tpu.vector_store %arg9[%swap3A_492, %swap3A_493], %add3A_489 {strides = array<i32>} : memref<512x64xf32, #tpu.memory_space<vmem>>, vector<16xf32>,
        %add3A_495 = arith.constant 128 : i32
        %add3A_496 = arith.addi %add3A_495, %scan3A_472 : i32
        %get3A_497 = arith.index_cast %add3A_496 : i32 to index
        %get3A_498 = arith.constant 32 : index
        %get3A_499 = tpu.vector_load %arg9[%get3A_497, %get3A_498] {strides = array<i32>} : memref<512x64xf32, #tpu.memory_space<vmem>>, vector<16xf32>,
        %add3A_500 = arith.addf %get3A_499, %get3A_213 : vector<16xf32>
        %add3A_501 = arith.constant 128 : i32
        %add3A_502 = arith.addi %add3A_501, %scan3A_472 : i32
        %swap3A_503 = arith.index_cast %add3A_502 : i32 to index
        %swap3A_504 = arith.constant 32 : index
        %swap3A_505 = tpu.vector_load %arg9[%swap3A_503, %swap3A_504] {strides = array<i32>} : memref<512x64xf32, #tpu.memory_space<vmem>>, vector<16xf32>,
        tpu.vector_store %arg9[%swap3A_503, %swap3A_504], %add3A_500 {strides = array<i32>} : memref<512x64xf32, #tpu.memory_space<vmem>>, vector<16xf32>,
        %add3A_506 = arith.constant 128 : i32
        %add3A_507 = arith.addi %add3A_506, %scan3A_472 : i32
        %get3A_508 = arith.index_cast %add3A_507 : i32 to index
        %get3A_509 = arith.constant 48 : index
        %get3A_510 = tpu.vector_load %arg9[%get3A_508, %get3A_509] {strides = array<i32>} : memref<512x64xf32, #tpu.memory_space<vmem>>, vector<16xf32>,
        %add3A_511 = arith.addf %get3A_510, %get3A_216 : vector<16xf32>
        %add3A_512 = arith.constant 128 : i32
        %add3A_513 = arith.addi %add3A_512, %scan3A_472 : i32
        %swap3A_514 = arith.index_cast %add3A_513 : i32 to index
        %swap3A_515 = arith.constant 48 : index
        %swap3A_516 = tpu.vector_load %arg9[%swap3A_514, %swap3A_515] {strides = array<i32>} : memref<512x64xf32, #tpu.memory_space<vmem>>, vector<16xf32>,
        tpu.vector_store %arg9[%swap3A_514, %swap3A_515], %add3A_511 {strides = array<i32>} : memref<512x64xf32, #tpu.memory_space<vmem>>, vector<16xf32>,
        %scan3A_517 = arith.constant 0 : i32
        %scan3A_518 = arith.constant 3 : i32
        %scan3A_519 = arith.addi %scan3A_378, %scan3A_518 : i32
        %add3A_520 = arith.constant 128 : i32
        %add3A_521 = arith.addi %add3A_520, %scan3A_519 : i32
        %get3A_522 = arith.index_cast %add3A_521 : i32 to index
        %get3A_523 = arith.constant 0 : index
        %get3A_524 = tpu.vector_load %arg9[%get3A_522, %get3A_523] {strides = array<i32>} : memref<512x64xf32, #tpu.memory_space<vmem>>, vector<16xf32>,
        %add3A_525 = arith.addf %get3A_524, %get3A_207 : vector<16xf32>
        %add3A_526 = arith.constant 128 : i32
        %add3A_527 = arith.addi %add3A_526, %scan3A_519 : i32
        %swap3A_528 = arith.index_cast %add3A_527 : i32 to index
        %swap3A_529 = arith.constant 0 : index
        %swap3A_530 = tpu.vector_load %arg9[%swap3A_528, %swap3A_529] {strides = array<i32>} : memref<512x64xf32, #tpu.memory_space<vmem>>, vector<16xf32>,
        tpu.vector_store %arg9[%swap3A_528, %swap3A_529], %add3A_525 {strides = array<i32>} : memref<512x64xf32, #tpu.memory_space<vmem>>, vector<16xf32>,
        %add3A_531 = arith.constant 128 : i32
        %add3A_532 = arith.addi %add3A_531, %scan3A_519 : i32
        %get3A_533 = arith.index_cast %add3A_532 : i32 to index
        %get3A_534 = arith.constant 16 : index
        %get3A_535 = tpu.vector_load %arg9[%get3A_533, %get3A_534] {strides = array<i32>} : memref<512x64xf32, #tpu.memory_space<vmem>>, vector<16xf32>,
        %add3A_536 = arith.addf %get3A_535, %get3A_210 : vector<16xf32>
        %add3A_537 = arith.constant 128 : i32
        %add3A_538 = arith.addi %add3A_537, %scan3A_519 : i32
        %swap3A_539 = arith.index_cast %add3A_538 : i32 to index
        %swap3A_540 = arith.constant 16 : index
        %swap3A_541 = tpu.vector_load %arg9[%swap3A_539, %swap3A_540] {strides = array<i32>} : memref<512x64xf32, #tpu.memory_space<vmem>>, vector<16xf32>,
        tpu.vector_store %arg9[%swap3A_539, %swap3A_540], %add3A_536 {strides = array<i32>} : memref<512x64xf32, #tpu.memory_space<vmem>>, vector<16xf32>,
        %add3A_542 = arith.constant 128 : i32
        %add3A_543 = arith.addi %add3A_542, %scan3A_519 : i32
        %get3A_544 = arith.index_cast %add3A_543 : i32 to index
        %get3A_545 = arith.constant 32 : index
        %get3A_546 = tpu.vector_load %arg9[%get3A_544, %get3A_545] {strides = array<i32>} : memref<512x64xf32, #tpu.memory_space<vmem>>, vector<16xf32>,
        %add3A_547 = arith.addf %get3A_546, %get3A_213 : vector<16xf32>
        %add3A_548 = arith.constant 128 : i32
        %add3A_549 = arith.addi %add3A_548, %scan3A_519 : i32
        %swap3A_550 = arith.index_cast %add3A_549 : i32 to index
        %swap3A_551 = arith.constant 32 : index
        %swap3A_552 = tpu.vector_load %arg9[%swap3A_550, %swap3A_551] {strides = array<i32>} : memref<512x64xf32, #tpu.memory_space<vmem>>, vector<16xf32>,
        tpu.vector_store %arg9[%swap3A_550, %swap3A_551], %add3A_547 {strides = array<i32>} : memref<512x64xf32, #tpu.memory_space<vmem>>, vector<16xf32>,
        %add3A_553 = arith.constant 128 : i32
        %add3A_554 = arith.addi %add3A_553, %scan3A_519 : i32
        %get3A_555 = arith.index_cast %add3A_554 : i32 to index
        %get3A_556 = arith.constant 48 : index
        %get3A_557 = tpu.vector_load %arg9[%get3A_555, %get3A_556] {strides = array<i32>} : memref<512x64xf32, #tpu.memory_space<vmem>>, vector<16xf32>,
        %add3A_558 = arith.addf %get3A_557, %get3A_216 : vector<16xf32>
        %add3A_559 = arith.constant 128 : i32
        %add3A_560 = arith.addi %add3A_559, %scan3A_519 : i32
        %swap3A_561 = arith.index_cast %add3A_560 : i32 to index
        %swap3A_562 = arith.constant 48 : index
        %swap3A_563 = tpu.vector_load %arg9[%swap3A_561, %swap3A_562] {strides = array<i32>} : memref<512x64xf32, #tpu.memory_space<vmem>>, vector<16xf32>,
        tpu.vector_store %arg9[%swap3A_561, %swap3A_562], %add3A_558 {strides = array<i32>} : memref<512x64xf32, #tpu.memory_space<vmem>>, vector<16xf32>,
        %scan3A_564 = arith.constant 0 : i32
        scf.yield %scan3A_564 : i32
      }
      %scan3A_223 = arith.constant 128 : i32
      %scan3A_224 = arith.constant 0 : i32
      %scan3A_225 = arith.constant 0 : i32
      %scan3A_226 = arith.constant 128 : i32
      %scan3A_227 = arith.addi %scan3A_225, %scan3A_226 : i32
      %scan3A_228 = arith.constant 4 : i32
      %scan3A_229 = scf.for %scan3A_378 = %scan3A_225 to %scan3A_227 step %scan3A_228 iter_args(%scan3A_379 = %scan3A_224) -> (i32)  : i32 {
        %shift_right_logical3A = arith.constant 4 : i32
        %shift_right_logical3A_380 = arith.shrui %scan3A_378, %shift_right_logical3A : i32
        %and3A = arith.constant 15 : i32
        %and3A_381 = arith.andi %scan3A_378, %and3A : i32
        %mul3A_382 = arith.constant 16 : i32
        %mul3A_383 = arith.muli %shift_right_logical3A_380, %mul3A_382 : i32
        %add3A_384 = vector.broadcast %mul3A_383 : i32 to vector<16xi32>
        %add3A_385 = arith.addi %add3A_384, %iota3A : vector<16xi32>
        %add3A_386 = arith.constant 128 : i32
        %add3A_387 = vector.broadcast %add3A_386 : i32 to vector<16xi32>
        %add3A_388 = arith.addi %add3A_387, %add3A_385 : vector<16xi32>
        %add3A_389 = vector.broadcast %and3A_381 : i32 to vector<16xi32>
        %add3A_390 = arith.addi %iota3A, %add3A_389 : vector<16xi32>
        %and3A_391 = arith.constant 15 : i32
        %and3A_392 = vector.broadcast %and3A_391 : i32 to vector<16xi32>
        %and3A_393 = arith.andi %add3A_390, %and3A_392 : vector<16xi32>
        %shift_right_logical3A_394 = arith.constant 3 : i32
        %shift_right_logical3A_395 = vector.broadcast %shift_right_logical3A_394 : i32 to vector<16xi32>
        %shift_right_logical3A_396 = arith.shrui %and3A_393, %shift_right_logical3A_395 : vector<16xi32>
        %and3A_397 = arith.constant 7 : i32
        %and3A_398 = vector.broadcast %and3A_397 : i32 to vector<16xi32>
        %and3A_399 = arith.andi %and3A_393, %and3A_398 : vector<16xi32>
        %add3A_400 = arith.constant 0 : i32
        %add3A_401 = vector.broadcast %add3A_400 : i32 to vector<16xi32>
        %add3A_402 = arith.addi %add3A_401, %and3A_393 : vector<16xi32>
        %gather3A = tpu.vector_load_idx %arg9[%add3A_388, %add3A_402] : memref<512x64xf32, #tpu.memory_space<vmem>>[vector<16xi32>, vector<16xi32>], vector<16xf32>,
        %add3A_403 = arith.constant 8 : i32
        %add3A_404 = vector.broadcast %add3A_403 : i32 to vector<16xi32>
        %add3A_405 = arith.addi %add3A_404, %shift_right_logical3A_396 : vector<16xi32>
        tpu.vector_store_idx %arg10[%add3A_405, %mul3A_20, %and3A_399, %add3A_385], %gather3A : memref<32x1x8x128xf32, #tpu.memory_space<vmem>>[vector<16xi32>, vector<16xi32>, vector<16xi32>, vector<16xi32>], vector<16xf32>,
        %add3A_406 = arith.constant 16 : i32
        %add3A_407 = vector.broadcast %add3A_406 : i32 to vector<16xi32>
        %add3A_408 = arith.addi %add3A_407, %and3A_393 : vector<16xi32>
        %gather3A_409 = tpu.vector_load_idx %arg9[%add3A_388, %add3A_408] : memref<512x64xf32, #tpu.memory_space<vmem>>[vector<16xi32>, vector<16xi32>], vector<16xf32>,
        %add3A_410 = arith.constant 10 : i32
        %add3A_411 = vector.broadcast %add3A_410 : i32 to vector<16xi32>
        %add3A_412 = arith.addi %add3A_411, %shift_right_logical3A_396 : vector<16xi32>
        tpu.vector_store_idx %arg10[%add3A_412, %mul3A_20, %and3A_399, %add3A_385], %gather3A_409 : memref<32x1x8x128xf32, #tpu.memory_space<vmem>>[vector<16xi32>, vector<16xi32>, vector<16xi32>, vector<16xi32>], vector<16xf32>,
        %add3A_413 = arith.constant 32 : i32
        %add3A_414 = vector.broadcast %add3A_413 : i32 to vector<16xi32>
        %add3A_415 = arith.addi %add3A_414, %and3A_393 : vector<16xi32>
        %gather3A_416 = tpu.vector_load_idx %arg9[%add3A_388, %add3A_415] : memref<512x64xf32, #tpu.memory_space<vmem>>[vector<16xi32>, vector<16xi32>], vector<16xf32>,
        %add3A_417 = arith.constant 12 : i32
        %add3A_418 = vector.broadcast %add3A_417 : i32 to vector<16xi32>
        %add3A_419 = arith.addi %add3A_418, %shift_right_logical3A_396 : vector<16xi32>
        tpu.vector_store_idx %arg10[%add3A_419, %mul3A_20, %and3A_399, %add3A_385], %gather3A_416 : memref<32x1x8x128xf32, #tpu.memory_space<vmem>>[vector<16xi32>, vector<16xi32>, vector<16xi32>, vector<16xi32>], vector<16xf32>,
        %add3A_420 = arith.constant 48 : i32
        %add3A_421 = vector.broadcast %add3A_420 : i32 to vector<16xi32>
        %add3A_422 = arith.addi %add3A_421, %and3A_393 : vector<16xi32>
        %gather3A_423 = tpu.vector_load_idx %arg9[%add3A_388, %add3A_422] : memref<512x64xf32, #tpu.memory_space<vmem>>[vector<16xi32>, vector<16xi32>], vector<16xf32>,
        %add3A_424 = arith.constant 14 : i32
        %add3A_425 = vector.broadcast %add3A_424 : i32 to vector<16xi32>
        %add3A_426 = arith.addi %add3A_425, %shift_right_logical3A_396 : vector<16xi32>
        tpu.vector_store_idx %arg10[%add3A_426, %mul3A_20, %and3A_399, %add3A_385], %gather3A_423 : memref<32x1x8x128xf32, #tpu.memory_space<vmem>>[vector<16xi32>, vector<16xi32>, vector<16xi32>, vector<16xi32>], vector<16xf32>,
        %scan3A_427 = arith.constant 0 : i32
        %scan3A_428 = arith.constant 1 : i32
        %scan3A_429 = arith.addi %scan3A_378, %scan3A_428 : i32
        %shift_right_logical3A_430 = arith.constant 4 : i32
        %shift_right_logical3A_431 = arith.shrui %scan3A_429, %shift_right_logical3A_430 : i32
        %and3A_432 = arith.constant 15 : i32
        %and3A_433 = arith.andi %scan3A_429, %and3A_432 : i32
        %mul3A_434 = arith.constant 16 : i32
        %mul3A_435 = arith.muli %shift_right_logical3A_431, %mul3A_434 : i32
        %add3A_436 = vector.broadcast %mul3A_435 : i32 to vector<16xi32>
        %add3A_437 = arith.addi %add3A_436, %iota3A : vector<16xi32>
        %add3A_438 = arith.constant 128 : i32
        %add3A_439 = vector.broadcast %add3A_438 : i32 to vector<16xi32>
        %add3A_440 = arith.addi %add3A_439, %add3A_437 : vector<16xi32>
        %add3A_441 = vector.broadcast %and3A_433 : i32 to vector<16xi32>
        %add3A_442 = arith.addi %iota3A, %add3A_441 : vector<16xi32>
        %and3A_443 = arith.constant 15 : i32
        %and3A_444 = vector.broadcast %and3A_443 : i32 to vector<16xi32>
        %and3A_445 = arith.andi %add3A_442, %and3A_444 : vector<16xi32>
        %shift_right_logical3A_446 = arith.constant 3 : i32
        %shift_right_logical3A_447 = vector.broadcast %shift_right_logical3A_446 : i32 to vector<16xi32>
        %shift_right_logical3A_448 = arith.shrui %and3A_445, %shift_right_logical3A_447 : vector<16xi32>
        %and3A_449 = arith.constant 7 : i32
        %and3A_450 = vector.broadcast %and3A_449 : i32 to vector<16xi32>
        %and3A_451 = arith.andi %and3A_445, %and3A_450 : vector<16xi32>
        %add3A_452 = arith.constant 0 : i32
        %add3A_453 = vector.broadcast %add3A_452 : i32 to vector<16xi32>
        %add3A_454 = arith.addi %add3A_453, %and3A_445 : vector<16xi32>
        %gather3A_455 = tpu.vector_load_idx %arg9[%add3A_440, %add3A_454] : memref<512x64xf32, #tpu.memory_space<vmem>>[vector<16xi32>, vector<16xi32>], vector<16xf32>,
        %add3A_456 = arith.constant 8 : i32
        %add3A_457 = vector.broadcast %add3A_456 : i32 to vector<16xi32>
        %add3A_458 = arith.addi %add3A_457, %shift_right_logical3A_448 : vector<16xi32>
        tpu.vector_store_idx %arg10[%add3A_458, %mul3A_20, %and3A_451, %add3A_437], %gather3A_455 : memref<32x1x8x128xf32, #tpu.memory_space<vmem>>[vector<16xi32>, vector<16xi32>, vector<16xi32>, vector<16xi32>], vector<16xf32>,
        %add3A_459 = arith.constant 16 : i32
        %add3A_460 = vector.broadcast %add3A_459 : i32 to vector<16xi32>
        %add3A_461 = arith.addi %add3A_460, %and3A_445 : vector<16xi32>
        %gather3A_462 = tpu.vector_load_idx %arg9[%add3A_440, %add3A_461] : memref<512x64xf32, #tpu.memory_space<vmem>>[vector<16xi32>, vector<16xi32>], vector<16xf32>,
        %add3A_463 = arith.constant 10 : i32
        %add3A_464 = vector.broadcast %add3A_463 : i32 to vector<16xi32>
        %add3A_465 = arith.addi %add3A_464, %shift_right_logical3A_448 : vector<16xi32>
        tpu.vector_store_idx %arg10[%add3A_465, %mul3A_20, %and3A_451, %add3A_437], %gather3A_462 : memref<32x1x8x128xf32, #tpu.memory_space<vmem>>[vector<16xi32>, vector<16xi32>, vector<16xi32>, vector<16xi32>], vector<16xf32>,
        %add3A_466 = arith.constant 32 : i32
        %add3A_467 = vector.broadcast %add3A_466 : i32 to vector<16xi32>
        %add3A_468 = arith.addi %add3A_467, %and3A_445 : vector<16xi32>
        %gather3A_469 = tpu.vector_load_idx %arg9[%add3A_440, %add3A_468] : memref<512x64xf32, #tpu.memory_space<vmem>>[vector<16xi32>, vector<16xi32>], vector<16xf32>,
        %add3A_470 = arith.constant 12 : i32
        %add3A_471 = vector.broadcast %add3A_470 : i32 to vector<16xi32>
        %add3A_472 = arith.addi %add3A_471, %shift_right_logical3A_448 : vector<16xi32>
        tpu.vector_store_idx %arg10[%add3A_472, %mul3A_20, %and3A_451, %add3A_437], %gather3A_469 : memref<32x1x8x128xf32, #tpu.memory_space<vmem>>[vector<16xi32>, vector<16xi32>, vector<16xi32>, vector<16xi32>], vector<16xf32>,
        %add3A_473 = arith.constant 48 : i32
        %add3A_474 = vector.broadcast %add3A_473 : i32 to vector<16xi32>
        %add3A_475 = arith.addi %add3A_474, %and3A_445 : vector<16xi32>
        %gather3A_476 = tpu.vector_load_idx %arg9[%add3A_440, %add3A_475] : memref<512x64xf32, #tpu.memory_space<vmem>>[vector<16xi32>, vector<16xi32>], vector<16xf32>,
        %add3A_477 = arith.constant 14 : i32
        %add3A_478 = vector.broadcast %add3A_477 : i32 to vector<16xi32>
        %add3A_479 = arith.addi %add3A_478, %shift_right_logical3A_448 : vector<16xi32>
        tpu.vector_store_idx %arg10[%add3A_479, %mul3A_20, %and3A_451, %add3A_437], %gather3A_476 : memref<32x1x8x128xf32, #tpu.memory_space<vmem>>[vector<16xi32>, vector<16xi32>, vector<16xi32>, vector<16xi32>], vector<16xf32>,
        %scan3A_480 = arith.constant 0 : i32
        %scan3A_481 = arith.constant 2 : i32
        %scan3A_482 = arith.addi %scan3A_378, %scan3A_481 : i32
        %shift_right_logical3A_483 = arith.constant 4 : i32
        %shift_right_logical3A_484 = arith.shrui %scan3A_482, %shift_right_logical3A_483 : i32
        %and3A_485 = arith.constant 15 : i32
        %and3A_486 = arith.andi %scan3A_482, %and3A_485 : i32
        %mul3A_487 = arith.constant 16 : i32
        %mul3A_488 = arith.muli %shift_right_logical3A_484, %mul3A_487 : i32
        %add3A_489 = vector.broadcast %mul3A_488 : i32 to vector<16xi32>
        %add3A_490 = arith.addi %add3A_489, %iota3A : vector<16xi32>
        %add3A_491 = arith.constant 128 : i32
        %add3A_492 = vector.broadcast %add3A_491 : i32 to vector<16xi32>
        %add3A_493 = arith.addi %add3A_492, %add3A_490 : vector<16xi32>
        %add3A_494 = vector.broadcast %and3A_486 : i32 to vector<16xi32>
        %add3A_495 = arith.addi %iota3A, %add3A_494 : vector<16xi32>
        %and3A_496 = arith.constant 15 : i32
        %and3A_497 = vector.broadcast %and3A_496 : i32 to vector<16xi32>
        %and3A_498 = arith.andi %add3A_495, %and3A_497 : vector<16xi32>
        %shift_right_logical3A_499 = arith.constant 3 : i32
        %shift_right_logical3A_500 = vector.broadcast %shift_right_logical3A_499 : i32 to vector<16xi32>
        %shift_right_logical3A_501 = arith.shrui %and3A_498, %shift_right_logical3A_500 : vector<16xi32>
        %and3A_502 = arith.constant 7 : i32
        %and3A_503 = vector.broadcast %and3A_502 : i32 to vector<16xi32>
        %and3A_504 = arith.andi %and3A_498, %and3A_503 : vector<16xi32>
        %add3A_505 = arith.constant 0 : i32
        %add3A_506 = vector.broadcast %add3A_505 : i32 to vector<16xi32>
        %add3A_507 = arith.addi %add3A_506, %and3A_498 : vector<16xi32>
        %gather3A_508 = tpu.vector_load_idx %arg9[%add3A_493, %add3A_507] : memref<512x64xf32, #tpu.memory_space<vmem>>[vector<16xi32>, vector<16xi32>], vector<16xf32>,
        %add3A_509 = arith.constant 8 : i32
        %add3A_510 = vector.broadcast %add3A_509 : i32 to vector<16xi32>
        %add3A_511 = arith.addi %add3A_510, %shift_right_logical3A_501 : vector<16xi32>
        tpu.vector_store_idx %arg10[%add3A_511, %mul3A_20, %and3A_504, %add3A_490], %gather3A_508 : memref<32x1x8x128xf32, #tpu.memory_space<vmem>>[vector<16xi32>, vector<16xi32>, vector<16xi32>, vector<16xi32>], vector<16xf32>,
        %add3A_512 = arith.constant 16 : i32
        %add3A_513 = vector.broadcast %add3A_512 : i32 to vector<16xi32>
        %add3A_514 = arith.addi %add3A_513, %and3A_498 : vector<16xi32>
        %gather3A_515 = tpu.vector_load_idx %arg9[%add3A_493, %add3A_514] : memref<512x64xf32, #tpu.memory_space<vmem>>[vector<16xi32>, vector<16xi32>], vector<16xf32>,
        %add3A_516 = arith.constant 10 : i32
        %add3A_517 = vector.broadcast %add3A_516 : i32 to vector<16xi32>
        %add3A_518 = arith.addi %add3A_517, %shift_right_logical3A_501 : vector<16xi32>
        tpu.vector_store_idx %arg10[%add3A_518, %mul3A_20, %and3A_504, %add3A_490], %gather3A_515 : memref<32x1x8x128xf32, #tpu.memory_space<vmem>>[vector<16xi32>, vector<16xi32>, vector<16xi32>, vector<16xi32>], vector<16xf32>,
        %add3A_519 = arith.constant 32 : i32
        %add3A_520 = vector.broadcast %add3A_519 : i32 to vector<16xi32>
        %add3A_521 = arith.addi %add3A_520, %and3A_498 : vector<16xi32>
        %gather3A_522 = tpu.vector_load_idx %arg9[%add3A_493, %add3A_521] : memref<512x64xf32, #tpu.memory_space<vmem>>[vector<16xi32>, vector<16xi32>], vector<16xf32>,
        %add3A_523 = arith.constant 12 : i32
        %add3A_524 = vector.broadcast %add3A_523 : i32 to vector<16xi32>
        %add3A_525 = arith.addi %add3A_524, %shift_right_logical3A_501 : vector<16xi32>
        tpu.vector_store_idx %arg10[%add3A_525, %mul3A_20, %and3A_504, %add3A_490], %gather3A_522 : memref<32x1x8x128xf32, #tpu.memory_space<vmem>>[vector<16xi32>, vector<16xi32>, vector<16xi32>, vector<16xi32>], vector<16xf32>,
        %add3A_526 = arith.constant 48 : i32
        %add3A_527 = vector.broadcast %add3A_526 : i32 to vector<16xi32>
        %add3A_528 = arith.addi %add3A_527, %and3A_498 : vector<16xi32>
        %gather3A_529 = tpu.vector_load_idx %arg9[%add3A_493, %add3A_528] : memref<512x64xf32, #tpu.memory_space<vmem>>[vector<16xi32>, vector<16xi32>], vector<16xf32>,
        %add3A_530 = arith.constant 14 : i32
        %add3A_531 = vector.broadcast %add3A_530 : i32 to vector<16xi32>
        %add3A_532 = arith.addi %add3A_531, %shift_right_logical3A_501 : vector<16xi32>
        tpu.vector_store_idx %arg10[%add3A_532, %mul3A_20, %and3A_504, %add3A_490], %gather3A_529 : memref<32x1x8x128xf32, #tpu.memory_space<vmem>>[vector<16xi32>, vector<16xi32>, vector<16xi32>, vector<16xi32>], vector<16xf32>,
        %scan3A_533 = arith.constant 0 : i32
        %scan3A_534 = arith.constant 3 : i32
        %scan3A_535 = arith.addi %scan3A_378, %scan3A_534 : i32
        %shift_right_logical3A_536 = arith.constant 4 : i32
        %shift_right_logical3A_537 = arith.shrui %scan3A_535, %shift_right_logical3A_536 : i32
        %and3A_538 = arith.constant 15 : i32
        %and3A_539 = arith.andi %scan3A_535, %and3A_538 : i32
        %mul3A_540 = arith.constant 16 : i32
        %mul3A_541 = arith.muli %shift_right_logical3A_537, %mul3A_540 : i32
        %add3A_542 = vector.broadcast %mul3A_541 : i32 to vector<16xi32>
        %add3A_543 = arith.addi %add3A_542, %iota3A : vector<16xi32>
        %add3A_544 = arith.constant 128 : i32
        %add3A_545 = vector.broadcast %add3A_544 : i32 to vector<16xi32>
        %add3A_546 = arith.addi %add3A_545, %add3A_543 : vector<16xi32>
        %add3A_547 = vector.broadcast %and3A_539 : i32 to vector<16xi32>
        %add3A_548 = arith.addi %iota3A, %add3A_547 : vector<16xi32>
        %and3A_549 = arith.constant 15 : i32
        %and3A_550 = vector.broadcast %and3A_549 : i32 to vector<16xi32>
        %and3A_551 = arith.andi %add3A_548, %and3A_550 : vector<16xi32>
        %shift_right_logical3A_552 = arith.constant 3 : i32
        %shift_right_logical3A_553 = vector.broadcast %shift_right_logical3A_552 : i32 to vector<16xi32>
        %shift_right_logical3A_554 = arith.shrui %and3A_551, %shift_right_logical3A_553 : vector<16xi32>
        %and3A_555 = arith.constant 7 : i32
        %and3A_556 = vector.broadcast %and3A_555 : i32 to vector<16xi32>
        %and3A_557 = arith.andi %and3A_551, %and3A_556 : vector<16xi32>
        %add3A_558 = arith.constant 0 : i32
        %add3A_559 = vector.broadcast %add3A_558 : i32 to vector<16xi32>
        %add3A_560 = arith.addi %add3A_559, %and3A_551 : vector<16xi32>
        %gather3A_561 = tpu.vector_load_idx %arg9[%add3A_546, %add3A_560] : memref<512x64xf32, #tpu.memory_space<vmem>>[vector<16xi32>, vector<16xi32>], vector<16xf32>,
        %add3A_562 = arith.constant 8 : i32
        %add3A_563 = vector.broadcast %add3A_562 : i32 to vector<16xi32>
        %add3A_564 = arith.addi %add3A_563, %shift_right_logical3A_554 : vector<16xi32>
        tpu.vector_store_idx %arg10[%add3A_564, %mul3A_20, %and3A_557, %add3A_543], %gather3A_561 : memref<32x1x8x128xf32, #tpu.memory_space<vmem>>[vector<16xi32>, vector<16xi32>, vector<16xi32>, vector<16xi32>], vector<16xf32>,
        %add3A_565 = arith.constant 16 : i32
        %add3A_566 = vector.broadcast %add3A_565 : i32 to vector<16xi32>
        %add3A_567 = arith.addi %add3A_566, %and3A_551 : vector<16xi32>
        %gather3A_568 = tpu.vector_load_idx %arg9[%add3A_546, %add3A_567] : memref<512x64xf32, #tpu.memory_space<vmem>>[vector<16xi32>, vector<16xi32>], vector<16xf32>,
        %add3A_569 = arith.constant 10 : i32
        %add3A_570 = vector.broadcast %add3A_569 : i32 to vector<16xi32>
        %add3A_571 = arith.addi %add3A_570, %shift_right_logical3A_554 : vector<16xi32>
        tpu.vector_store_idx %arg10[%add3A_571, %mul3A_20, %and3A_557, %add3A_543], %gather3A_568 : memref<32x1x8x128xf32, #tpu.memory_space<vmem>>[vector<16xi32>, vector<16xi32>, vector<16xi32>, vector<16xi32>], vector<16xf32>,
        %add3A_572 = arith.constant 32 : i32
        %add3A_573 = vector.broadcast %add3A_572 : i32 to vector<16xi32>
        %add3A_574 = arith.addi %add3A_573, %and3A_551 : vector<16xi32>
        %gather3A_575 = tpu.vector_load_idx %arg9[%add3A_546, %add3A_574] : memref<512x64xf32, #tpu.memory_space<vmem>>[vector<16xi32>, vector<16xi32>], vector<16xf32>,
        %add3A_576 = arith.constant 12 : i32
        %add3A_577 = vector.broadcast %add3A_576 : i32 to vector<16xi32>
        %add3A_578 = arith.addi %add3A_577, %shift_right_logical3A_554 : vector<16xi32>
        tpu.vector_store_idx %arg10[%add3A_578, %mul3A_20, %and3A_557, %add3A_543], %gather3A_575 : memref<32x1x8x128xf32, #tpu.memory_space<vmem>>[vector<16xi32>, vector<16xi32>, vector<16xi32>, vector<16xi32>], vector<16xf32>,
        %add3A_579 = arith.constant 48 : i32
        %add3A_580 = vector.broadcast %add3A_579 : i32 to vector<16xi32>
        %add3A_581 = arith.addi %add3A_580, %and3A_551 : vector<16xi32>
        %gather3A_582 = tpu.vector_load_idx %arg9[%add3A_546, %add3A_581] : memref<512x64xf32, #tpu.memory_space<vmem>>[vector<16xi32>, vector<16xi32>], vector<16xf32>,
        %add3A_583 = arith.constant 14 : i32
        %add3A_584 = vector.broadcast %add3A_583 : i32 to vector<16xi32>
        %add3A_585 = arith.addi %add3A_584, %shift_right_logical3A_554 : vector<16xi32>
        tpu.vector_store_idx %arg10[%add3A_585, %mul3A_20, %and3A_557, %add3A_543], %gather3A_582 : memref<32x1x8x128xf32, #tpu.memory_space<vmem>>[vector<16xi32>, vector<16xi32>, vector<16xi32>, vector<16xi32>], vector<16xf32>,
        %scan3A_586 = arith.constant 0 : i32
        scf.yield %scan3A_586 : i32
      }
      %scan3A_230 = arith.constant 128 : i32
      %dma_start3A_231 = arith.constant 8 : i32
      %dma_start3A_232 = arith.constant 0 : i32
      %dma_start3A_233 = arith.constant 0 : i32
      %dma_start3A_234 = arith.constant 0 : i32
      %dma_start3A_235 = tpu.memref_slice %arg10[%dma_start3A_231, %dma_start3A_232, %dma_start3A_233, %dma_start3A_234] : memref<32x1x8x128xf32, #tpu.memory_space<vmem>> -> memref<8x1x8x128xf32, #tpu.memory_space<vmem>>
      %dma_start3A_236 = arith.constant 0 : i32
      %dma_start3A_237 = arith.constant 0 : i32
      %dma_start3A_238 = arith.constant 0 : i32
      %dma_start3A_239 = tpu.memref_slice %arg5[%add3A_204, %dma_start3A_236, %add3A, %dma_start3A_237, %dma_start3A_238] : memref<200x8x32x8x128xf32, #tpu.memory_space<hbm>> -> memref<1x8x1x8x128xf32, #tpu.memory_space<hbm>>
      %dma_start3A_240 = tpu.memref_squeeze %dma_start3A_239 : memref<1x8x1x8x128xf32, #tpu.memory_space<hbm>> -> memref<8x1x8x128xf32, #tpu.memory_space<hbm>>
      %dma_start3A_241 = arith.constant 0 : i32
      %dma_start3A_242 = arith.constant 0 : i32
      %dma_start3A_243 = arith.constant 0 : i32
      %dma_start3A_244 = tpu.memref_slice %arg5[%add3A_204, %dma_start3A_241, %add3A, %dma_start3A_242, %dma_start3A_243] : memref<200x8x32x8x128xf32, #tpu.memory_space<hbm>> -> memref<1x8x1x8x128xf32, #tpu.memory_space<hbm>>
      %dma_start3A_245 = tpu.memref_squeeze %dma_start3A_244 : memref<1x8x1x8x128xf32, #tpu.memory_space<hbm>> -> memref<8x1x8x128xf32, #tpu.memory_space<hbm>>
      %dma_start3A_246 = arith.constant 8 : i32
      %dma_start3A_247 = arith.constant 0 : i32
      %dma_start3A_248 = arith.constant 0 : i32
      %dma_start3A_249 = arith.constant 0 : i32
      %dma_start3A_250 = tpu.memref_slice %arg10[%dma_start3A_246, %dma_start3A_247, %dma_start3A_248, %dma_start3A_249] : memref<32x1x8x128xf32, #tpu.memory_space<vmem>> -> memref<8x1x8x128xf32, #tpu.memory_space<vmem>>
      tpu.enqueue_dma source(%dma_start3A_250 : memref<8x1x8x128xf32, #tpu.memory_space<vmem>>) target(%dma_start3A_245 : memref<8x1x8x128xf32, #tpu.memory_space<hbm>>) target_semaphore(%arg13 : memref<!tpu.dma_semaphore, #tpu.memory_space<semaphore_mem>>)
      %mul3A_251 = arith.constant 2 : i32
      %mul3A_252 = arith.muli %mul3A_251, %scan3A_128 : i32
      %add3A_253 = arith.constant 1 : i32
      %add3A_254 = arith.addi %mul3A_252, %add3A_253 : i32
      %dma_wait3A_255 = arith.constant 0 : i32
      %dma_wait3A_256 = arith.constant 256 : i32
      %dma_wait3A_257 = arith.constant 0 : i32
      %dma_wait3A_258 = tpu.memref_slice %arg9[%dma_wait3A_256, %dma_wait3A_257] : memref<512x64xf32, #tpu.memory_space<vmem>> -> memref<256x64xf32, #tpu.memory_space<vmem>>
      %dma_wait3A_259 = arith.constant 0 : i32
      %dma_wait3A_260 = tpu.memref_slice %arg7[%dma_wait3A_255, %dma_wait3A_259] : memref<100x256xi32, #tpu.memory_space<vmem>> -> memref<1x256xi32, #tpu.memory_space<vmem>>
      %dma_wait3A_261 = tpu.memref_squeeze %dma_wait3A_260 : memref<1x256xi32, #tpu.memory_space<vmem>> -> memref<256xi32, #tpu.memory_space<vmem>>
      %dma_wait3A_262 = arith.constant 0 : i32
      %dma_wait3A_263 = arith.constant 0 : i32
      %dma_wait3A_264 = tpu.memref_slice %arg3[%dma_wait3A_262, %dma_wait3A_263] : memref<1000000x64xf32, #tpu.memory_space<hbm>> -> memref<1000000x64xf32, #tpu.memory_space<hbm>>
      tpu.wait_indirect_dma semaphore(%arg12 : memref<!tpu.dma_semaphore, #tpu.memory_space<semaphore_mem>>) src(%dma_wait3A_264 : memref<1000000x64xf32, #tpu.memory_space<hbm>>) dst(%dma_wait3A_258 : memref<256x64xf32, #tpu.memory_space<vmem>>)
      %gt3A_265 = arith.constant 0 : i32
      %gt3A_266 = arith.cmpi sgt, %scan3A_128, %gt3A_265 : i32
      %convert_element_type3A_267 = arith.extui %gt3A_266 : i1 to i32
      %cond3A_268 = arith.constant 0 : i32
      %cond3A_269 = arith.cmpi ne, %convert_element_type3A_267, %cond3A_268 : i32
      scf.if %cond3A_269 {
        %dma_wait3A_378 = arith.constant 0 : i32
        %dma_wait3A_379 = arith.constant 0 : i32
        %dma_wait3A_380 = arith.constant 0 : i32
        %dma_wait3A_381 = arith.constant 0 : i32
        %dma_wait3A_382 = arith.constant 0 : i32
        %dma_wait3A_383 = tpu.memref_slice %arg10[%dma_wait3A_379, %dma_wait3A_380, %dma_wait3A_381, %dma_wait3A_382] : memref<32x1x8x128xf32, #tpu.memory_space<vmem>> -> memref<8x1x8x128xf32, #tpu.memory_space<vmem>>
        %dma_wait3A_384 = arith.constant 0 : i32
        %dma_wait3A_385 = arith.constant 0 : i32
        %dma_wait3A_386 = arith.constant 0 : i32
        %dma_wait3A_387 = arith.constant 0 : i32
        %dma_wait3A_388 = tpu.memref_slice %arg5[%dma_wait3A_378, %dma_wait3A_384, %dma_wait3A_385, %dma_wait3A_386, %dma_wait3A_387] : memref<200x8x32x8x128xf32, #tpu.memory_space<hbm>> -> memref<1x8x1x8x128xf32, #tpu.memory_space<hbm>>
        %dma_wait3A_389 = tpu.memref_squeeze %dma_wait3A_388 : memref<1x8x1x8x128xf32, #tpu.memory_space<hbm>> -> memref<8x1x8x128xf32, #tpu.memory_space<hbm>>
        %dma_wait3A_390 = arith.constant 0 : i32
        %dma_wait3A_391 = arith.constant 0 : i32
        %dma_wait3A_392 = arith.constant 0 : i32
        %dma_wait3A_393 = arith.constant 0 : i32
        %dma_wait3A_394 = tpu.memref_slice %arg5[%dma_wait3A_378, %dma_wait3A_390, %dma_wait3A_391, %dma_wait3A_392, %dma_wait3A_393] : memref<200x8x32x8x128xf32, #tpu.memory_space<hbm>> -> memref<1x8x1x8x128xf32, #tpu.memory_space<hbm>>
        %dma_wait3A_395 = tpu.memref_squeeze %dma_wait3A_394 : memref<1x8x1x8x128xf32, #tpu.memory_space<hbm>> -> memref<8x1x8x128xf32, #tpu.memory_space<hbm>>
        %dma_wait3A_396 = arith.constant 0 : i32
        %dma_wait3A_397 = arith.constant 0 : i32
        %dma_wait3A_398 = arith.constant 0 : i32
        %dma_wait3A_399 = arith.constant 0 : i32
        %dma_wait3A_400 = tpu.memref_slice %arg10[%dma_wait3A_396, %dma_wait3A_397, %dma_wait3A_398, %dma_wait3A_399] : memref<32x1x8x128xf32, #tpu.memory_space<vmem>> -> memref<8x1x8x128xf32, #tpu.memory_space<vmem>>
        tpu.wait_dma2 semaphore(%arg13 : memref<!tpu.dma_semaphore, #tpu.memory_space<semaphore_mem>>) src(%dma_wait3A_400 : memref<8x1x8x128xf32, #tpu.memory_space<vmem>>) dst(%dma_wait3A_395 : memref<8x1x8x128xf32, #tpu.memory_space<hbm>>)
        %dma_wait3A_401 = arith.constant 0 : i32
        %dma_wait3A_402 = arith.constant 0 : i32
        %dma_wait3A_403 = arith.constant 0 : i32
        %dma_wait3A_404 = arith.constant 0 : i32
        %dma_wait3A_405 = arith.constant 0 : i32
        %dma_wait3A_406 = tpu.memref_slice %arg10[%dma_wait3A_402, %dma_wait3A_403, %dma_wait3A_404, %dma_wait3A_405] : memref<32x1x8x128xf32, #tpu.memory_space<vmem>> -> memref<8x1x8x128xf32, #tpu.memory_space<vmem>>
        %dma_wait3A_407 = arith.constant 0 : i32
        %dma_wait3A_408 = arith.constant 0 : i32
        %dma_wait3A_409 = arith.constant 0 : i32
        %dma_wait3A_410 = arith.constant 0 : i32
        %dma_wait3A_411 = tpu.memref_slice %arg5[%dma_wait3A_401, %dma_wait3A_407, %dma_wait3A_408, %dma_wait3A_409, %dma_wait3A_410] : memref<200x8x32x8x128xf32, #tpu.memory_space<hbm>> -> memref<1x8x1x8x128xf32, #tpu.memory_space<hbm>>
        %dma_wait3A_412 = tpu.memref_squeeze %dma_wait3A_411 : memref<1x8x1x8x128xf32, #tpu.memory_space<hbm>> -> memref<8x1x8x128xf32, #tpu.memory_space<hbm>>
        %dma_wait3A_413 = arith.constant 0 : i32
        %dma_wait3A_414 = arith.constant 0 : i32
        %dma_wait3A_415 = arith.constant 0 : i32
        %dma_wait3A_416 = arith.constant 0 : i32
        %dma_wait3A_417 = tpu.memref_slice %arg5[%dma_wait3A_401, %dma_wait3A_413, %dma_wait3A_414, %dma_wait3A_415, %dma_wait3A_416] : memref<200x8x32x8x128xf32, #tpu.memory_space<hbm>> -> memref<1x8x1x8x128xf32, #tpu.memory_space<hbm>>
        %dma_wait3A_418 = tpu.memref_squeeze %dma_wait3A_417 : memref<1x8x1x8x128xf32, #tpu.memory_space<hbm>> -> memref<8x1x8x128xf32, #tpu.memory_space<hbm>>
        %dma_wait3A_419 = arith.constant 0 : i32
        %dma_wait3A_420 = arith.constant 0 : i32
        %dma_wait3A_421 = arith.constant 0 : i32
        %dma_wait3A_422 = arith.constant 0 : i32
        %dma_wait3A_423 = tpu.memref_slice %arg10[%dma_wait3A_419, %dma_wait3A_420, %dma_wait3A_421, %dma_wait3A_422] : memref<32x1x8x128xf32, #tpu.memory_space<vmem>> -> memref<8x1x8x128xf32, #tpu.memory_space<vmem>>
        tpu.wait_dma2 semaphore(%arg13 : memref<!tpu.dma_semaphore, #tpu.memory_space<semaphore_mem>>) src(%dma_wait3A_423 : memref<8x1x8x128xf32, #tpu.memory_space<vmem>>) dst(%dma_wait3A_418 : memref<8x1x8x128xf32, #tpu.memory_space<hbm>>)
      } else {
      }
      %add3A_270 = arith.constant 1 : i32
      %add3A_271 = arith.addi %add3A_254, %add3A_270 : i32
      %lt3A_272 = arith.constant 100 : i32
      %lt3A_273 = arith.cmpi slt, %add3A_271, %lt3A_272 : i32
      %convert_element_type3A_274 = arith.extui %lt3A_273 : i1 to i32
      %cond3A_275 = arith.constant 0 : i32
      %cond3A_276 = arith.cmpi ne, %convert_element_type3A_274, %cond3A_275 : i32
      scf.if %cond3A_276 {
        %add3A_378 = arith.constant 1 : i32
        %add3A_379 = arith.addi %add3A_254, %add3A_378 : i32
        %dma_start3A_380 = arith.constant 0 : i32
        %dma_start3A_381 = arith.constant 0 : i32
        %dma_start3A_382 = tpu.memref_slice %arg9[%dma_start3A_380, %dma_start3A_381] : memref<512x64xf32, #tpu.memory_space<vmem>> -> memref<256x64xf32, #tpu.memory_space<vmem>>
        %dma_start3A_383 = arith.constant 0 : i32
        %dma_start3A_384 = tpu.memref_slice %arg7[%add3A_379, %dma_start3A_383] : memref<100x256xi32, #tpu.memory_space<vmem>> -> memref<1x256xi32, #tpu.memory_space<vmem>>
        %dma_start3A_385 = tpu.memref_squeeze %dma_start3A_384 : memref<1x256xi32, #tpu.memory_space<vmem>> -> memref<256xi32, #tpu.memory_space<vmem>>
        %dma_start3A_386 = arith.constant 0 : i32
        %dma_start3A_387 = arith.constant 0 : i32
        %dma_start3A_388 = tpu.memref_slice %arg3[%dma_start3A_386, %dma_start3A_387] : memref<1000000x64xf32, #tpu.memory_space<hbm>> -> memref<1000000x64xf32, #tpu.memory_space<hbm>>
        tpu.enqueue_indirect_dma source(%dma_start3A_388 : memref<1000000x64xf32, #tpu.memory_space<hbm>>) target(%dma_start3A_382 : memref<256x64xf32, #tpu.memory_space<vmem>>) offsets(%dma_start3A_385 : memref<256xi32, #tpu.memory_space<vmem>>) semaphore(%arg11 : memref<!tpu.dma_semaphore, #tpu.memory_space<semaphore_mem>>)
      } else {
      }
      %mul3A_277 = arith.constant 2 : i32
      %mul3A_278 = arith.muli %add3A_254, %mul3A_277 : i32
      %add3A_279 = arith.constant 0 : i32
      %add3A_280 = arith.addi %mul3A_278, %add3A_279 : i32
      %get3A_281 = arith.index_cast %add3A_280 : i32 to index
      %get3A_282 = arith.constant 0 : index
      %get3A_283 = tpu.vector_load %arg8[%get3A_281, %get3A_282] {strides = array<i32>} : memref<200x64xf32, #tpu.memory_space<vmem>>, vector<16xf32>,
      %get3A_284 = arith.index_cast %add3A_280 : i32 to index
      %get3A_285 = arith.constant 16 : index
      %get3A_286 = tpu.vector_load %arg8[%get3A_284, %get3A_285] {strides = array<i32>} : memref<200x64xf32, #tpu.memory_space<vmem>>, vector<16xf32>,
      %get3A_287 = arith.index_cast %add3A_280 : i32 to index
      %get3A_288 = arith.constant 32 : index
      %get3A_289 = tpu.vector_load %arg8[%get3A_287, %get3A_288] {strides = array<i32>} : memref<200x64xf32, #tpu.memory_space<vmem>>, vector<16xf32>,
      %get3A_290 = arith.index_cast %add3A_280 : i32 to index
      %get3A_291 = arith.constant 48 : index
      %get3A_292 = tpu.vector_load %arg8[%get3A_290, %get3A_291] {strides = array<i32>} : memref<200x64xf32, #tpu.memory_space<vmem>>, vector<16xf32>,
      %scan3A_293 = arith.constant 0 : i32
      %scan3A_294 = arith.constant 0 : i32
      %scan3A_295 = arith.constant 128 : i32
      %scan3A_296 = arith.addi %scan3A_294, %scan3A_295 : i32
      %scan3A_297 = arith.constant 4 : i32
      %scan3A_298 = scf.for %scan3A_378 = %scan3A_294 to %scan3A_296 step %scan3A_297 iter_args(%scan3A_379 = %scan3A_293) -> (i32)  : i32 {
        %add3A_380 = arith.constant 256 : i32
        %add3A_381 = arith.addi %add3A_380, %scan3A_378 : i32
        %get3A_382 = arith.index_cast %add3A_381 : i32 to index
        %get3A_383 = arith.constant 0 : index
        %get3A_384 = tpu.vector_load %arg9[%get3A_382, %get3A_383] {strides = array<i32>} : memref<512x64xf32, #tpu.memory_space<vmem>>, vector<16xf32>,
        %add3A_385 = arith.addf %get3A_384, %get3A_283 : vector<16xf32>
        %add3A_386 = arith.constant 256 : i32
        %add3A_387 = arith.addi %add3A_386, %scan3A_378 : i32
        %swap3A = arith.index_cast %add3A_387 : i32 to index
        %swap3A_388 = arith.constant 0 : index
        %swap3A_389 = tpu.vector_load %arg9[%swap3A, %swap3A_388] {strides = array<i32>} : memref<512x64xf32, #tpu.memory_space<vmem>>, vector<16xf32>,
        tpu.vector_store %arg9[%swap3A, %swap3A_388], %add3A_385 {strides = array<i32>} : memref<512x64xf32, #tpu.memory_space<vmem>>, vector<16xf32>,
        %add3A_390 = arith.constant 256 : i32
        %add3A_391 = arith.addi %add3A_390, %scan3A_378 : i32
        %get3A_392 = arith.index_cast %add3A_391 : i32 to index
        %get3A_393 = arith.constant 16 : index
        %get3A_394 = tpu.vector_load %arg9[%get3A_392, %get3A_393] {strides = array<i32>} : memref<512x64xf32, #tpu.memory_space<vmem>>, vector<16xf32>,
        %add3A_395 = arith.addf %get3A_394, %get3A_286 : vector<16xf32>
        %add3A_396 = arith.constant 256 : i32
        %add3A_397 = arith.addi %add3A_396, %scan3A_378 : i32
        %swap3A_398 = arith.index_cast %add3A_397 : i32 to index
        %swap3A_399 = arith.constant 16 : index
        %swap3A_400 = tpu.vector_load %arg9[%swap3A_398, %swap3A_399] {strides = array<i32>} : memref<512x64xf32, #tpu.memory_space<vmem>>, vector<16xf32>,
        tpu.vector_store %arg9[%swap3A_398, %swap3A_399], %add3A_395 {strides = array<i32>} : memref<512x64xf32, #tpu.memory_space<vmem>>, vector<16xf32>,
        %add3A_401 = arith.constant 256 : i32
        %add3A_402 = arith.addi %add3A_401, %scan3A_378 : i32
        %get3A_403 = arith.index_cast %add3A_402 : i32 to index
        %get3A_404 = arith.constant 32 : index
        %get3A_405 = tpu.vector_load %arg9[%get3A_403, %get3A_404] {strides = array<i32>} : memref<512x64xf32, #tpu.memory_space<vmem>>, vector<16xf32>,
        %add3A_406 = arith.addf %get3A_405, %get3A_289 : vector<16xf32>
        %add3A_407 = arith.constant 256 : i32
        %add3A_408 = arith.addi %add3A_407, %scan3A_378 : i32
        %swap3A_409 = arith.index_cast %add3A_408 : i32 to index
        %swap3A_410 = arith.constant 32 : index
        %swap3A_411 = tpu.vector_load %arg9[%swap3A_409, %swap3A_410] {strides = array<i32>} : memref<512x64xf32, #tpu.memory_space<vmem>>, vector<16xf32>,
        tpu.vector_store %arg9[%swap3A_409, %swap3A_410], %add3A_406 {strides = array<i32>} : memref<512x64xf32, #tpu.memory_space<vmem>>, vector<16xf32>,
        %add3A_412 = arith.constant 256 : i32
        %add3A_413 = arith.addi %add3A_412, %scan3A_378 : i32
        %get3A_414 = arith.index_cast %add3A_413 : i32 to index
        %get3A_415 = arith.constant 48 : index
        %get3A_416 = tpu.vector_load %arg9[%get3A_414, %get3A_415] {strides = array<i32>} : memref<512x64xf32, #tpu.memory_space<vmem>>, vector<16xf32>,
        %add3A_417 = arith.addf %get3A_416, %get3A_292 : vector<16xf32>
        %add3A_418 = arith.constant 256 : i32
        %add3A_419 = arith.addi %add3A_418, %scan3A_378 : i32
        %swap3A_420 = arith.index_cast %add3A_419 : i32 to index
        %swap3A_421 = arith.constant 48 : index
        %swap3A_422 = tpu.vector_load %arg9[%swap3A_420, %swap3A_421] {strides = array<i32>} : memref<512x64xf32, #tpu.memory_space<vmem>>, vector<16xf32>,
        tpu.vector_store %arg9[%swap3A_420, %swap3A_421], %add3A_417 {strides = array<i32>} : memref<512x64xf32, #tpu.memory_space<vmem>>, vector<16xf32>,
        %scan3A_423 = arith.constant 0 : i32
        %scan3A_424 = arith.constant 1 : i32
        %scan3A_425 = arith.addi %scan3A_378, %scan3A_424 : i32
        %add3A_426 = arith.constant 256 : i32
        %add3A_427 = arith.addi %add3A_426, %scan3A_425 : i32
        %get3A_428 = arith.index_cast %add3A_427 : i32 to index
        %get3A_429 = arith.constant 0 : index
        %get3A_430 = tpu.vector_load %arg9[%get3A_428, %get3A_429] {strides = array<i32>} : memref<512x64xf32, #tpu.memory_space<vmem>>, vector<16xf32>,
        %add3A_431 = arith.addf %get3A_430, %get3A_283 : vector<16xf32>
        %add3A_432 = arith.constant 256 : i32
        %add3A_433 = arith.addi %add3A_432, %scan3A_425 : i32
        %swap3A_434 = arith.index_cast %add3A_433 : i32 to index
        %swap3A_435 = arith.constant 0 : index
        %swap3A_436 = tpu.vector_load %arg9[%swap3A_434, %swap3A_435] {strides = array<i32>} : memref<512x64xf32, #tpu.memory_space<vmem>>, vector<16xf32>,
        tpu.vector_store %arg9[%swap3A_434, %swap3A_435], %add3A_431 {strides = array<i32>} : memref<512x64xf32, #tpu.memory_space<vmem>>, vector<16xf32>,
        %add3A_437 = arith.constant 256 : i32
        %add3A_438 = arith.addi %add3A_437, %scan3A_425 : i32
        %get3A_439 = arith.index_cast %add3A_438 : i32 to index
        %get3A_440 = arith.constant 16 : index
        %get3A_441 = tpu.vector_load %arg9[%get3A_439, %get3A_440] {strides = array<i32>} : memref<512x64xf32, #tpu.memory_space<vmem>>, vector<16xf32>,
        %add3A_442 = arith.addf %get3A_441, %get3A_286 : vector<16xf32>
        %add3A_443 = arith.constant 256 : i32
        %add3A_444 = arith.addi %add3A_443, %scan3A_425 : i32
        %swap3A_445 = arith.index_cast %add3A_444 : i32 to index
        %swap3A_446 = arith.constant 16 : index
        %swap3A_447 = tpu.vector_load %arg9[%swap3A_445, %swap3A_446] {strides = array<i32>} : memref<512x64xf32, #tpu.memory_space<vmem>>, vector<16xf32>,
        tpu.vector_store %arg9[%swap3A_445, %swap3A_446], %add3A_442 {strides = array<i32>} : memref<512x64xf32, #tpu.memory_space<vmem>>, vector<16xf32>,
        %add3A_448 = arith.constant 256 : i32
        %add3A_449 = arith.addi %add3A_448, %scan3A_425 : i32
        %get3A_450 = arith.index_cast %add3A_449 : i32 to index
        %get3A_451 = arith.constant 32 : index
        %get3A_452 = tpu.vector_load %arg9[%get3A_450, %get3A_451] {strides = array<i32>} : memref<512x64xf32, #tpu.memory_space<vmem>>, vector<16xf32>,
        %add3A_453 = arith.addf %get3A_452, %get3A_289 : vector<16xf32>
        %add3A_454 = arith.constant 256 : i32
        %add3A_455 = arith.addi %add3A_454, %scan3A_425 : i32
        %swap3A_456 = arith.index_cast %add3A_455 : i32 to index
        %swap3A_457 = arith.constant 32 : index
        %swap3A_458 = tpu.vector_load %arg9[%swap3A_456, %swap3A_457] {strides = array<i32>} : memref<512x64xf32, #tpu.memory_space<vmem>>, vector<16xf32>,
        tpu.vector_store %arg9[%swap3A_456, %swap3A_457], %add3A_453 {strides = array<i32>} : memref<512x64xf32, #tpu.memory_space<vmem>>, vector<16xf32>,
        %add3A_459 = arith.constant 256 : i32
        %add3A_460 = arith.addi %add3A_459, %scan3A_425 : i32
        %get3A_461 = arith.index_cast %add3A_460 : i32 to index
        %get3A_462 = arith.constant 48 : index
        %get3A_463 = tpu.vector_load %arg9[%get3A_461, %get3A_462] {strides = array<i32>} : memref<512x64xf32, #tpu.memory_space<vmem>>, vector<16xf32>,
        %add3A_464 = arith.addf %get3A_463, %get3A_292 : vector<16xf32>
        %add3A_465 = arith.constant 256 : i32
        %add3A_466 = arith.addi %add3A_465, %scan3A_425 : i32
        %swap3A_467 = arith.index_cast %add3A_466 : i32 to index
        %swap3A_468 = arith.constant 48 : index
        %swap3A_469 = tpu.vector_load %arg9[%swap3A_467, %swap3A_468] {strides = array<i32>} : memref<512x64xf32, #tpu.memory_space<vmem>>, vector<16xf32>,
        tpu.vector_store %arg9[%swap3A_467, %swap3A_468], %add3A_464 {strides = array<i32>} : memref<512x64xf32, #tpu.memory_space<vmem>>, vector<16xf32>,
        %scan3A_470 = arith.constant 0 : i32
        %scan3A_471 = arith.constant 2 : i32
        %scan3A_472 = arith.addi %scan3A_378, %scan3A_471 : i32
        %add3A_473 = arith.constant 256 : i32
        %add3A_474 = arith.addi %add3A_473, %scan3A_472 : i32
        %get3A_475 = arith.index_cast %add3A_474 : i32 to index
        %get3A_476 = arith.constant 0 : index
        %get3A_477 = tpu.vector_load %arg9[%get3A_475, %get3A_476] {strides = array<i32>} : memref<512x64xf32, #tpu.memory_space<vmem>>, vector<16xf32>,
        %add3A_478 = arith.addf %get3A_477, %get3A_283 : vector<16xf32>
        %add3A_479 = arith.constant 256 : i32
        %add3A_480 = arith.addi %add3A_479, %scan3A_472 : i32
        %swap3A_481 = arith.index_cast %add3A_480 : i32 to index
        %swap3A_482 = arith.constant 0 : index
        %swap3A_483 = tpu.vector_load %arg9[%swap3A_481, %swap3A_482] {strides = array<i32>} : memref<512x64xf32, #tpu.memory_space<vmem>>, vector<16xf32>,
        tpu.vector_store %arg9[%swap3A_481, %swap3A_482], %add3A_478 {strides = array<i32>} : memref<512x64xf32, #tpu.memory_space<vmem>>, vector<16xf32>,
        %add3A_484 = arith.constant 256 : i32
        %add3A_485 = arith.addi %add3A_484, %scan3A_472 : i32
        %get3A_486 = arith.index_cast %add3A_485 : i32 to index
        %get3A_487 = arith.constant 16 : index
        %get3A_488 = tpu.vector_load %arg9[%get3A_486, %get3A_487] {strides = array<i32>} : memref<512x64xf32, #tpu.memory_space<vmem>>, vector<16xf32>,
        %add3A_489 = arith.addf %get3A_488, %get3A_286 : vector<16xf32>
        %add3A_490 = arith.constant 256 : i32
        %add3A_491 = arith.addi %add3A_490, %scan3A_472 : i32
        %swap3A_492 = arith.index_cast %add3A_491 : i32 to index
        %swap3A_493 = arith.constant 16 : index
        %swap3A_494 = tpu.vector_load %arg9[%swap3A_492, %swap3A_493] {strides = array<i32>} : memref<512x64xf32, #tpu.memory_space<vmem>>, vector<16xf32>,
        tpu.vector_store %arg9[%swap3A_492, %swap3A_493], %add3A_489 {strides = array<i32>} : memref<512x64xf32, #tpu.memory_space<vmem>>, vector<16xf32>,
        %add3A_495 = arith.constant 256 : i32
        %add3A_496 = arith.addi %add3A_495, %scan3A_472 : i32
        %get3A_497 = arith.index_cast %add3A_496 : i32 to index
        %get3A_498 = arith.constant 32 : index
        %get3A_499 = tpu.vector_load %arg9[%get3A_497, %get3A_498] {strides = array<i32>} : memref<512x64xf32, #tpu.memory_space<vmem>>, vector<16xf32>,
        %add3A_500 = arith.addf %get3A_499, %get3A_289 : vector<16xf32>
        %add3A_501 = arith.constant 256 : i32
        %add3A_502 = arith.addi %add3A_501, %scan3A_472 : i32
        %swap3A_503 = arith.index_cast %add3A_502 : i32 to index
        %swap3A_504 = arith.constant 32 : index
        %swap3A_505 = tpu.vector_load %arg9[%swap3A_503, %swap3A_504] {strides = array<i32>} : memref<512x64xf32, #tpu.memory_space<vmem>>, vector<16xf32>,
        tpu.vector_store %arg9[%swap3A_503, %swap3A_504], %add3A_500 {strides = array<i32>} : memref<512x64xf32, #tpu.memory_space<vmem>>, vector<16xf32>,
        %add3A_506 = arith.constant 256 : i32
        %add3A_507 = arith.addi %add3A_506, %scan3A_472 : i32
        %get3A_508 = arith.index_cast %add3A_507 : i32 to index
        %get3A_509 = arith.constant 48 : index
        %get3A_510 = tpu.vector_load %arg9[%get3A_508, %get3A_509] {strides = array<i32>} : memref<512x64xf32, #tpu.memory_space<vmem>>, vector<16xf32>,
        %add3A_511 = arith.addf %get3A_510, %get3A_292 : vector<16xf32>
        %add3A_512 = arith.constant 256 : i32
        %add3A_513 = arith.addi %add3A_512, %scan3A_472 : i32
        %swap3A_514 = arith.index_cast %add3A_513 : i32 to index
        %swap3A_515 = arith.constant 48 : index
        %swap3A_516 = tpu.vector_load %arg9[%swap3A_514, %swap3A_515] {strides = array<i32>} : memref<512x64xf32, #tpu.memory_space<vmem>>, vector<16xf32>,
        tpu.vector_store %arg9[%swap3A_514, %swap3A_515], %add3A_511 {strides = array<i32>} : memref<512x64xf32, #tpu.memory_space<vmem>>, vector<16xf32>,
        %scan3A_517 = arith.constant 0 : i32
        %scan3A_518 = arith.constant 3 : i32
        %scan3A_519 = arith.addi %scan3A_378, %scan3A_518 : i32
        %add3A_520 = arith.constant 256 : i32
        %add3A_521 = arith.addi %add3A_520, %scan3A_519 : i32
        %get3A_522 = arith.index_cast %add3A_521 : i32 to index
        %get3A_523 = arith.constant 0 : index
        %get3A_524 = tpu.vector_load %arg9[%get3A_522, %get3A_523] {strides = array<i32>} : memref<512x64xf32, #tpu.memory_space<vmem>>, vector<16xf32>,
        %add3A_525 = arith.addf %get3A_524, %get3A_283 : vector<16xf32>
        %add3A_526 = arith.constant 256 : i32
        %add3A_527 = arith.addi %add3A_526, %scan3A_519 : i32
        %swap3A_528 = arith.index_cast %add3A_527 : i32 to index
        %swap3A_529 = arith.constant 0 : index
        %swap3A_530 = tpu.vector_load %arg9[%swap3A_528, %swap3A_529] {strides = array<i32>} : memref<512x64xf32, #tpu.memory_space<vmem>>, vector<16xf32>,
        tpu.vector_store %arg9[%swap3A_528, %swap3A_529], %add3A_525 {strides = array<i32>} : memref<512x64xf32, #tpu.memory_space<vmem>>, vector<16xf32>,
        %add3A_531 = arith.constant 256 : i32
        %add3A_532 = arith.addi %add3A_531, %scan3A_519 : i32
        %get3A_533 = arith.index_cast %add3A_532 : i32 to index
        %get3A_534 = arith.constant 16 : index
        %get3A_535 = tpu.vector_load %arg9[%get3A_533, %get3A_534] {strides = array<i32>} : memref<512x64xf32, #tpu.memory_space<vmem>>, vector<16xf32>,
        %add3A_536 = arith.addf %get3A_535, %get3A_286 : vector<16xf32>
        %add3A_537 = arith.constant 256 : i32
        %add3A_538 = arith.addi %add3A_537, %scan3A_519 : i32
        %swap3A_539 = arith.index_cast %add3A_538 : i32 to index
        %swap3A_540 = arith.constant 16 : index
        %swap3A_541 = tpu.vector_load %arg9[%swap3A_539, %swap3A_540] {strides = array<i32>} : memref<512x64xf32, #tpu.memory_space<vmem>>, vector<16xf32>,
        tpu.vector_store %arg9[%swap3A_539, %swap3A_540], %add3A_536 {strides = array<i32>} : memref<512x64xf32, #tpu.memory_space<vmem>>, vector<16xf32>,
        %add3A_542 = arith.constant 256 : i32
        %add3A_543 = arith.addi %add3A_542, %scan3A_519 : i32
        %get3A_544 = arith.index_cast %add3A_543 : i32 to index
        %get3A_545 = arith.constant 32 : index
        %get3A_546 = tpu.vector_load %arg9[%get3A_544, %get3A_545] {strides = array<i32>} : memref<512x64xf32, #tpu.memory_space<vmem>>, vector<16xf32>,
        %add3A_547 = arith.addf %get3A_546, %get3A_289 : vector<16xf32>
        %add3A_548 = arith.constant 256 : i32
        %add3A_549 = arith.addi %add3A_548, %scan3A_519 : i32
        %swap3A_550 = arith.index_cast %add3A_549 : i32 to index
        %swap3A_551 = arith.constant 32 : index
        %swap3A_552 = tpu.vector_load %arg9[%swap3A_550, %swap3A_551] {strides = array<i32>} : memref<512x64xf32, #tpu.memory_space<vmem>>, vector<16xf32>,
        tpu.vector_store %arg9[%swap3A_550, %swap3A_551], %add3A_547 {strides = array<i32>} : memref<512x64xf32, #tpu.memory_space<vmem>>, vector<16xf32>,
        %add3A_553 = arith.constant 256 : i32
        %add3A_554 = arith.addi %add3A_553, %scan3A_519 : i32
        %get3A_555 = arith.index_cast %add3A_554 : i32 to index
        %get3A_556 = arith.constant 48 : index
        %get3A_557 = tpu.vector_load %arg9[%get3A_555, %get3A_556] {strides = array<i32>} : memref<512x64xf32, #tpu.memory_space<vmem>>, vector<16xf32>,
        %add3A_558 = arith.addf %get3A_557, %get3A_292 : vector<16xf32>
        %add3A_559 = arith.constant 256 : i32
        %add3A_560 = arith.addi %add3A_559, %scan3A_519 : i32
        %swap3A_561 = arith.index_cast %add3A_560 : i32 to index
        %swap3A_562 = arith.constant 48 : index
        %swap3A_563 = tpu.vector_load %arg9[%swap3A_561, %swap3A_562] {strides = array<i32>} : memref<512x64xf32, #tpu.memory_space<vmem>>, vector<16xf32>,
        tpu.vector_store %arg9[%swap3A_561, %swap3A_562], %add3A_558 {strides = array<i32>} : memref<512x64xf32, #tpu.memory_space<vmem>>, vector<16xf32>,
        %scan3A_564 = arith.constant 0 : i32
        scf.yield %scan3A_564 : i32
      }
      %scan3A_299 = arith.constant 128 : i32
      %scan3A_300 = arith.constant 0 : i32
      %scan3A_301 = arith.constant 0 : i32
      %scan3A_302 = arith.constant 128 : i32
      %scan3A_303 = arith.addi %scan3A_301, %scan3A_302 : i32
      %scan3A_304 = arith.constant 4 : i32
      %scan3A_305 = scf.for %scan3A_378 = %scan3A_301 to %scan3A_303 step %scan3A_304 iter_args(%scan3A_379 = %scan3A_300) -> (i32)  : i32 {
        %shift_right_logical3A = arith.constant 4 : i32
        %shift_right_logical3A_380 = arith.shrui %scan3A_378, %shift_right_logical3A : i32
        %and3A = arith.constant 15 : i32
        %and3A_381 = arith.andi %scan3A_378, %and3A : i32
        %mul3A_382 = arith.constant 16 : i32
        %mul3A_383 = arith.muli %shift_right_logical3A_380, %mul3A_382 : i32
        %add3A_384 = vector.broadcast %mul3A_383 : i32 to vector<16xi32>
        %add3A_385 = arith.addi %add3A_384, %iota3A : vector<16xi32>
        %add3A_386 = arith.constant 256 : i32
        %add3A_387 = vector.broadcast %add3A_386 : i32 to vector<16xi32>
        %add3A_388 = arith.addi %add3A_387, %add3A_385 : vector<16xi32>
        %add3A_389 = vector.broadcast %and3A_381 : i32 to vector<16xi32>
        %add3A_390 = arith.addi %iota3A, %add3A_389 : vector<16xi32>
        %and3A_391 = arith.constant 15 : i32
        %and3A_392 = vector.broadcast %and3A_391 : i32 to vector<16xi32>
        %and3A_393 = arith.andi %add3A_390, %and3A_392 : vector<16xi32>
        %shift_right_logical3A_394 = arith.constant 3 : i32
        %shift_right_logical3A_395 = vector.broadcast %shift_right_logical3A_394 : i32 to vector<16xi32>
        %shift_right_logical3A_396 = arith.shrui %and3A_393, %shift_right_logical3A_395 : vector<16xi32>
        %and3A_397 = arith.constant 7 : i32
        %and3A_398 = vector.broadcast %and3A_397 : i32 to vector<16xi32>
        %and3A_399 = arith.andi %and3A_393, %and3A_398 : vector<16xi32>
        %add3A_400 = arith.constant 0 : i32
        %add3A_401 = vector.broadcast %add3A_400 : i32 to vector<16xi32>
        %add3A_402 = arith.addi %add3A_401, %and3A_393 : vector<16xi32>
        %gather3A = tpu.vector_load_idx %arg9[%add3A_388, %add3A_402] : memref<512x64xf32, #tpu.memory_space<vmem>>[vector<16xi32>, vector<16xi32>], vector<16xf32>,
        %add3A_403 = arith.constant 16 : i32
        %add3A_404 = vector.broadcast %add3A_403 : i32 to vector<16xi32>
        %add3A_405 = arith.addi %add3A_404, %shift_right_logical3A_396 : vector<16xi32>
        tpu.vector_store_idx %arg10[%add3A_405, %mul3A_20, %and3A_399, %add3A_385], %gather3A : memref<32x1x8x128xf32, #tpu.memory_space<vmem>>[vector<16xi32>, vector<16xi32>, vector<16xi32>, vector<16xi32>], vector<16xf32>,
        %add3A_406 = arith.constant 16 : i32
        %add3A_407 = vector.broadcast %add3A_406 : i32 to vector<16xi32>
        %add3A_408 = arith.addi %add3A_407, %and3A_393 : vector<16xi32>
        %gather3A_409 = tpu.vector_load_idx %arg9[%add3A_388, %add3A_408] : memref<512x64xf32, #tpu.memory_space<vmem>>[vector<16xi32>, vector<16xi32>], vector<16xf32>,
        %add3A_410 = arith.constant 18 : i32
        %add3A_411 = vector.broadcast %add3A_410 : i32 to vector<16xi32>
        %add3A_412 = arith.addi %add3A_411, %shift_right_logical3A_396 : vector<16xi32>
        tpu.vector_store_idx %arg10[%add3A_412, %mul3A_20, %and3A_399, %add3A_385], %gather3A_409 : memref<32x1x8x128xf32, #tpu.memory_space<vmem>>[vector<16xi32>, vector<16xi32>, vector<16xi32>, vector<16xi32>], vector<16xf32>,
        %add3A_413 = arith.constant 32 : i32
        %add3A_414 = vector.broadcast %add3A_413 : i32 to vector<16xi32>
        %add3A_415 = arith.addi %add3A_414, %and3A_393 : vector<16xi32>
        %gather3A_416 = tpu.vector_load_idx %arg9[%add3A_388, %add3A_415] : memref<512x64xf32, #tpu.memory_space<vmem>>[vector<16xi32>, vector<16xi32>], vector<16xf32>,
        %add3A_417 = arith.constant 20 : i32
        %add3A_418 = vector.broadcast %add3A_417 : i32 to vector<16xi32>
        %add3A_419 = arith.addi %add3A_418, %shift_right_logical3A_396 : vector<16xi32>
        tpu.vector_store_idx %arg10[%add3A_419, %mul3A_20, %and3A_399, %add3A_385], %gather3A_416 : memref<32x1x8x128xf32, #tpu.memory_space<vmem>>[vector<16xi32>, vector<16xi32>, vector<16xi32>, vector<16xi32>], vector<16xf32>,
        %add3A_420 = arith.constant 48 : i32
        %add3A_421 = vector.broadcast %add3A_420 : i32 to vector<16xi32>
        %add3A_422 = arith.addi %add3A_421, %and3A_393 : vector<16xi32>
        %gather3A_423 = tpu.vector_load_idx %arg9[%add3A_388, %add3A_422] : memref<512x64xf32, #tpu.memory_space<vmem>>[vector<16xi32>, vector<16xi32>], vector<16xf32>,
        %add3A_424 = arith.constant 22 : i32
        %add3A_425 = vector.broadcast %add3A_424 : i32 to vector<16xi32>
        %add3A_426 = arith.addi %add3A_425, %shift_right_logical3A_396 : vector<16xi32>
        tpu.vector_store_idx %arg10[%add3A_426, %mul3A_20, %and3A_399, %add3A_385], %gather3A_423 : memref<32x1x8x128xf32, #tpu.memory_space<vmem>>[vector<16xi32>, vector<16xi32>, vector<16xi32>, vector<16xi32>], vector<16xf32>,
        %scan3A_427 = arith.constant 0 : i32
        %scan3A_428 = arith.constant 1 : i32
        %scan3A_429 = arith.addi %scan3A_378, %scan3A_428 : i32
        %shift_right_logical3A_430 = arith.constant 4 : i32
        %shift_right_logical3A_431 = arith.shrui %scan3A_429, %shift_right_logical3A_430 : i32
        %and3A_432 = arith.constant 15 : i32
        %and3A_433 = arith.andi %scan3A_429, %and3A_432 : i32
        %mul3A_434 = arith.constant 16 : i32
        %mul3A_435 = arith.muli %shift_right_logical3A_431, %mul3A_434 : i32
        %add3A_436 = vector.broadcast %mul3A_435 : i32 to vector<16xi32>
        %add3A_437 = arith.addi %add3A_436, %iota3A : vector<16xi32>
        %add3A_438 = arith.constant 256 : i32
        %add3A_439 = vector.broadcast %add3A_438 : i32 to vector<16xi32>
        %add3A_440 = arith.addi %add3A_439, %add3A_437 : vector<16xi32>
        %add3A_441 = vector.broadcast %and3A_433 : i32 to vector<16xi32>
        %add3A_442 = arith.addi %iota3A, %add3A_441 : vector<16xi32>
        %and3A_443 = arith.constant 15 : i32
        %and3A_444 = vector.broadcast %and3A_443 : i32 to vector<16xi32>
        %and3A_445 = arith.andi %add3A_442, %and3A_444 : vector<16xi32>
        %shift_right_logical3A_446 = arith.constant 3 : i32
        %shift_right_logical3A_447 = vector.broadcast %shift_right_logical3A_446 : i32 to vector<16xi32>
        %shift_right_logical3A_448 = arith.shrui %and3A_445, %shift_right_logical3A_447 : vector<16xi32>
        %and3A_449 = arith.constant 7 : i32
        %and3A_450 = vector.broadcast %and3A_449 : i32 to vector<16xi32>
        %and3A_451 = arith.andi %and3A_445, %and3A_450 : vector<16xi32>
        %add3A_452 = arith.constant 0 : i32
        %add3A_453 = vector.broadcast %add3A_452 : i32 to vector<16xi32>
        %add3A_454 = arith.addi %add3A_453, %and3A_445 : vector<16xi32>
        %gather3A_455 = tpu.vector_load_idx %arg9[%add3A_440, %add3A_454] : memref<512x64xf32, #tpu.memory_space<vmem>>[vector<16xi32>, vector<16xi32>], vector<16xf32>,
        %add3A_456 = arith.constant 16 : i32
        %add3A_457 = vector.broadcast %add3A_456 : i32 to vector<16xi32>
        %add3A_458 = arith.addi %add3A_457, %shift_right_logical3A_448 : vector<16xi32>
        tpu.vector_store_idx %arg10[%add3A_458, %mul3A_20, %and3A_451, %add3A_437], %gather3A_455 : memref<32x1x8x128xf32, #tpu.memory_space<vmem>>[vector<16xi32>, vector<16xi32>, vector<16xi32>, vector<16xi32>], vector<16xf32>,
        %add3A_459 = arith.constant 16 : i32
        %add3A_460 = vector.broadcast %add3A_459 : i32 to vector<16xi32>
        %add3A_461 = arith.addi %add3A_460, %and3A_445 : vector<16xi32>
        %gather3A_462 = tpu.vector_load_idx %arg9[%add3A_440, %add3A_461] : memref<512x64xf32, #tpu.memory_space<vmem>>[vector<16xi32>, vector<16xi32>], vector<16xf32>,
        %add3A_463 = arith.constant 18 : i32
        %add3A_464 = vector.broadcast %add3A_463 : i32 to vector<16xi32>
        %add3A_465 = arith.addi %add3A_464, %shift_right_logical3A_448 : vector<16xi32>
        tpu.vector_store_idx %arg10[%add3A_465, %mul3A_20, %and3A_451, %add3A_437], %gather3A_462 : memref<32x1x8x128xf32, #tpu.memory_space<vmem>>[vector<16xi32>, vector<16xi32>, vector<16xi32>, vector<16xi32>], vector<16xf32>,
        %add3A_466 = arith.constant 32 : i32
        %add3A_467 = vector.broadcast %add3A_466 : i32 to vector<16xi32>
        %add3A_468 = arith.addi %add3A_467, %and3A_445 : vector<16xi32>
        %gather3A_469 = tpu.vector_load_idx %arg9[%add3A_440, %add3A_468] : memref<512x64xf32, #tpu.memory_space<vmem>>[vector<16xi32>, vector<16xi32>], vector<16xf32>,
        %add3A_470 = arith.constant 20 : i32
        %add3A_471 = vector.broadcast %add3A_470 : i32 to vector<16xi32>
        %add3A_472 = arith.addi %add3A_471, %shift_right_logical3A_448 : vector<16xi32>
        tpu.vector_store_idx %arg10[%add3A_472, %mul3A_20, %and3A_451, %add3A_437], %gather3A_469 : memref<32x1x8x128xf32, #tpu.memory_space<vmem>>[vector<16xi32>, vector<16xi32>, vector<16xi32>, vector<16xi32>], vector<16xf32>,
        %add3A_473 = arith.constant 48 : i32
        %add3A_474 = vector.broadcast %add3A_473 : i32 to vector<16xi32>
        %add3A_475 = arith.addi %add3A_474, %and3A_445 : vector<16xi32>
        %gather3A_476 = tpu.vector_load_idx %arg9[%add3A_440, %add3A_475] : memref<512x64xf32, #tpu.memory_space<vmem>>[vector<16xi32>, vector<16xi32>], vector<16xf32>,
        %add3A_477 = arith.constant 22 : i32
        %add3A_478 = vector.broadcast %add3A_477 : i32 to vector<16xi32>
        %add3A_479 = arith.addi %add3A_478, %shift_right_logical3A_448 : vector<16xi32>
        tpu.vector_store_idx %arg10[%add3A_479, %mul3A_20, %and3A_451, %add3A_437], %gather3A_476 : memref<32x1x8x128xf32, #tpu.memory_space<vmem>>[vector<16xi32>, vector<16xi32>, vector<16xi32>, vector<16xi32>], vector<16xf32>,
        %scan3A_480 = arith.constant 0 : i32
        %scan3A_481 = arith.constant 2 : i32
        %scan3A_482 = arith.addi %scan3A_378, %scan3A_481 : i32
        %shift_right_logical3A_483 = arith.constant 4 : i32
        %shift_right_logical3A_484 = arith.shrui %scan3A_482, %shift_right_logical3A_483 : i32
        %and3A_485 = arith.constant 15 : i32
        %and3A_486 = arith.andi %scan3A_482, %and3A_485 : i32
        %mul3A_487 = arith.constant 16 : i32
        %mul3A_488 = arith.muli %shift_right_logical3A_484, %mul3A_487 : i32
        %add3A_489 = vector.broadcast %mul3A_488 : i32 to vector<16xi32>
        %add3A_490 = arith.addi %add3A_489, %iota3A : vector<16xi32>
        %add3A_491 = arith.constant 256 : i32
        %add3A_492 = vector.broadcast %add3A_491 : i32 to vector<16xi32>
        %add3A_493 = arith.addi %add3A_492, %add3A_490 : vector<16xi32>
        %add3A_494 = vector.broadcast %and3A_486 : i32 to vector<16xi32>
        %add3A_495 = arith.addi %iota3A, %add3A_494 : vector<16xi32>
        %and3A_496 = arith.constant 15 : i32
        %and3A_497 = vector.broadcast %and3A_496 : i32 to vector<16xi32>
        %and3A_498 = arith.andi %add3A_495, %and3A_497 : vector<16xi32>
        %shift_right_logical3A_499 = arith.constant 3 : i32
        %shift_right_logical3A_500 = vector.broadcast %shift_right_logical3A_499 : i32 to vector<16xi32>
        %shift_right_logical3A_501 = arith.shrui %and3A_498, %shift_right_logical3A_500 : vector<16xi32>
        %and3A_502 = arith.constant 7 : i32
        %and3A_503 = vector.broadcast %and3A_502 : i32 to vector<16xi32>
        %and3A_504 = arith.andi %and3A_498, %and3A_503 : vector<16xi32>
        %add3A_505 = arith.constant 0 : i32
        %add3A_506 = vector.broadcast %add3A_505 : i32 to vector<16xi32>
        %add3A_507 = arith.addi %add3A_506, %and3A_498 : vector<16xi32>
        %gather3A_508 = tpu.vector_load_idx %arg9[%add3A_493, %add3A_507] : memref<512x64xf32, #tpu.memory_space<vmem>>[vector<16xi32>, vector<16xi32>], vector<16xf32>,
        %add3A_509 = arith.constant 16 : i32
        %add3A_510 = vector.broadcast %add3A_509 : i32 to vector<16xi32>
        %add3A_511 = arith.addi %add3A_510, %shift_right_logical3A_501 : vector<16xi32>
        tpu.vector_store_idx %arg10[%add3A_511, %mul3A_20, %and3A_504, %add3A_490], %gather3A_508 : memref<32x1x8x128xf32, #tpu.memory_space<vmem>>[vector<16xi32>, vector<16xi32>, vector<16xi32>, vector<16xi32>], vector<16xf32>,
        %add3A_512 = arith.constant 16 : i32
        %add3A_513 = vector.broadcast %add3A_512 : i32 to vector<16xi32>
        %add3A_514 = arith.addi %add3A_513, %and3A_498 : vector<16xi32>
        %gather3A_515 = tpu.vector_load_idx %arg9[%add3A_493, %add3A_514] : memref<512x64xf32, #tpu.memory_space<vmem>>[vector<16xi32>, vector<16xi32>], vector<16xf32>,
        %add3A_516 = arith.constant 18 : i32
        %add3A_517 = vector.broadcast %add3A_516 : i32 to vector<16xi32>
        %add3A_518 = arith.addi %add3A_517, %shift_right_logical3A_501 : vector<16xi32>
        tpu.vector_store_idx %arg10[%add3A_518, %mul3A_20, %and3A_504, %add3A_490], %gather3A_515 : memref<32x1x8x128xf32, #tpu.memory_space<vmem>>[vector<16xi32>, vector<16xi32>, vector<16xi32>, vector<16xi32>], vector<16xf32>,
        %add3A_519 = arith.constant 32 : i32
        %add3A_520 = vector.broadcast %add3A_519 : i32 to vector<16xi32>
        %add3A_521 = arith.addi %add3A_520, %and3A_498 : vector<16xi32>
        %gather3A_522 = tpu.vector_load_idx %arg9[%add3A_493, %add3A_521] : memref<512x64xf32, #tpu.memory_space<vmem>>[vector<16xi32>, vector<16xi32>], vector<16xf32>,
        %add3A_523 = arith.constant 20 : i32
        %add3A_524 = vector.broadcast %add3A_523 : i32 to vector<16xi32>
        %add3A_525 = arith.addi %add3A_524, %shift_right_logical3A_501 : vector<16xi32>
        tpu.vector_store_idx %arg10[%add3A_525, %mul3A_20, %and3A_504, %add3A_490], %gather3A_522 : memref<32x1x8x128xf32, #tpu.memory_space<vmem>>[vector<16xi32>, vector<16xi32>, vector<16xi32>, vector<16xi32>], vector<16xf32>,
        %add3A_526 = arith.constant 48 : i32
        %add3A_527 = vector.broadcast %add3A_526 : i32 to vector<16xi32>
        %add3A_528 = arith.addi %add3A_527, %and3A_498 : vector<16xi32>
        %gather3A_529 = tpu.vector_load_idx %arg9[%add3A_493, %add3A_528] : memref<512x64xf32, #tpu.memory_space<vmem>>[vector<16xi32>, vector<16xi32>], vector<16xf32>,
        %add3A_530 = arith.constant 22 : i32
        %add3A_531 = vector.broadcast %add3A_530 : i32 to vector<16xi32>
        %add3A_532 = arith.addi %add3A_531, %shift_right_logical3A_501 : vector<16xi32>
        tpu.vector_store_idx %arg10[%add3A_532, %mul3A_20, %and3A_504, %add3A_490], %gather3A_529 : memref<32x1x8x128xf32, #tpu.memory_space<vmem>>[vector<16xi32>, vector<16xi32>, vector<16xi32>, vector<16xi32>], vector<16xf32>,
        %scan3A_533 = arith.constant 0 : i32
        %scan3A_534 = arith.constant 3 : i32
        %scan3A_535 = arith.addi %scan3A_378, %scan3A_534 : i32
        %shift_right_logical3A_536 = arith.constant 4 : i32
        %shift_right_logical3A_537 = arith.shrui %scan3A_535, %shift_right_logical3A_536 : i32
        %and3A_538 = arith.constant 15 : i32
        %and3A_539 = arith.andi %scan3A_535, %and3A_538 : i32
        %mul3A_540 = arith.constant 16 : i32
        %mul3A_541 = arith.muli %shift_right_logical3A_537, %mul3A_540 : i32
        %add3A_542 = vector.broadcast %mul3A_541 : i32 to vector<16xi32>
        %add3A_543 = arith.addi %add3A_542, %iota3A : vector<16xi32>
        %add3A_544 = arith.constant 256 : i32
        %add3A_545 = vector.broadcast %add3A_544 : i32 to vector<16xi32>
        %add3A_546 = arith.addi %add3A_545, %add3A_543 : vector<16xi32>
        %add3A_547 = vector.broadcast %and3A_539 : i32 to vector<16xi32>
        %add3A_548 = arith.addi %iota3A, %add3A_547 : vector<16xi32>
        %and3A_549 = arith.constant 15 : i32
        %and3A_550 = vector.broadcast %and3A_549 : i32 to vector<16xi32>
        %and3A_551 = arith.andi %add3A_548, %and3A_550 : vector<16xi32>
        %shift_right_logical3A_552 = arith.constant 3 : i32
        %shift_right_logical3A_553 = vector.broadcast %shift_right_logical3A_552 : i32 to vector<16xi32>
        %shift_right_logical3A_554 = arith.shrui %and3A_551, %shift_right_logical3A_553 : vector<16xi32>
        %and3A_555 = arith.constant 7 : i32
        %and3A_556 = vector.broadcast %and3A_555 : i32 to vector<16xi32>
        %and3A_557 = arith.andi %and3A_551, %and3A_556 : vector<16xi32>
        %add3A_558 = arith.constant 0 : i32
        %add3A_559 = vector.broadcast %add3A_558 : i32 to vector<16xi32>
        %add3A_560 = arith.addi %add3A_559, %and3A_551 : vector<16xi32>
        %gather3A_561 = tpu.vector_load_idx %arg9[%add3A_546, %add3A_560] : memref<512x64xf32, #tpu.memory_space<vmem>>[vector<16xi32>, vector<16xi32>], vector<16xf32>,
        %add3A_562 = arith.constant 16 : i32
        %add3A_563 = vector.broadcast %add3A_562 : i32 to vector<16xi32>
        %add3A_564 = arith.addi %add3A_563, %shift_right_logical3A_554 : vector<16xi32>
        tpu.vector_store_idx %arg10[%add3A_564, %mul3A_20, %and3A_557, %add3A_543], %gather3A_561 : memref<32x1x8x128xf32, #tpu.memory_space<vmem>>[vector<16xi32>, vector<16xi32>, vector<16xi32>, vector<16xi32>], vector<16xf32>,
        %add3A_565 = arith.constant 16 : i32
        %add3A_566 = vector.broadcast %add3A_565 : i32 to vector<16xi32>
        %add3A_567 = arith.addi %add3A_566, %and3A_551 : vector<16xi32>
        %gather3A_568 = tpu.vector_load_idx %arg9[%add3A_546, %add3A_567] : memref<512x64xf32, #tpu.memory_space<vmem>>[vector<16xi32>, vector<16xi32>], vector<16xf32>,
        %add3A_569 = arith.constant 18 : i32
        %add3A_570 = vector.broadcast %add3A_569 : i32 to vector<16xi32>
        %add3A_571 = arith.addi %add3A_570, %shift_right_logical3A_554 : vector<16xi32>
        tpu.vector_store_idx %arg10[%add3A_571, %mul3A_20, %and3A_557, %add3A_543], %gather3A_568 : memref<32x1x8x128xf32, #tpu.memory_space<vmem>>[vector<16xi32>, vector<16xi32>, vector<16xi32>, vector<16xi32>], vector<16xf32>,
        %add3A_572 = arith.constant 32 : i32
        %add3A_573 = vector.broadcast %add3A_572 : i32 to vector<16xi32>
        %add3A_574 = arith.addi %add3A_573, %and3A_551 : vector<16xi32>
        %gather3A_575 = tpu.vector_load_idx %arg9[%add3A_546, %add3A_574] : memref<512x64xf32, #tpu.memory_space<vmem>>[vector<16xi32>, vector<16xi32>], vector<16xf32>,
        %add3A_576 = arith.constant 20 : i32
        %add3A_577 = vector.broadcast %add3A_576 : i32 to vector<16xi32>
        %add3A_578 = arith.addi %add3A_577, %shift_right_logical3A_554 : vector<16xi32>
        tpu.vector_store_idx %arg10[%add3A_578, %mul3A_20, %and3A_557, %add3A_543], %gather3A_575 : memref<32x1x8x128xf32, #tpu.memory_space<vmem>>[vector<16xi32>, vector<16xi32>, vector<16xi32>, vector<16xi32>], vector<16xf32>,
        %add3A_579 = arith.constant 48 : i32
        %add3A_580 = vector.broadcast %add3A_579 : i32 to vector<16xi32>
        %add3A_581 = arith.addi %add3A_580, %and3A_551 : vector<16xi32>
        %gather3A_582 = tpu.vector_load_idx %arg9[%add3A_546, %add3A_581] : memref<512x64xf32, #tpu.memory_space<vmem>>[vector<16xi32>, vector<16xi32>], vector<16xf32>,
        %add3A_583 = arith.constant 22 : i32
        %add3A_584 = vector.broadcast %add3A_583 : i32 to vector<16xi32>
        %add3A_585 = arith.addi %add3A_584, %shift_right_logical3A_554 : vector<16xi32>
        tpu.vector_store_idx %arg10[%add3A_585, %mul3A_20, %and3A_557, %add3A_543], %gather3A_582 : memref<32x1x8x128xf32, #tpu.memory_space<vmem>>[vector<16xi32>, vector<16xi32>, vector<16xi32>, vector<16xi32>], vector<16xf32>,
        %scan3A_586 = arith.constant 0 : i32
        scf.yield %scan3A_586 : i32
      }
      %scan3A_306 = arith.constant 128 : i32
      %dma_start3A_307 = arith.constant 16 : i32
      %dma_start3A_308 = arith.constant 0 : i32
      %dma_start3A_309 = arith.constant 0 : i32
      %dma_start3A_310 = arith.constant 0 : i32
      %dma_start3A_311 = tpu.memref_slice %arg10[%dma_start3A_307, %dma_start3A_308, %dma_start3A_309, %dma_start3A_310] : memref<32x1x8x128xf32, #tpu.memory_space<vmem>> -> memref<8x1x8x128xf32, #tpu.memory_space<vmem>>
      %dma_start3A_312 = arith.constant 0 : i32
      %dma_start3A_313 = arith.constant 0 : i32
      %dma_start3A_314 = arith.constant 0 : i32
      %dma_start3A_315 = tpu.memref_slice %arg5[%add3A_280, %dma_start3A_312, %add3A, %dma_start3A_313, %dma_start3A_314] : memref<200x8x32x8x128xf32, #tpu.memory_space<hbm>> -> memref<1x8x1x8x128xf32, #tpu.memory_space<hbm>>
      %dma_start3A_316 = tpu.memref_squeeze %dma_start3A_315 : memref<1x8x1x8x128xf32, #tpu.memory_space<hbm>> -> memref<8x1x8x128xf32, #tpu.memory_space<hbm>>
      %dma_start3A_317 = arith.constant 0 : i32
      %dma_start3A_318 = arith.constant 0 : i32
      %dma_start3A_319 = arith.constant 0 : i32
      %dma_start3A_320 = tpu.memref_slice %arg5[%add3A_280, %dma_start3A_317, %add3A, %dma_start3A_318, %dma_start3A_319] : memref<200x8x32x8x128xf32, #tpu.memory_space<hbm>> -> memref<1x8x1x8x128xf32, #tpu.memory_space<hbm>>
      %dma_start3A_321 = tpu.memref_squeeze %dma_start3A_320 : memref<1x8x1x8x128xf32, #tpu.memory_space<hbm>> -> memref<8x1x8x128xf32, #tpu.memory_space<hbm>>
      %dma_start3A_322 = arith.constant 16 : i32
      %dma_start3A_323 = arith.constant 0 : i32
      %dma_start3A_324 = arith.constant 0 : i32
      %dma_start3A_325 = arith.constant 0 : i32
      %dma_start3A_326 = tpu.memref_slice %arg10[%dma_start3A_322, %dma_start3A_323, %dma_start3A_324, %dma_start3A_325] : memref<32x1x8x128xf32, #tpu.memory_space<vmem>> -> memref<8x1x8x128xf32, #tpu.memory_space<vmem>>
      tpu.enqueue_dma source(%dma_start3A_326 : memref<8x1x8x128xf32, #tpu.memory_space<vmem>>) target(%dma_start3A_321 : memref<8x1x8x128xf32, #tpu.memory_space<hbm>>) target_semaphore(%arg14 : memref<!tpu.dma_semaphore, #tpu.memory_space<semaphore_mem>>)
      %mul3A_327 = arith.constant 2 : i32
      %mul3A_328 = arith.muli %add3A_254, %mul3A_327 : i32
      %add3A_329 = arith.constant 1 : i32
      %add3A_330 = arith.addi %mul3A_328, %add3A_329 : i32
      %get3A_331 = arith.index_cast %add3A_330 : i32 to index
      %get3A_332 = arith.constant 0 : index
      %get3A_333 = tpu.vector_load %arg8[%get3A_331, %get3A_332] {strides = array<i32>} : memref<200x64xf32, #tpu.memory_space<vmem>>, vector<16xf32>,
      %get3A_334 = arith.index_cast %add3A_330 : i32 to index
      %get3A_335 = arith.constant 16 : index
      %get3A_336 = tpu.vector_load %arg8[%get3A_334, %get3A_335] {strides = array<i32>} : memref<200x64xf32, #tpu.memory_space<vmem>>, vector<16xf32>,
      %get3A_337 = arith.index_cast %add3A_330 : i32 to index
      %get3A_338 = arith.constant 32 : index
      %get3A_339 = tpu.vector_load %arg8[%get3A_337, %get3A_338] {strides = array<i32>} : memref<200x64xf32, #tpu.memory_space<vmem>>, vector<16xf32>,
      %get3A_340 = arith.index_cast %add3A_330 : i32 to index
      %get3A_341 = arith.constant 48 : index
      %get3A_342 = tpu.vector_load %arg8[%get3A_340, %get3A_341] {strides = array<i32>} : memref<200x64xf32, #tpu.memory_space<vmem>>, vector<16xf32>,
      %scan3A_343 = arith.constant 0 : i32
      %scan3A_344 = arith.constant 0 : i32
      %scan3A_345 = arith.constant 128 : i32
      %scan3A_346 = arith.addi %scan3A_344, %scan3A_345 : i32
      %scan3A_347 = arith.constant 4 : i32
      %scan3A_348 = scf.for %scan3A_378 = %scan3A_344 to %scan3A_346 step %scan3A_347 iter_args(%scan3A_379 = %scan3A_343) -> (i32)  : i32 {
        %add3A_380 = arith.constant 384 : i32
        %add3A_381 = arith.addi %add3A_380, %scan3A_378 : i32
        %get3A_382 = arith.index_cast %add3A_381 : i32 to index
        %get3A_383 = arith.constant 0 : index
        %get3A_384 = tpu.vector_load %arg9[%get3A_382, %get3A_383] {strides = array<i32>} : memref<512x64xf32, #tpu.memory_space<vmem>>, vector<16xf32>,
        %add3A_385 = arith.addf %get3A_384, %get3A_333 : vector<16xf32>
        %add3A_386 = arith.constant 384 : i32
        %add3A_387 = arith.addi %add3A_386, %scan3A_378 : i32
        %swap3A = arith.index_cast %add3A_387 : i32 to index
        %swap3A_388 = arith.constant 0 : index
        %swap3A_389 = tpu.vector_load %arg9[%swap3A, %swap3A_388] {strides = array<i32>} : memref<512x64xf32, #tpu.memory_space<vmem>>, vector<16xf32>,
        tpu.vector_store %arg9[%swap3A, %swap3A_388], %add3A_385 {strides = array<i32>} : memref<512x64xf32, #tpu.memory_space<vmem>>, vector<16xf32>,
        %add3A_390 = arith.constant 384 : i32
        %add3A_391 = arith.addi %add3A_390, %scan3A_378 : i32
        %get3A_392 = arith.index_cast %add3A_391 : i32 to index
        %get3A_393 = arith.constant 16 : index
        %get3A_394 = tpu.vector_load %arg9[%get3A_392, %get3A_393] {strides = array<i32>} : memref<512x64xf32, #tpu.memory_space<vmem>>, vector<16xf32>,
        %add3A_395 = arith.addf %get3A_394, %get3A_336 : vector<16xf32>
        %add3A_396 = arith.constant 384 : i32
        %add3A_397 = arith.addi %add3A_396, %scan3A_378 : i32
        %swap3A_398 = arith.index_cast %add3A_397 : i32 to index
        %swap3A_399 = arith.constant 16 : index
        %swap3A_400 = tpu.vector_load %arg9[%swap3A_398, %swap3A_399] {strides = array<i32>} : memref<512x64xf32, #tpu.memory_space<vmem>>, vector<16xf32>,
        tpu.vector_store %arg9[%swap3A_398, %swap3A_399], %add3A_395 {strides = array<i32>} : memref<512x64xf32, #tpu.memory_space<vmem>>, vector<16xf32>,
        %add3A_401 = arith.constant 384 : i32
        %add3A_402 = arith.addi %add3A_401, %scan3A_378 : i32
        %get3A_403 = arith.index_cast %add3A_402 : i32 to index
        %get3A_404 = arith.constant 32 : index
        %get3A_405 = tpu.vector_load %arg9[%get3A_403, %get3A_404] {strides = array<i32>} : memref<512x64xf32, #tpu.memory_space<vmem>>, vector<16xf32>,
        %add3A_406 = arith.addf %get3A_405, %get3A_339 : vector<16xf32>
        %add3A_407 = arith.constant 384 : i32
        %add3A_408 = arith.addi %add3A_407, %scan3A_378 : i32
        %swap3A_409 = arith.index_cast %add3A_408 : i32 to index
        %swap3A_410 = arith.constant 32 : index
        %swap3A_411 = tpu.vector_load %arg9[%swap3A_409, %swap3A_410] {strides = array<i32>} : memref<512x64xf32, #tpu.memory_space<vmem>>, vector<16xf32>,
        tpu.vector_store %arg9[%swap3A_409, %swap3A_410], %add3A_406 {strides = array<i32>} : memref<512x64xf32, #tpu.memory_space<vmem>>, vector<16xf32>,
        %add3A_412 = arith.constant 384 : i32
        %add3A_413 = arith.addi %add3A_412, %scan3A_378 : i32
        %get3A_414 = arith.index_cast %add3A_413 : i32 to index
        %get3A_415 = arith.constant 48 : index
        %get3A_416 = tpu.vector_load %arg9[%get3A_414, %get3A_415] {strides = array<i32>} : memref<512x64xf32, #tpu.memory_space<vmem>>, vector<16xf32>,
        %add3A_417 = arith.addf %get3A_416, %get3A_342 : vector<16xf32>
        %add3A_418 = arith.constant 384 : i32
        %add3A_419 = arith.addi %add3A_418, %scan3A_378 : i32
        %swap3A_420 = arith.index_cast %add3A_419 : i32 to index
        %swap3A_421 = arith.constant 48 : index
        %swap3A_422 = tpu.vector_load %arg9[%swap3A_420, %swap3A_421] {strides = array<i32>} : memref<512x64xf32, #tpu.memory_space<vmem>>, vector<16xf32>,
        tpu.vector_store %arg9[%swap3A_420, %swap3A_421], %add3A_417 {strides = array<i32>} : memref<512x64xf32, #tpu.memory_space<vmem>>, vector<16xf32>,
        %scan3A_423 = arith.constant 0 : i32
        %scan3A_424 = arith.constant 1 : i32
        %scan3A_425 = arith.addi %scan3A_378, %scan3A_424 : i32
        %add3A_426 = arith.constant 384 : i32
        %add3A_427 = arith.addi %add3A_426, %scan3A_425 : i32
        %get3A_428 = arith.index_cast %add3A_427 : i32 to index
        %get3A_429 = arith.constant 0 : index
        %get3A_430 = tpu.vector_load %arg9[%get3A_428, %get3A_429] {strides = array<i32>} : memref<512x64xf32, #tpu.memory_space<vmem>>, vector<16xf32>,
        %add3A_431 = arith.addf %get3A_430, %get3A_333 : vector<16xf32>
        %add3A_432 = arith.constant 384 : i32
        %add3A_433 = arith.addi %add3A_432, %scan3A_425 : i32
        %swap3A_434 = arith.index_cast %add3A_433 : i32 to index
        %swap3A_435 = arith.constant 0 : index
        %swap3A_436 = tpu.vector_load %arg9[%swap3A_434, %swap3A_435] {strides = array<i32>} : memref<512x64xf32, #tpu.memory_space<vmem>>, vector<16xf32>,
        tpu.vector_store %arg9[%swap3A_434, %swap3A_435], %add3A_431 {strides = array<i32>} : memref<512x64xf32, #tpu.memory_space<vmem>>, vector<16xf32>,
        %add3A_437 = arith.constant 384 : i32
        %add3A_438 = arith.addi %add3A_437, %scan3A_425 : i32
        %get3A_439 = arith.index_cast %add3A_438 : i32 to index
        %get3A_440 = arith.constant 16 : index
        %get3A_441 = tpu.vector_load %arg9[%get3A_439, %get3A_440] {strides = array<i32>} : memref<512x64xf32, #tpu.memory_space<vmem>>, vector<16xf32>,
        %add3A_442 = arith.addf %get3A_441, %get3A_336 : vector<16xf32>
        %add3A_443 = arith.constant 384 : i32
        %add3A_444 = arith.addi %add3A_443, %scan3A_425 : i32
        %swap3A_445 = arith.index_cast %add3A_444 : i32 to index
        %swap3A_446 = arith.constant 16 : index
        %swap3A_447 = tpu.vector_load %arg9[%swap3A_445, %swap3A_446] {strides = array<i32>} : memref<512x64xf32, #tpu.memory_space<vmem>>, vector<16xf32>,
        tpu.vector_store %arg9[%swap3A_445, %swap3A_446], %add3A_442 {strides = array<i32>} : memref<512x64xf32, #tpu.memory_space<vmem>>, vector<16xf32>,
        %add3A_448 = arith.constant 384 : i32
        %add3A_449 = arith.addi %add3A_448, %scan3A_425 : i32
        %get3A_450 = arith.index_cast %add3A_449 : i32 to index
        %get3A_451 = arith.constant 32 : index
        %get3A_452 = tpu.vector_load %arg9[%get3A_450, %get3A_451] {strides = array<i32>} : memref<512x64xf32, #tpu.memory_space<vmem>>, vector<16xf32>,
        %add3A_453 = arith.addf %get3A_452, %get3A_339 : vector<16xf32>
        %add3A_454 = arith.constant 384 : i32
        %add3A_455 = arith.addi %add3A_454, %scan3A_425 : i32
        %swap3A_456 = arith.index_cast %add3A_455 : i32 to index
        %swap3A_457 = arith.constant 32 : index
        %swap3A_458 = tpu.vector_load %arg9[%swap3A_456, %swap3A_457] {strides = array<i32>} : memref<512x64xf32, #tpu.memory_space<vmem>>, vector<16xf32>,
        tpu.vector_store %arg9[%swap3A_456, %swap3A_457], %add3A_453 {strides = array<i32>} : memref<512x64xf32, #tpu.memory_space<vmem>>, vector<16xf32>,
        %add3A_459 = arith.constant 384 : i32
        %add3A_460 = arith.addi %add3A_459, %scan3A_425 : i32
        %get3A_461 = arith.index_cast %add3A_460 : i32 to index
        %get3A_462 = arith.constant 48 : index
        %get3A_463 = tpu.vector_load %arg9[%get3A_461, %get3A_462] {strides = array<i32>} : memref<512x64xf32, #tpu.memory_space<vmem>>, vector<16xf32>,
        %add3A_464 = arith.addf %get3A_463, %get3A_342 : vector<16xf32>
        %add3A_465 = arith.constant 384 : i32
        %add3A_466 = arith.addi %add3A_465, %scan3A_425 : i32
        %swap3A_467 = arith.index_cast %add3A_466 : i32 to index
        %swap3A_468 = arith.constant 48 : index
        %swap3A_469 = tpu.vector_load %arg9[%swap3A_467, %swap3A_468] {strides = array<i32>} : memref<512x64xf32, #tpu.memory_space<vmem>>, vector<16xf32>,
        tpu.vector_store %arg9[%swap3A_467, %swap3A_468], %add3A_464 {strides = array<i32>} : memref<512x64xf32, #tpu.memory_space<vmem>>, vector<16xf32>,
        %scan3A_470 = arith.constant 0 : i32
        %scan3A_471 = arith.constant 2 : i32
        %scan3A_472 = arith.addi %scan3A_378, %scan3A_471 : i32
        %add3A_473 = arith.constant 384 : i32
        %add3A_474 = arith.addi %add3A_473, %scan3A_472 : i32
        %get3A_475 = arith.index_cast %add3A_474 : i32 to index
        %get3A_476 = arith.constant 0 : index
        %get3A_477 = tpu.vector_load %arg9[%get3A_475, %get3A_476] {strides = array<i32>} : memref<512x64xf32, #tpu.memory_space<vmem>>, vector<16xf32>,
        %add3A_478 = arith.addf %get3A_477, %get3A_333 : vector<16xf32>
        %add3A_479 = arith.constant 384 : i32
        %add3A_480 = arith.addi %add3A_479, %scan3A_472 : i32
        %swap3A_481 = arith.index_cast %add3A_480 : i32 to index
        %swap3A_482 = arith.constant 0 : index
        %swap3A_483 = tpu.vector_load %arg9[%swap3A_481, %swap3A_482] {strides = array<i32>} : memref<512x64xf32, #tpu.memory_space<vmem>>, vector<16xf32>,
        tpu.vector_store %arg9[%swap3A_481, %swap3A_482], %add3A_478 {strides = array<i32>} : memref<512x64xf32, #tpu.memory_space<vmem>>, vector<16xf32>,
        %add3A_484 = arith.constant 384 : i32
        %add3A_485 = arith.addi %add3A_484, %scan3A_472 : i32
        %get3A_486 = arith.index_cast %add3A_485 : i32 to index
        %get3A_487 = arith.constant 16 : index
        %get3A_488 = tpu.vector_load %arg9[%get3A_486, %get3A_487] {strides = array<i32>} : memref<512x64xf32, #tpu.memory_space<vmem>>, vector<16xf32>,
        %add3A_489 = arith.addf %get3A_488, %get3A_336 : vector<16xf32>
        %add3A_490 = arith.constant 384 : i32
        %add3A_491 = arith.addi %add3A_490, %scan3A_472 : i32
        %swap3A_492 = arith.index_cast %add3A_491 : i32 to index
        %swap3A_493 = arith.constant 16 : index
        %swap3A_494 = tpu.vector_load %arg9[%swap3A_492, %swap3A_493] {strides = array<i32>} : memref<512x64xf32, #tpu.memory_space<vmem>>, vector<16xf32>,
        tpu.vector_store %arg9[%swap3A_492, %swap3A_493], %add3A_489 {strides = array<i32>} : memref<512x64xf32, #tpu.memory_space<vmem>>, vector<16xf32>,
        %add3A_495 = arith.constant 384 : i32
        %add3A_496 = arith.addi %add3A_495, %scan3A_472 : i32
        %get3A_497 = arith.index_cast %add3A_496 : i32 to index
        %get3A_498 = arith.constant 32 : index
        %get3A_499 = tpu.vector_load %arg9[%get3A_497, %get3A_498] {strides = array<i32>} : memref<512x64xf32, #tpu.memory_space<vmem>>, vector<16xf32>,
        %add3A_500 = arith.addf %get3A_499, %get3A_339 : vector<16xf32>
        %add3A_501 = arith.constant 384 : i32
        %add3A_502 = arith.addi %add3A_501, %scan3A_472 : i32
        %swap3A_503 = arith.index_cast %add3A_502 : i32 to index
        %swap3A_504 = arith.constant 32 : index
        %swap3A_505 = tpu.vector_load %arg9[%swap3A_503, %swap3A_504] {strides = array<i32>} : memref<512x64xf32, #tpu.memory_space<vmem>>, vector<16xf32>,
        tpu.vector_store %arg9[%swap3A_503, %swap3A_504], %add3A_500 {strides = array<i32>} : memref<512x64xf32, #tpu.memory_space<vmem>>, vector<16xf32>,
        %add3A_506 = arith.constant 384 : i32
        %add3A_507 = arith.addi %add3A_506, %scan3A_472 : i32
        %get3A_508 = arith.index_cast %add3A_507 : i32 to index
        %get3A_509 = arith.constant 48 : index
        %get3A_510 = tpu.vector_load %arg9[%get3A_508, %get3A_509] {strides = array<i32>} : memref<512x64xf32, #tpu.memory_space<vmem>>, vector<16xf32>,
        %add3A_511 = arith.addf %get3A_510, %get3A_342 : vector<16xf32>
        %add3A_512 = arith.constant 384 : i32
        %add3A_513 = arith.addi %add3A_512, %scan3A_472 : i32
        %swap3A_514 = arith.index_cast %add3A_513 : i32 to index
        %swap3A_515 = arith.constant 48 : index
        %swap3A_516 = tpu.vector_load %arg9[%swap3A_514, %swap3A_515] {strides = array<i32>} : memref<512x64xf32, #tpu.memory_space<vmem>>, vector<16xf32>,
        tpu.vector_store %arg9[%swap3A_514, %swap3A_515], %add3A_511 {strides = array<i32>} : memref<512x64xf32, #tpu.memory_space<vmem>>, vector<16xf32>,
        %scan3A_517 = arith.constant 0 : i32
        %scan3A_518 = arith.constant 3 : i32
        %scan3A_519 = arith.addi %scan3A_378, %scan3A_518 : i32
        %add3A_520 = arith.constant 384 : i32
        %add3A_521 = arith.addi %add3A_520, %scan3A_519 : i32
        %get3A_522 = arith.index_cast %add3A_521 : i32 to index
        %get3A_523 = arith.constant 0 : index
        %get3A_524 = tpu.vector_load %arg9[%get3A_522, %get3A_523] {strides = array<i32>} : memref<512x64xf32, #tpu.memory_space<vmem>>, vector<16xf32>,
        %add3A_525 = arith.addf %get3A_524, %get3A_333 : vector<16xf32>
        %add3A_526 = arith.constant 384 : i32
        %add3A_527 = arith.addi %add3A_526, %scan3A_519 : i32
        %swap3A_528 = arith.index_cast %add3A_527 : i32 to index
        %swap3A_529 = arith.constant 0 : index
        %swap3A_530 = tpu.vector_load %arg9[%swap3A_528, %swap3A_529] {strides = array<i32>} : memref<512x64xf32, #tpu.memory_space<vmem>>, vector<16xf32>,
        tpu.vector_store %arg9[%swap3A_528, %swap3A_529], %add3A_525 {strides = array<i32>} : memref<512x64xf32, #tpu.memory_space<vmem>>, vector<16xf32>,
        %add3A_531 = arith.constant 384 : i32
        %add3A_532 = arith.addi %add3A_531, %scan3A_519 : i32
        %get3A_533 = arith.index_cast %add3A_532 : i32 to index
        %get3A_534 = arith.constant 16 : index
        %get3A_535 = tpu.vector_load %arg9[%get3A_533, %get3A_534] {strides = array<i32>} : memref<512x64xf32, #tpu.memory_space<vmem>>, vector<16xf32>,
        %add3A_536 = arith.addf %get3A_535, %get3A_336 : vector<16xf32>
        %add3A_537 = arith.constant 384 : i32
        %add3A_538 = arith.addi %add3A_537, %scan3A_519 : i32
        %swap3A_539 = arith.index_cast %add3A_538 : i32 to index
        %swap3A_540 = arith.constant 16 : index
        %swap3A_541 = tpu.vector_load %arg9[%swap3A_539, %swap3A_540] {strides = array<i32>} : memref<512x64xf32, #tpu.memory_space<vmem>>, vector<16xf32>,
        tpu.vector_store %arg9[%swap3A_539, %swap3A_540], %add3A_536 {strides = array<i32>} : memref<512x64xf32, #tpu.memory_space<vmem>>, vector<16xf32>,
        %add3A_542 = arith.constant 384 : i32
        %add3A_543 = arith.addi %add3A_542, %scan3A_519 : i32
        %get3A_544 = arith.index_cast %add3A_543 : i32 to index
        %get3A_545 = arith.constant 32 : index
        %get3A_546 = tpu.vector_load %arg9[%get3A_544, %get3A_545] {strides = array<i32>} : memref<512x64xf32, #tpu.memory_space<vmem>>, vector<16xf32>,
        %add3A_547 = arith.addf %get3A_546, %get3A_339 : vector<16xf32>
        %add3A_548 = arith.constant 384 : i32
        %add3A_549 = arith.addi %add3A_548, %scan3A_519 : i32
        %swap3A_550 = arith.index_cast %add3A_549 : i32 to index
        %swap3A_551 = arith.constant 32 : index
        %swap3A_552 = tpu.vector_load %arg9[%swap3A_550, %swap3A_551] {strides = array<i32>} : memref<512x64xf32, #tpu.memory_space<vmem>>, vector<16xf32>,
        tpu.vector_store %arg9[%swap3A_550, %swap3A_551], %add3A_547 {strides = array<i32>} : memref<512x64xf32, #tpu.memory_space<vmem>>, vector<16xf32>,
        %add3A_553 = arith.constant 384 : i32
        %add3A_554 = arith.addi %add3A_553, %scan3A_519 : i32
        %get3A_555 = arith.index_cast %add3A_554 : i32 to index
        %get3A_556 = arith.constant 48 : index
        %get3A_557 = tpu.vector_load %arg9[%get3A_555, %get3A_556] {strides = array<i32>} : memref<512x64xf32, #tpu.memory_space<vmem>>, vector<16xf32>,
        %add3A_558 = arith.addf %get3A_557, %get3A_342 : vector<16xf32>
        %add3A_559 = arith.constant 384 : i32
        %add3A_560 = arith.addi %add3A_559, %scan3A_519 : i32
        %swap3A_561 = arith.index_cast %add3A_560 : i32 to index
        %swap3A_562 = arith.constant 48 : index
        %swap3A_563 = tpu.vector_load %arg9[%swap3A_561, %swap3A_562] {strides = array<i32>} : memref<512x64xf32, #tpu.memory_space<vmem>>, vector<16xf32>,
        tpu.vector_store %arg9[%swap3A_561, %swap3A_562], %add3A_558 {strides = array<i32>} : memref<512x64xf32, #tpu.memory_space<vmem>>, vector<16xf32>,
        %scan3A_564 = arith.constant 0 : i32
        scf.yield %scan3A_564 : i32
      }
      %scan3A_349 = arith.constant 128 : i32
      %scan3A_350 = arith.constant 0 : i32
      %scan3A_351 = arith.constant 0 : i32
      %scan3A_352 = arith.constant 128 : i32
      %scan3A_353 = arith.addi %scan3A_351, %scan3A_352 : i32
      %scan3A_354 = arith.constant 4 : i32
      %scan3A_355 = scf.for %scan3A_378 = %scan3A_351 to %scan3A_353 step %scan3A_354 iter_args(%scan3A_379 = %scan3A_350) -> (i32)  : i32 {
        %shift_right_logical3A = arith.constant 4 : i32
        %shift_right_logical3A_380 = arith.shrui %scan3A_378, %shift_right_logical3A : i32
        %and3A = arith.constant 15 : i32
        %and3A_381 = arith.andi %scan3A_378, %and3A : i32
        %mul3A_382 = arith.constant 16 : i32
        %mul3A_383 = arith.muli %shift_right_logical3A_380, %mul3A_382 : i32
        %add3A_384 = vector.broadcast %mul3A_383 : i32 to vector<16xi32>
        %add3A_385 = arith.addi %add3A_384, %iota3A : vector<16xi32>
        %add3A_386 = arith.constant 384 : i32
        %add3A_387 = vector.broadcast %add3A_386 : i32 to vector<16xi32>
        %add3A_388 = arith.addi %add3A_387, %add3A_385 : vector<16xi32>
        %add3A_389 = vector.broadcast %and3A_381 : i32 to vector<16xi32>
        %add3A_390 = arith.addi %iota3A, %add3A_389 : vector<16xi32>
        %and3A_391 = arith.constant 15 : i32
        %and3A_392 = vector.broadcast %and3A_391 : i32 to vector<16xi32>
        %and3A_393 = arith.andi %add3A_390, %and3A_392 : vector<16xi32>
        %shift_right_logical3A_394 = arith.constant 3 : i32
        %shift_right_logical3A_395 = vector.broadcast %shift_right_logical3A_394 : i32 to vector<16xi32>
        %shift_right_logical3A_396 = arith.shrui %and3A_393, %shift_right_logical3A_395 : vector<16xi32>
        %and3A_397 = arith.constant 7 : i32
        %and3A_398 = vector.broadcast %and3A_397 : i32 to vector<16xi32>
        %and3A_399 = arith.andi %and3A_393, %and3A_398 : vector<16xi32>
        %add3A_400 = arith.constant 0 : i32
        %add3A_401 = vector.broadcast %add3A_400 : i32 to vector<16xi32>
        %add3A_402 = arith.addi %add3A_401, %and3A_393 : vector<16xi32>
        %gather3A = tpu.vector_load_idx %arg9[%add3A_388, %add3A_402] : memref<512x64xf32, #tpu.memory_space<vmem>>[vector<16xi32>, vector<16xi32>], vector<16xf32>,
        %add3A_403 = arith.constant 24 : i32
        %add3A_404 = vector.broadcast %add3A_403 : i32 to vector<16xi32>
        %add3A_405 = arith.addi %add3A_404, %shift_right_logical3A_396 : vector<16xi32>
        tpu.vector_store_idx %arg10[%add3A_405, %mul3A_20, %and3A_399, %add3A_385], %gather3A : memref<32x1x8x128xf32, #tpu.memory_space<vmem>>[vector<16xi32>, vector<16xi32>, vector<16xi32>, vector<16xi32>], vector<16xf32>,
        %add3A_406 = arith.constant 16 : i32
        %add3A_407 = vector.broadcast %add3A_406 : i32 to vector<16xi32>
        %add3A_408 = arith.addi %add3A_407, %and3A_393 : vector<16xi32>
        %gather3A_409 = tpu.vector_load_idx %arg9[%add3A_388, %add3A_408] : memref<512x64xf32, #tpu.memory_space<vmem>>[vector<16xi32>, vector<16xi32>], vector<16xf32>,
        %add3A_410 = arith.constant 26 : i32
        %add3A_411 = vector.broadcast %add3A_410 : i32 to vector<16xi32>
        %add3A_412 = arith.addi %add3A_411, %shift_right_logical3A_396 : vector<16xi32>
        tpu.vector_store_idx %arg10[%add3A_412, %mul3A_20, %and3A_399, %add3A_385], %gather3A_409 : memref<32x1x8x128xf32, #tpu.memory_space<vmem>>[vector<16xi32>, vector<16xi32>, vector<16xi32>, vector<16xi32>], vector<16xf32>,
        %add3A_413 = arith.constant 32 : i32
        %add3A_414 = vector.broadcast %add3A_413 : i32 to vector<16xi32>
        %add3A_415 = arith.addi %add3A_414, %and3A_393 : vector<16xi32>
        %gather3A_416 = tpu.vector_load_idx %arg9[%add3A_388, %add3A_415] : memref<512x64xf32, #tpu.memory_space<vmem>>[vector<16xi32>, vector<16xi32>], vector<16xf32>,
        %add3A_417 = arith.constant 28 : i32
        %add3A_418 = vector.broadcast %add3A_417 : i32 to vector<16xi32>
        %add3A_419 = arith.addi %add3A_418, %shift_right_logical3A_396 : vector<16xi32>
        tpu.vector_store_idx %arg10[%add3A_419, %mul3A_20, %and3A_399, %add3A_385], %gather3A_416 : memref<32x1x8x128xf32, #tpu.memory_space<vmem>>[vector<16xi32>, vector<16xi32>, vector<16xi32>, vector<16xi32>], vector<16xf32>,
        %add3A_420 = arith.constant 48 : i32
        %add3A_421 = vector.broadcast %add3A_420 : i32 to vector<16xi32>
        %add3A_422 = arith.addi %add3A_421, %and3A_393 : vector<16xi32>
        %gather3A_423 = tpu.vector_load_idx %arg9[%add3A_388, %add3A_422] : memref<512x64xf32, #tpu.memory_space<vmem>>[vector<16xi32>, vector<16xi32>], vector<16xf32>,
        %add3A_424 = arith.constant 30 : i32
        %add3A_425 = vector.broadcast %add3A_424 : i32 to vector<16xi32>
        %add3A_426 = arith.addi %add3A_425, %shift_right_logical3A_396 : vector<16xi32>
        tpu.vector_store_idx %arg10[%add3A_426, %mul3A_20, %and3A_399, %add3A_385], %gather3A_423 : memref<32x1x8x128xf32, #tpu.memory_space<vmem>>[vector<16xi32>, vector<16xi32>, vector<16xi32>, vector<16xi32>], vector<16xf32>,
        %scan3A_427 = arith.constant 0 : i32
        %scan3A_428 = arith.constant 1 : i32
        %scan3A_429 = arith.addi %scan3A_378, %scan3A_428 : i32
        %shift_right_logical3A_430 = arith.constant 4 : i32
        %shift_right_logical3A_431 = arith.shrui %scan3A_429, %shift_right_logical3A_430 : i32
        %and3A_432 = arith.constant 15 : i32
        %and3A_433 = arith.andi %scan3A_429, %and3A_432 : i32
        %mul3A_434 = arith.constant 16 : i32
        %mul3A_435 = arith.muli %shift_right_logical3A_431, %mul3A_434 : i32
        %add3A_436 = vector.broadcast %mul3A_435 : i32 to vector<16xi32>
        %add3A_437 = arith.addi %add3A_436, %iota3A : vector<16xi32>
        %add3A_438 = arith.constant 384 : i32
        %add3A_439 = vector.broadcast %add3A_438 : i32 to vector<16xi32>
        %add3A_440 = arith.addi %add3A_439, %add3A_437 : vector<16xi32>
        %add3A_441 = vector.broadcast %and3A_433 : i32 to vector<16xi32>
        %add3A_442 = arith.addi %iota3A, %add3A_441 : vector<16xi32>
        %and3A_443 = arith.constant 15 : i32
        %and3A_444 = vector.broadcast %and3A_443 : i32 to vector<16xi32>
        %and3A_445 = arith.andi %add3A_442, %and3A_444 : vector<16xi32>
        %shift_right_logical3A_446 = arith.constant 3 : i32
        %shift_right_logical3A_447 = vector.broadcast %shift_right_logical3A_446 : i32 to vector<16xi32>
        %shift_right_logical3A_448 = arith.shrui %and3A_445, %shift_right_logical3A_447 : vector<16xi32>
        %and3A_449 = arith.constant 7 : i32
        %and3A_450 = vector.broadcast %and3A_449 : i32 to vector<16xi32>
        %and3A_451 = arith.andi %and3A_445, %and3A_450 : vector<16xi32>
        %add3A_452 = arith.constant 0 : i32
        %add3A_453 = vector.broadcast %add3A_452 : i32 to vector<16xi32>
        %add3A_454 = arith.addi %add3A_453, %and3A_445 : vector<16xi32>
        %gather3A_455 = tpu.vector_load_idx %arg9[%add3A_440, %add3A_454] : memref<512x64xf32, #tpu.memory_space<vmem>>[vector<16xi32>, vector<16xi32>], vector<16xf32>,
        %add3A_456 = arith.constant 24 : i32
        %add3A_457 = vector.broadcast %add3A_456 : i32 to vector<16xi32>
        %add3A_458 = arith.addi %add3A_457, %shift_right_logical3A_448 : vector<16xi32>
        tpu.vector_store_idx %arg10[%add3A_458, %mul3A_20, %and3A_451, %add3A_437], %gather3A_455 : memref<32x1x8x128xf32, #tpu.memory_space<vmem>>[vector<16xi32>, vector<16xi32>, vector<16xi32>, vector<16xi32>], vector<16xf32>,
        %add3A_459 = arith.constant 16 : i32
        %add3A_460 = vector.broadcast %add3A_459 : i32 to vector<16xi32>
        %add3A_461 = arith.addi %add3A_460, %and3A_445 : vector<16xi32>
        %gather3A_462 = tpu.vector_load_idx %arg9[%add3A_440, %add3A_461] : memref<512x64xf32, #tpu.memory_space<vmem>>[vector<16xi32>, vector<16xi32>], vector<16xf32>,
        %add3A_463 = arith.constant 26 : i32
        %add3A_464 = vector.broadcast %add3A_463 : i32 to vector<16xi32>
        %add3A_465 = arith.addi %add3A_464, %shift_right_logical3A_448 : vector<16xi32>
        tpu.vector_store_idx %arg10[%add3A_465, %mul3A_20, %and3A_451, %add3A_437], %gather3A_462 : memref<32x1x8x128xf32, #tpu.memory_space<vmem>>[vector<16xi32>, vector<16xi32>, vector<16xi32>, vector<16xi32>], vector<16xf32>,
        %add3A_466 = arith.constant 32 : i32
        %add3A_467 = vector.broadcast %add3A_466 : i32 to vector<16xi32>
        %add3A_468 = arith.addi %add3A_467, %and3A_445 : vector<16xi32>
        %gather3A_469 = tpu.vector_load_idx %arg9[%add3A_440, %add3A_468] : memref<512x64xf32, #tpu.memory_space<vmem>>[vector<16xi32>, vector<16xi32>], vector<16xf32>,
        %add3A_470 = arith.constant 28 : i32
        %add3A_471 = vector.broadcast %add3A_470 : i32 to vector<16xi32>
        %add3A_472 = arith.addi %add3A_471, %shift_right_logical3A_448 : vector<16xi32>
        tpu.vector_store_idx %arg10[%add3A_472, %mul3A_20, %and3A_451, %add3A_437], %gather3A_469 : memref<32x1x8x128xf32, #tpu.memory_space<vmem>>[vector<16xi32>, vector<16xi32>, vector<16xi32>, vector<16xi32>], vector<16xf32>,
        %add3A_473 = arith.constant 48 : i32
        %add3A_474 = vector.broadcast %add3A_473 : i32 to vector<16xi32>
        %add3A_475 = arith.addi %add3A_474, %and3A_445 : vector<16xi32>
        %gather3A_476 = tpu.vector_load_idx %arg9[%add3A_440, %add3A_475] : memref<512x64xf32, #tpu.memory_space<vmem>>[vector<16xi32>, vector<16xi32>], vector<16xf32>,
        %add3A_477 = arith.constant 30 : i32
        %add3A_478 = vector.broadcast %add3A_477 : i32 to vector<16xi32>
        %add3A_479 = arith.addi %add3A_478, %shift_right_logical3A_448 : vector<16xi32>
        tpu.vector_store_idx %arg10[%add3A_479, %mul3A_20, %and3A_451, %add3A_437], %gather3A_476 : memref<32x1x8x128xf32, #tpu.memory_space<vmem>>[vector<16xi32>, vector<16xi32>, vector<16xi32>, vector<16xi32>], vector<16xf32>,
        %scan3A_480 = arith.constant 0 : i32
        %scan3A_481 = arith.constant 2 : i32
        %scan3A_482 = arith.addi %scan3A_378, %scan3A_481 : i32
        %shift_right_logical3A_483 = arith.constant 4 : i32
        %shift_right_logical3A_484 = arith.shrui %scan3A_482, %shift_right_logical3A_483 : i32
        %and3A_485 = arith.constant 15 : i32
        %and3A_486 = arith.andi %scan3A_482, %and3A_485 : i32
        %mul3A_487 = arith.constant 16 : i32
        %mul3A_488 = arith.muli %shift_right_logical3A_484, %mul3A_487 : i32
        %add3A_489 = vector.broadcast %mul3A_488 : i32 to vector<16xi32>
        %add3A_490 = arith.addi %add3A_489, %iota3A : vector<16xi32>
        %add3A_491 = arith.constant 384 : i32
        %add3A_492 = vector.broadcast %add3A_491 : i32 to vector<16xi32>
        %add3A_493 = arith.addi %add3A_492, %add3A_490 : vector<16xi32>
        %add3A_494 = vector.broadcast %and3A_486 : i32 to vector<16xi32>
        %add3A_495 = arith.addi %iota3A, %add3A_494 : vector<16xi32>
        %and3A_496 = arith.constant 15 : i32
        %and3A_497 = vector.broadcast %and3A_496 : i32 to vector<16xi32>
        %and3A_498 = arith.andi %add3A_495, %and3A_497 : vector<16xi32>
        %shift_right_logical3A_499 = arith.constant 3 : i32
        %shift_right_logical3A_500 = vector.broadcast %shift_right_logical3A_499 : i32 to vector<16xi32>
        %shift_right_logical3A_501 = arith.shrui %and3A_498, %shift_right_logical3A_500 : vector<16xi32>
        %and3A_502 = arith.constant 7 : i32
        %and3A_503 = vector.broadcast %and3A_502 : i32 to vector<16xi32>
        %and3A_504 = arith.andi %and3A_498, %and3A_503 : vector<16xi32>
        %add3A_505 = arith.constant 0 : i32
        %add3A_506 = vector.broadcast %add3A_505 : i32 to vector<16xi32>
        %add3A_507 = arith.addi %add3A_506, %and3A_498 : vector<16xi32>
        %gather3A_508 = tpu.vector_load_idx %arg9[%add3A_493, %add3A_507] : memref<512x64xf32, #tpu.memory_space<vmem>>[vector<16xi32>, vector<16xi32>], vector<16xf32>,
        %add3A_509 = arith.constant 24 : i32
        %add3A_510 = vector.broadcast %add3A_509 : i32 to vector<16xi32>
        %add3A_511 = arith.addi %add3A_510, %shift_right_logical3A_501 : vector<16xi32>
        tpu.vector_store_idx %arg10[%add3A_511, %mul3A_20, %and3A_504, %add3A_490], %gather3A_508 : memref<32x1x8x128xf32, #tpu.memory_space<vmem>>[vector<16xi32>, vector<16xi32>, vector<16xi32>, vector<16xi32>], vector<16xf32>,
        %add3A_512 = arith.constant 16 : i32
        %add3A_513 = vector.broadcast %add3A_512 : i32 to vector<16xi32>
        %add3A_514 = arith.addi %add3A_513, %and3A_498 : vector<16xi32>
        %gather3A_515 = tpu.vector_load_idx %arg9[%add3A_493, %add3A_514] : memref<512x64xf32, #tpu.memory_space<vmem>>[vector<16xi32>, vector<16xi32>], vector<16xf32>,
        %add3A_516 = arith.constant 26 : i32
        %add3A_517 = vector.broadcast %add3A_516 : i32 to vector<16xi32>
        %add3A_518 = arith.addi %add3A_517, %shift_right_logical3A_501 : vector<16xi32>
        tpu.vector_store_idx %arg10[%add3A_518, %mul3A_20, %and3A_504, %add3A_490], %gather3A_515 : memref<32x1x8x128xf32, #tpu.memory_space<vmem>>[vector<16xi32>, vector<16xi32>, vector<16xi32>, vector<16xi32>], vector<16xf32>,
        %add3A_519 = arith.constant 32 : i32
        %add3A_520 = vector.broadcast %add3A_519 : i32 to vector<16xi32>
        %add3A_521 = arith.addi %add3A_520, %and3A_498 : vector<16xi32>
        %gather3A_522 = tpu.vector_load_idx %arg9[%add3A_493, %add3A_521] : memref<512x64xf32, #tpu.memory_space<vmem>>[vector<16xi32>, vector<16xi32>], vector<16xf32>,
        %add3A_523 = arith.constant 28 : i32
        %add3A_524 = vector.broadcast %add3A_523 : i32 to vector<16xi32>
        %add3A_525 = arith.addi %add3A_524, %shift_right_logical3A_501 : vector<16xi32>
        tpu.vector_store_idx %arg10[%add3A_525, %mul3A_20, %and3A_504, %add3A_490], %gather3A_522 : memref<32x1x8x128xf32, #tpu.memory_space<vmem>>[vector<16xi32>, vector<16xi32>, vector<16xi32>, vector<16xi32>], vector<16xf32>,
        %add3A_526 = arith.constant 48 : i32
        %add3A_527 = vector.broadcast %add3A_526 : i32 to vector<16xi32>
        %add3A_528 = arith.addi %add3A_527, %and3A_498 : vector<16xi32>
        %gather3A_529 = tpu.vector_load_idx %arg9[%add3A_493, %add3A_528] : memref<512x64xf32, #tpu.memory_space<vmem>>[vector<16xi32>, vector<16xi32>], vector<16xf32>,
        %add3A_530 = arith.constant 30 : i32
        %add3A_531 = vector.broadcast %add3A_530 : i32 to vector<16xi32>
        %add3A_532 = arith.addi %add3A_531, %shift_right_logical3A_501 : vector<16xi32>
        tpu.vector_store_idx %arg10[%add3A_532, %mul3A_20, %and3A_504, %add3A_490], %gather3A_529 : memref<32x1x8x128xf32, #tpu.memory_space<vmem>>[vector<16xi32>, vector<16xi32>, vector<16xi32>, vector<16xi32>], vector<16xf32>,
        %scan3A_533 = arith.constant 0 : i32
        %scan3A_534 = arith.constant 3 : i32
        %scan3A_535 = arith.addi %scan3A_378, %scan3A_534 : i32
        %shift_right_logical3A_536 = arith.constant 4 : i32
        %shift_right_logical3A_537 = arith.shrui %scan3A_535, %shift_right_logical3A_536 : i32
        %and3A_538 = arith.constant 15 : i32
        %and3A_539 = arith.andi %scan3A_535, %and3A_538 : i32
        %mul3A_540 = arith.constant 16 : i32
        %mul3A_541 = arith.muli %shift_right_logical3A_537, %mul3A_540 : i32
        %add3A_542 = vector.broadcast %mul3A_541 : i32 to vector<16xi32>
        %add3A_543 = arith.addi %add3A_542, %iota3A : vector<16xi32>
        %add3A_544 = arith.constant 384 : i32
        %add3A_545 = vector.broadcast %add3A_544 : i32 to vector<16xi32>
        %add3A_546 = arith.addi %add3A_545, %add3A_543 : vector<16xi32>
        %add3A_547 = vector.broadcast %and3A_539 : i32 to vector<16xi32>
        %add3A_548 = arith.addi %iota3A, %add3A_547 : vector<16xi32>
        %and3A_549 = arith.constant 15 : i32
        %and3A_550 = vector.broadcast %and3A_549 : i32 to vector<16xi32>
        %and3A_551 = arith.andi %add3A_548, %and3A_550 : vector<16xi32>
        %shift_right_logical3A_552 = arith.constant 3 : i32
        %shift_right_logical3A_553 = vector.broadcast %shift_right_logical3A_552 : i32 to vector<16xi32>
        %shift_right_logical3A_554 = arith.shrui %and3A_551, %shift_right_logical3A_553 : vector<16xi32>
        %and3A_555 = arith.constant 7 : i32
        %and3A_556 = vector.broadcast %and3A_555 : i32 to vector<16xi32>
        %and3A_557 = arith.andi %and3A_551, %and3A_556 : vector<16xi32>
        %add3A_558 = arith.constant 0 : i32
        %add3A_559 = vector.broadcast %add3A_558 : i32 to vector<16xi32>
        %add3A_560 = arith.addi %add3A_559, %and3A_551 : vector<16xi32>
        %gather3A_561 = tpu.vector_load_idx %arg9[%add3A_546, %add3A_560] : memref<512x64xf32, #tpu.memory_space<vmem>>[vector<16xi32>, vector<16xi32>], vector<16xf32>,
        %add3A_562 = arith.constant 24 : i32
        %add3A_563 = vector.broadcast %add3A_562 : i32 to vector<16xi32>
        %add3A_564 = arith.addi %add3A_563, %shift_right_logical3A_554 : vector<16xi32>
        tpu.vector_store_idx %arg10[%add3A_564, %mul3A_20, %and3A_557, %add3A_543], %gather3A_561 : memref<32x1x8x128xf32, #tpu.memory_space<vmem>>[vector<16xi32>, vector<16xi32>, vector<16xi32>, vector<16xi32>], vector<16xf32>,
        %add3A_565 = arith.constant 16 : i32
        %add3A_566 = vector.broadcast %add3A_565 : i32 to vector<16xi32>
        %add3A_567 = arith.addi %add3A_566, %and3A_551 : vector<16xi32>
        %gather3A_568 = tpu.vector_load_idx %arg9[%add3A_546, %add3A_567] : memref<512x64xf32, #tpu.memory_space<vmem>>[vector<16xi32>, vector<16xi32>], vector<16xf32>,
        %add3A_569 = arith.constant 26 : i32
        %add3A_570 = vector.broadcast %add3A_569 : i32 to vector<16xi32>
        %add3A_571 = arith.addi %add3A_570, %shift_right_logical3A_554 : vector<16xi32>
        tpu.vector_store_idx %arg10[%add3A_571, %mul3A_20, %and3A_557, %add3A_543], %gather3A_568 : memref<32x1x8x128xf32, #tpu.memory_space<vmem>>[vector<16xi32>, vector<16xi32>, vector<16xi32>, vector<16xi32>], vector<16xf32>,
        %add3A_572 = arith.constant 32 : i32
        %add3A_573 = vector.broadcast %add3A_572 : i32 to vector<16xi32>
        %add3A_574 = arith.addi %add3A_573, %and3A_551 : vector<16xi32>
        %gather3A_575 = tpu.vector_load_idx %arg9[%add3A_546, %add3A_574] : memref<512x64xf32, #tpu.memory_space<vmem>>[vector<16xi32>, vector<16xi32>], vector<16xf32>,
        %add3A_576 = arith.constant 28 : i32
        %add3A_577 = vector.broadcast %add3A_576 : i32 to vector<16xi32>
        %add3A_578 = arith.addi %add3A_577, %shift_right_logical3A_554 : vector<16xi32>
        tpu.vector_store_idx %arg10[%add3A_578, %mul3A_20, %and3A_557, %add3A_543], %gather3A_575 : memref<32x1x8x128xf32, #tpu.memory_space<vmem>>[vector<16xi32>, vector<16xi32>, vector<16xi32>, vector<16xi32>], vector<16xf32>,
        %add3A_579 = arith.constant 48 : i32
        %add3A_580 = vector.broadcast %add3A_579 : i32 to vector<16xi32>
        %add3A_581 = arith.addi %add3A_580, %and3A_551 : vector<16xi32>
        %gather3A_582 = tpu.vector_load_idx %arg9[%add3A_546, %add3A_581] : memref<512x64xf32, #tpu.memory_space<vmem>>[vector<16xi32>, vector<16xi32>], vector<16xf32>,
        %add3A_583 = arith.constant 30 : i32
        %add3A_584 = vector.broadcast %add3A_583 : i32 to vector<16xi32>
        %add3A_585 = arith.addi %add3A_584, %shift_right_logical3A_554 : vector<16xi32>
        tpu.vector_store_idx %arg10[%add3A_585, %mul3A_20, %and3A_557, %add3A_543], %gather3A_582 : memref<32x1x8x128xf32, #tpu.memory_space<vmem>>[vector<16xi32>, vector<16xi32>, vector<16xi32>, vector<16xi32>], vector<16xf32>,
        %scan3A_586 = arith.constant 0 : i32
        scf.yield %scan3A_586 : i32
      }
      %scan3A_356 = arith.constant 128 : i32
      %dma_start3A_357 = arith.constant 24 : i32
      %dma_start3A_358 = arith.constant 0 : i32
      %dma_start3A_359 = arith.constant 0 : i32
      %dma_start3A_360 = arith.constant 0 : i32
      %dma_start3A_361 = tpu.memref_slice %arg10[%dma_start3A_357, %dma_start3A_358, %dma_start3A_359, %dma_start3A_360] : memref<32x1x8x128xf32, #tpu.memory_space<vmem>> -> memref<8x1x8x128xf32, #tpu.memory_space<vmem>>
      %dma_start3A_362 = arith.constant 0 : i32
      %dma_start3A_363 = arith.constant 0 : i32
      %dma_start3A_364 = arith.constant 0 : i32
      %dma_start3A_365 = tpu.memref_slice %arg5[%add3A_330, %dma_start3A_362, %add3A, %dma_start3A_363, %dma_start3A_364] : memref<200x8x32x8x128xf32, #tpu.memory_space<hbm>> -> memref<1x8x1x8x128xf32, #tpu.memory_space<hbm>>
      %dma_start3A_366 = tpu.memref_squeeze %dma_start3A_365 : memref<1x8x1x8x128xf32, #tpu.memory_space<hbm>> -> memref<8x1x8x128xf32, #tpu.memory_space<hbm>>
      %dma_start3A_367 = arith.constant 0 : i32
      %dma_start3A_368 = arith.constant 0 : i32
      %dma_start3A_369 = arith.constant 0 : i32
      %dma_start3A_370 = tpu.memref_slice %arg5[%add3A_330, %dma_start3A_367, %add3A, %dma_start3A_368, %dma_start3A_369] : memref<200x8x32x8x128xf32, #tpu.memory_space<hbm>> -> memref<1x8x1x8x128xf32, #tpu.memory_space<hbm>>
      %dma_start3A_371 = tpu.memref_squeeze %dma_start3A_370 : memref<1x8x1x8x128xf32, #tpu.memory_space<hbm>> -> memref<8x1x8x128xf32, #tpu.memory_space<hbm>>
      %dma_start3A_372 = arith.constant 24 : i32
      %dma_start3A_373 = arith.constant 0 : i32
      %dma_start3A_374 = arith.constant 0 : i32
      %dma_start3A_375 = arith.constant 0 : i32
      %dma_start3A_376 = tpu.memref_slice %arg10[%dma_start3A_372, %dma_start3A_373, %dma_start3A_374, %dma_start3A_375] : memref<32x1x8x128xf32, #tpu.memory_space<vmem>> -> memref<8x1x8x128xf32, #tpu.memory_space<vmem>>
      tpu.enqueue_dma source(%dma_start3A_376 : memref<8x1x8x128xf32, #tpu.memory_space<vmem>>) target(%dma_start3A_371 : memref<8x1x8x128xf32, #tpu.memory_space<hbm>>) target_semaphore(%arg14 : memref<!tpu.dma_semaphore, #tpu.memory_space<semaphore_mem>>)
      %scan3A_377 = arith.constant 0 : i32
      scf.yield %scan3A_377 : i32
    }
    %scan3A_36 = arith.constant 50 : i32
    %dma_wait3A = arith.constant 0 : i32
    %dma_wait3A_37 = arith.constant 0 : i32
    %dma_wait3A_38 = arith.constant 0 : i32
    %dma_wait3A_39 = arith.constant 0 : i32
    %dma_wait3A_40 = arith.constant 0 : i32
    %dma_wait3A_41 = tpu.memref_slice %arg10[%dma_wait3A_37, %dma_wait3A_38, %dma_wait3A_39, %dma_wait3A_40] : memref<32x1x8x128xf32, #tpu.memory_space<vmem>> -> memref<8x1x8x128xf32, #tpu.memory_space<vmem>>
    %dma_wait3A_42 = arith.constant 0 : i32
    %dma_wait3A_43 = arith.constant 0 : i32
    %dma_wait3A_44 = arith.constant 0 : i32
    %dma_wait3A_45 = arith.constant 0 : i32
    %dma_wait3A_46 = tpu.memref_slice %arg5[%dma_wait3A, %dma_wait3A_42, %dma_wait3A_43, %dma_wait3A_44, %dma_wait3A_45] : memref<200x8x32x8x128xf32, #tpu.memory_space<hbm>> -> memref<1x8x1x8x128xf32, #tpu.memory_space<hbm>>
    %dma_wait3A_47 = tpu.memref_squeeze %dma_wait3A_46 : memref<1x8x1x8x128xf32, #tpu.memory_space<hbm>> -> memref<8x1x8x128xf32, #tpu.memory_space<hbm>>
    %dma_wait3A_48 = arith.constant 0 : i32
    %dma_wait3A_49 = arith.constant 0 : i32
    %dma_wait3A_50 = arith.constant 0 : i32
    %dma_wait3A_51 = arith.constant 0 : i32
    %dma_wait3A_52 = tpu.memref_slice %arg5[%dma_wait3A, %dma_wait3A_48, %dma_wait3A_49, %dma_wait3A_50, %dma_wait3A_51] : memref<200x8x32x8x128xf32, #tpu.memory_space<hbm>> -> memref<1x8x1x8x128xf32, #tpu.memory_space<hbm>>
    %dma_wait3A_53 = tpu.memref_squeeze %dma_wait3A_52 : memref<1x8x1x8x128xf32, #tpu.memory_space<hbm>> -> memref<8x1x8x128xf32, #tpu.memory_space<hbm>>
    %dma_wait3A_54 = arith.constant 0 : i32
    %dma_wait3A_55 = arith.constant 0 : i32
    %dma_wait3A_56 = arith.constant 0 : i32
    %dma_wait3A_57 = arith.constant 0 : i32
    %dma_wait3A_58 = tpu.memref_slice %arg10[%dma_wait3A_54, %dma_wait3A_55, %dma_wait3A_56, %dma_wait3A_57] : memref<32x1x8x128xf32, #tpu.memory_space<vmem>> -> memref<8x1x8x128xf32, #tpu.memory_space<vmem>>
    tpu.wait_dma2 semaphore(%arg13 : memref<!tpu.dma_semaphore, #tpu.memory_space<semaphore_mem>>) src(%dma_wait3A_58 : memref<8x1x8x128xf32, #tpu.memory_space<vmem>>) dst(%dma_wait3A_53 : memref<8x1x8x128xf32, #tpu.memory_space<hbm>>)
    %dma_wait3A_59 = arith.constant 0 : i32
    %dma_wait3A_60 = arith.constant 0 : i32
    %dma_wait3A_61 = arith.constant 0 : i32
    %dma_wait3A_62 = arith.constant 0 : i32
    %dma_wait3A_63 = arith.constant 0 : i32
    %dma_wait3A_64 = tpu.memref_slice %arg10[%dma_wait3A_60, %dma_wait3A_61, %dma_wait3A_62, %dma_wait3A_63] : memref<32x1x8x128xf32, #tpu.memory_space<vmem>> -> memref<8x1x8x128xf32, #tpu.memory_space<vmem>>
    %dma_wait3A_65 = arith.constant 0 : i32
    %dma_wait3A_66 = arith.constant 0 : i32
    %dma_wait3A_67 = arith.constant 0 : i32
    %dma_wait3A_68 = arith.constant 0 : i32
    %dma_wait3A_69 = tpu.memref_slice %arg5[%dma_wait3A_59, %dma_wait3A_65, %dma_wait3A_66, %dma_wait3A_67, %dma_wait3A_68] : memref<200x8x32x8x128xf32, #tpu.memory_space<hbm>> -> memref<1x8x1x8x128xf32, #tpu.memory_space<hbm>>
    %dma_wait3A_70 = tpu.memref_squeeze %dma_wait3A_69 : memref<1x8x1x8x128xf32, #tpu.memory_space<hbm>> -> memref<8x1x8x128xf32, #tpu.memory_space<hbm>>
    %dma_wait3A_71 = arith.constant 0 : i32
    %dma_wait3A_72 = arith.constant 0 : i32
    %dma_wait3A_73 = arith.constant 0 : i32
    %dma_wait3A_74 = arith.constant 0 : i32
    %dma_wait3A_75 = tpu.memref_slice %arg5[%dma_wait3A_59, %dma_wait3A_71, %dma_wait3A_72, %dma_wait3A_73, %dma_wait3A_74] : memref<200x8x32x8x128xf32, #tpu.memory_space<hbm>> -> memref<1x8x1x8x128xf32, #tpu.memory_space<hbm>>
    %dma_wait3A_76 = tpu.memref_squeeze %dma_wait3A_75 : memref<1x8x1x8x128xf32, #tpu.memory_space<hbm>> -> memref<8x1x8x128xf32, #tpu.memory_space<hbm>>
    %dma_wait3A_77 = arith.constant 0 : i32
    %dma_wait3A_78 = arith.constant 0 : i32
    %dma_wait3A_79 = arith.constant 0 : i32
    %dma_wait3A_80 = arith.constant 0 : i32
    %dma_wait3A_81 = tpu.memref_slice %arg10[%dma_wait3A_77, %dma_wait3A_78, %dma_wait3A_79, %dma_wait3A_80] : memref<32x1x8x128xf32, #tpu.memory_space<vmem>> -> memref<8x1x8x128xf32, #tpu.memory_space<vmem>>
    tpu.wait_dma2 semaphore(%arg13 : memref<!tpu.dma_semaphore, #tpu.memory_space<semaphore_mem>>) src(%dma_wait3A_81 : memref<8x1x8x128xf32, #tpu.memory_space<vmem>>) dst(%dma_wait3A_76 : memref<8x1x8x128xf32, #tpu.memory_space<hbm>>)
    %dma_wait3A_82 = arith.constant 0 : i32
    %dma_wait3A_83 = arith.constant 0 : i32
    %dma_wait3A_84 = arith.constant 0 : i32
    %dma_wait3A_85 = arith.constant 0 : i32
    %dma_wait3A_86 = arith.constant 0 : i32
    %dma_wait3A_87 = tpu.memref_slice %arg10[%dma_wait3A_83, %dma_wait3A_84, %dma_wait3A_85, %dma_wait3A_86] : memref<32x1x8x128xf32, #tpu.memory_space<vmem>> -> memref<8x1x8x128xf32, #tpu.memory_space<vmem>>
    %dma_wait3A_88 = arith.constant 0 : i32
    %dma_wait3A_89 = arith.constant 0 : i32
    %dma_wait3A_90 = arith.constant 0 : i32
    %dma_wait3A_91 = arith.constant 0 : i32
    %dma_wait3A_92 = tpu.memref_slice %arg5[%dma_wait3A_82, %dma_wait3A_88, %dma_wait3A_89, %dma_wait3A_90, %dma_wait3A_91] : memref<200x8x32x8x128xf32, #tpu.memory_space<hbm>> -> memref<1x8x1x8x128xf32, #tpu.memory_space<hbm>>
    %dma_wait3A_93 = tpu.memref_squeeze %dma_wait3A_92 : memref<1x8x1x8x128xf32, #tpu.memory_space<hbm>> -> memref<8x1x8x128xf32, #tpu.memory_space<hbm>>
    %dma_wait3A_94 = arith.constant 0 : i32
    %dma_wait3A_95 = arith.constant 0 : i32
    %dma_wait3A_96 = arith.constant 0 : i32
    %dma_wait3A_97 = arith.constant 0 : i32
    %dma_wait3A_98 = tpu.memref_slice %arg5[%dma_wait3A_82, %dma_wait3A_94, %dma_wait3A_95, %dma_wait3A_96, %dma_wait3A_97] : memref<200x8x32x8x128xf32, #tpu.memory_space<hbm>> -> memref<1x8x1x8x128xf32, #tpu.memory_space<hbm>>
    %dma_wait3A_99 = tpu.memref_squeeze %dma_wait3A_98 : memref<1x8x1x8x128xf32, #tpu.memory_space<hbm>> -> memref<8x1x8x128xf32, #tpu.memory_space<hbm>>
    %dma_wait3A_100 = arith.constant 0 : i32
    %dma_wait3A_101 = arith.constant 0 : i32
    %dma_wait3A_102 = arith.constant 0 : i32
    %dma_wait3A_103 = arith.constant 0 : i32
    %dma_wait3A_104 = tpu.memref_slice %arg10[%dma_wait3A_100, %dma_wait3A_101, %dma_wait3A_102, %dma_wait3A_103] : memref<32x1x8x128xf32, #tpu.memory_space<vmem>> -> memref<8x1x8x128xf32, #tpu.memory_space<vmem>>
    tpu.wait_dma2 semaphore(%arg14 : memref<!tpu.dma_semaphore, #tpu.memory_space<semaphore_mem>>) src(%dma_wait3A_104 : memref<8x1x8x128xf32, #tpu.memory_space<vmem>>) dst(%dma_wait3A_99 : memref<8x1x8x128xf32, #tpu.memory_space<hbm>>)
    %dma_wait3A_105 = arith.constant 0 : i32
    %dma_wait3A_106 = arith.constant 0 : i32
    %dma_wait3A_107 = arith.constant 0 : i32
    %dma_wait3A_108 = arith.constant 0 : i32
    %dma_wait3A_109 = arith.constant 0 : i32
    %dma_wait3A_110 = tpu.memref_slice %arg10[%dma_wait3A_106, %dma_wait3A_107, %dma_wait3A_108, %dma_wait3A_109] : memref<32x1x8x128xf32, #tpu.memory_space<vmem>> -> memref<8x1x8x128xf32, #tpu.memory_space<vmem>>
    %dma_wait3A_111 = arith.constant 0 : i32
    %dma_wait3A_112 = arith.constant 0 : i32
    %dma_wait3A_113 = arith.constant 0 : i32
    %dma_wait3A_114 = arith.constant 0 : i32
    %dma_wait3A_115 = tpu.memref_slice %arg5[%dma_wait3A_105, %dma_wait3A_111, %dma_wait3A_112, %dma_wait3A_113, %dma_wait3A_114] : memref<200x8x32x8x128xf32, #tpu.memory_space<hbm>> -> memref<1x8x1x8x128xf32, #tpu.memory_space<hbm>>
    %dma_wait3A_116 = tpu.memref_squeeze %dma_wait3A_115 : memref<1x8x1x8x128xf32, #tpu.memory_space<hbm>> -> memref<8x1x8x128xf32, #tpu.memory_space<hbm>>
    %dma_wait3A_117 = arith.constant 0 : i32
    %dma_wait3A_118 = arith.constant 0 : i32
    %dma_wait3A_119 = arith.constant 0 : i32
    %dma_wait3A_120 = arith.constant 0 : i32
    %dma_wait3A_121 = tpu.memref_slice %arg5[%dma_wait3A_105, %dma_wait3A_117, %dma_wait3A_118, %dma_wait3A_119, %dma_wait3A_120] : memref<200x8x32x8x128xf32, #tpu.memory_space<hbm>> -> memref<1x8x1x8x128xf32, #tpu.memory_space<hbm>>
    %dma_wait3A_122 = tpu.memref_squeeze %dma_wait3A_121 : memref<1x8x1x8x128xf32, #tpu.memory_space<hbm>> -> memref<8x1x8x128xf32, #tpu.memory_space<hbm>>
    %dma_wait3A_123 = arith.constant 0 : i32
    %dma_wait3A_124 = arith.constant 0 : i32
    %dma_wait3A_125 = arith.constant 0 : i32
    %dma_wait3A_126 = arith.constant 0 : i32
    %dma_wait3A_127 = tpu.memref_slice %arg10[%dma_wait3A_123, %dma_wait3A_124, %dma_wait3A_125, %dma_wait3A_126] : memref<32x1x8x128xf32, #tpu.memory_space<vmem>> -> memref<8x1x8x128xf32, #tpu.memory_space<vmem>>
    tpu.wait_dma2 semaphore(%arg14 : memref<!tpu.dma_semaphore, #tpu.memory_space<semaphore_mem>>) src(%dma_wait3A_127 : memref<8x1x8x128xf32, #tpu.memory_space<vmem>>) dst(%dma_wait3A_122 : memref<8x1x8x128xf32, #tpu.memory_space<hbm>>)
    return
  }
}

</mosaic_0001>

<sc_bundles>
// kernel: _tpe.3.cloned.1.call-start
scs
__scs_entry_jumppad:
0x0: {  	(pc) =	sbr.rel $0x88, $3  }
0x1: {  	(tag) =	ssettag $0x0;
	lr =	simm.s32 $0x1  }
0x2: {  	[smem:$0x3F9E] =	sst lr;
	_ =	strace $0xD0000000  }
0x3: {  	_ = 	snop  }
0x4: {  	_ = 	snop  }
0x5: {  	_ = 	snop  }
0x6: {  	_ = 	snop  }
0x7: {  	_ = 	snop  }
__scs_overlays_trampoline_lowered:
0x8: {  	[smem:$0x3FAD] =	sst s0  }
0x9: {  	[smem:$0x3FAE] =	sst s1  }
0xa: {  	[smem:$0x3FAF] =	sst s2  }
0xb: {  	[smem:$0x3FB0] =	sst s3  }
0xc: {  	[smem:$0x3FB1] =	sst s4  }
0xd: {  	[smem:$0x3FB2] =	sst s5  }
0xe: {  	[smem:$0x3FB3] =	sst s6  }
0xf: {  	[smem:$0x3FB4] =	sst s7  }
0x10: {  	[smem:$0x3FB5] =	sst s8  }
0x11: {  	[smem:$0x3FB6] =	sst s9;
	s0 =	simm.s32 @!p0 $0x0  }
0x12: {  	s1 =	sld [smem:$0x3F9C];
	s0 =	simm.s32 @p0 $0x1  }
0x13: {  	[smem:$0x3FB7] =	sst s0;
	s0 =	simm.s32 @!p1 $0x0  }
0x14: {  	s2 =	sld [smem:$0x3F9B];
	s0 =	simm.s32 @p1 $0x1  }
0x15: {  	[smem:$0x3FB8] =	sst s0;
	s0 =	simm.s32 @!p2 $0x0  }
0x16: {  	s3 =	sld [smem:$0x3FDB];
	s0 =	simm.s32 @p2 $0x1  }
0x17: {  	s4 =	simm.s32 $0x1BF5;
	[smem:$0x3FBA] =	sst s0  }
0x18: {  	s0 =	sld [smem:$0x3F9D];
	_ =	swait.ge [sflag:s4], $0x0  }
0x19: {  	s7 =	sld [smem:$0x3F9E]  }
0x1a: {  	s8 =	sadd.s32 $0xFFFFE003, lr  }
0x1b: {  	s9 =	sadd.s32 $0xFFFFFEF7, lr;
	s5 =	simm.s32 $0xFFFFFFFF;
	p2 =	slt.u32 s8, $0xFFFFF086  }
0x1c: {  	p1 =	slt.u32 s9, $0xF7A;
	s5 =	simm.s32 @!p2 $0x0  }
0x1d: {  	s5 =	simm.s32 @p1 $0x1;
	p0 =	seq.s32 s7, s2  }
0x1e: {  	s7 =	smul.u32 @!p0 $0xF7A, s2;
	p2 =	seq.s32 @!p0 s5, $0x0  }
0x1f: {  	s9 =	smul.u32 $0xF7A, s1;
	s8 =	simm.s32 @!p0 $0x1BF5;
	p2 =	por !p2, p0  }
0x20: {  	[sflag:s8] =	ssyncset.s32 @!p0 $0xFFFFF086;
	s6 =	sadd.s32 @!p0 s3, s7;
	s7 =	simm.s32 @!p0 $0x108  }
0x21: {  	s3 =	sadd.s32 s3, s9;
	s6 =	sadd.s32 @!p0 $0x88, s6;
	s7 =	simm.s32 @p2 $0x1082  }
0x22: {  	[simem:s7], [sflag:s8] =	dma.local @!p0 [hbm:s6], $0xF7A  }
0x23: {  	s9 =	sor.u32 $0xD0000000, s2;
	s6 =	simm.s32 $0x108;
	_ =	swait.ge @!p0 [sflag:s8], $0x0  }
0x24: {  	s3 =	sadd.s32 $0x88, s3;
	s6 =	simm.s32 @!p1 $0x1082;
	[sflag:s4] =	ssyncset.s32 $0xFFFFF086  }
0x25: {  	[simem:s6], [sflag:s4] =	dma.local [hbm:s3], $0xF7A  }
0x26: {  	[smem:$0x3F9E] =	sst s1;
	(tag) =	ssettag s2;
	_ =	strace s9  }
0x27: {  	s1 =	sld [smem:$0x3FAE]  }
0x28: {  	s2 =	sld [smem:$0x3FAF]  }
0x29: {  	s4 =	sld [smem:$0x3FB1]  }
0x2a: {  	p0 =	seq.s32 s5, $0x0;
	s5 =	sld [smem:$0x3FB2]  }
0x2b: {  	s6 =	sld [smem:$0x3FB3]  }
0x2c: {  	s7 =	sld [smem:$0x3FB4]  }
0x2d: {  	s3 =	simm.s32 $0x108;
	s8 =	sld [smem:$0x3FB5]  }
0x2e: {  	s3 =	simm.s32 @!p0 $0x1082;
	s9 =	sld [smem:$0x3FB6]  }
0x2f: {  	lr =	sadd.s32 s0, s3;
	s0 =	sld [smem:$0x3FAD]  }
0x30: {  	s3 =	sld [smem:$0x3FB0]  }
0x31: {  	[smem:$0x3FB9] =	sst s10  }
0x32: {  	s10 =	sld [smem:$0x3FB7];
	_ =	sdelay $0x3  }
0x33: {  	p0 =	seq.s32 s10, $0x1;
	s10 =	sld [smem:$0x3FB9];
	_ =	sdelay $0x3  }
0x34: {  	[smem:$0x3FB9] =	sst s10  }
0x35: {  	s10 =	sld [smem:$0x3FB8];
	_ =	sdelay $0x3  }
0x36: {  	p1 =	seq.s32 s10, $0x1;
	s10 =	sld [smem:$0x3FB9];
	_ =	sdelay $0x3  }
0x37: {  	[smem:$0x3FB9] =	sst s10  }
0x38: {  	s10 =	sld [smem:$0x3FBA]  }
0x39: {  	_ = 	snop;
	(pc) =	sbr.ind lr, $3  }
0x3a: {  	_ = 	snop  }
0x3b: {  	_ = 	snop  }
0x3c: {  	p2 =	seq.s32 s10, $0x1;
	s10 =	sld [smem:$0x3FB9]  }
0x3d: {  	_ =	shalt  }
0x3e: {  	_ =	shalt  }
0x3f: {  	_ =	shalt  }
0x40: {  	_ =	shalt  }
0x41: {  	_ =	shalt  }
0x42: {  	_ =	shalt  }
0x43: {  	_ =	shalt  }
0x44: {  	_ =	shalt  }
0x45: {  	_ =	shalt  }
0x46: {  	_ =	shalt  }
0x47: {  	_ =	shalt  }
0x48: {  	_ =	shalt  }
0x49: {  	_ =	shalt  }
0x4a: {  	_ =	shalt  }
0x4b: {  	_ =	shalt  }
0x4c: {  	_ =	shalt  }
0x4d: {  	_ =	shalt  }
0x4e: {  	_ =	shalt  }
0x4f: {  	_ =	shalt  }
0x50: {  	_ =	shalt  }
0x51: {  	_ =	shalt  }
0x52: {  	_ =	shalt  }
0x53: {  	_ =	shalt  }
0x54: {  	_ =	shalt  }
0x55: {  	_ =	shalt  }
0x56: {  	_ =	shalt  }
0x57: {  	_ =	shalt  }
0x58: {  	_ =	shalt  }
0x59: {  	_ =	shalt  }
0x5a: {  	_ =	shalt  }
0x5b: {  	_ =	shalt  }
0x5c: {  	_ =	shalt  }
0x5d: {  	_ =	shalt  }
0x5e: {  	_ =	shalt  }
0x5f: {  	_ =	shalt  }
0x60: {  	_ =	shalt  }
0x61: {  	_ =	shalt  }
0x62: {  	_ =	shalt  }
0x63: {  	_ =	shalt  }
0x64: {  	_ =	shalt  }
0x65: {  	_ =	shalt  }
0x66: {  	_ =	shalt  }
0x67: {  	_ =	shalt  }
0x68: {  	_ =	shalt  }
0x69: {  	_ =	shalt  }
0x6a: {  	_ =	shalt  }
0x6b: {  	_ =	shalt  }
0x6c: {  	_ =	shalt  }
0x6d: {  	_ =	shalt  }
0x6e: {  	_ =	shalt  }
0x6f: {  	_ =	shalt  }
0x70: {  	_ =	shalt  }
0x71: {  	_ =	shalt  }
0x72: {  	_ =	shalt  }
0x73: {  	_ =	shalt  }
0x74: {  	_ =	shalt  }
0x75: {  	_ =	shalt  }
0x76: {  	_ =	shalt  }
0x77: {  	_ =	shalt  }
0x78: {  	_ =	shalt  }
0x79: {  	_ =	shalt  }
0x7a: {  	_ =	shalt  }
0x7b: {  	_ =	shalt  }
0x7c: {  	_ =	shalt  }
0x7d: {  	_ =	shalt  }
0x7e: {  	_ =	shalt  }
0x7f: {  	_ =	shalt  }
0x80: {  	_ =	shalt  }
0x81: {  	_ =	shalt  }
0x82: {  	_ =	shalt  }
0x83: {  	_ =	shalt  }
0x84: {  	_ =	shalt  }
0x85: {  	_ =	shalt  }
0x86: {  	_ =	shalt  }
0x87: {  	_ =	shalt  }
.Lfunc_end0:
.L_simem_size_0:
called_computation_lowered:
.L_overlay_start_0:
0x88: {  	s2 =	sld [smem:$0x3FD9]  }
0x89: {  	s3 =	sld [smem:$0x3FFE];
	_ =	sdelay $0x1  }
0x8a: {  	s1 =	srdreg.scid  }
0x8b: {  	s0 =	sand.u32 $0x1, s1  }
0x8c: {  	s17 =	sshll.u32 s0, $0xA;
	s2 =	sadd.s32 s3, s2  }
0x8d: {  	s2 =	sadd.s32 s2, s17  }
0x8e: {  	[smem:$0x3FC5] =	sst s2  }
0x8f: {  	_ = 	snop  }
0x90: {  	s2 =	sld [smem:$0x3FD0];
	(tm) =	ssettm $0x1  }
0x91: {  	s18 =	sld [smem:$0x3FFB];
	_ =	sdelay $0x3  }
0x92: {  	_ =	strace s18  }
0x93: {  	s3 =	sld [smem:$0x3FFC];
	_ =	sdelay $0x3  }
0x94: {  	_ =	strace s3  }
0x95: {  	s3 =	sld [smem:$0x3FFD];
	_ =	sdelay $0x3  }
0x96: {  	_ =	strace s3  }
0x97: {  	_ =	strace $0x8FFFFFFF  }
0x98: {  	s19 =	sld [smem:$0x3FDB];
	_ =	sdelay $0x1  }
0x99: {  	s4 =	simm.s32 $_scs_section_size  }
0x9a: {  	s5 =	simm.s32 $_size__tile_overlayer_lowered;
	s6 =	simm.s32 $_tile_overlayer_lowered  }
0x9b: {  	s22 =	simm.s32 $0x1BFF;
	s21 =	sshll.u32 s6, $0x1;
	s3 =	sadd.s32 s4, s19  }
0x9c: {  	s7 =	simm.s32 $0x0;
	s20 =	sshll.u32 s5, $0x1;
	s5 =	sadd.s32 s21, s3  }
0x9d: {  	[timem:s7], [sflag:s22] =	dma.local [hbm:s5], s20  }
0x9e: {  	_ =	swait.ge [sflag:s22], s20  }
0x9f: {  	s4 =	ssub.s32 $0x0, s20;
	[sflag:s22] =	ssyncset.done $0x0  }
0xa0: {  	[sflag:s22] =	ssyncadd.s32 s4;
	_ =	sdelay $0x1  }
0xa1: {  	s23 =	simm.s32 $0x1B8B  }
0xa2: {  	_ =	swait.ge [sflag:s23], $0x1  }
0xa3: {  	[sflag:s23] =	ssyncset.done $0x0  }
0xa4: {  	s25 =	simm.s32 $0x1B8E;
	s24 =	sld [smem:$0x3FFE];
	[sflag:s23] =	ssyncadd.s32 $0xFFFFFFFF  }
0xa5: {  	s26 =	simm.s32 $execute0_lowered;
	[smem:$0x3FD2] =	sst s25  }
0xa6: {  	s5 =	sshll.u32 s26, $0x1;
	_ =	strace $0x80000046;
	[dreg:$0x1] =	wrdreg $0xFFFFFFFF  }
0xa7: {  	s28 =	simm.s32 $_size_execute0_lowered;
	s3 =	sadd.s32 s3, s5;
	[dreg:$0x0] =	wrdreg $0x0  }
0xa8: {  	s5 =	sshll.u32 s28, $0x1;
	[dreg:$0x2] =	wrdreg s3  }
0xa9: {  	[dreg:$0x3] =	wrdreg s5  }
0xaa: {  	[dreg:$0x4] =	wrdreg $0xC0  }
0xab: {  	_ =	task [dreg:s7], $0x5FFFF  }
0xac: {  	[dreg:$0x1] =	wrdreg $0xFFFFFFFF  }
0xad: {  	[dreg:$0x0] =	wrdreg $0x60  }
0xae: {  	[dreg:$0x2] =	wrdreg s24  }
0xaf: {  	[dreg:$0x3] =	wrdreg s2  }
0xb0: {  	[dreg:$0x4] =	wrdreg $0x9  }
0xb1: {  	_ =	task.clear_ibuf [dreg:s7], $0x5FFFF;
	_ =	strace $0x90000046  }
0xb2: {  	s29 =	simm.s32 $0x9;
	_ =	strace $0x80000048  }
0xb3: {  	_ =	swait.ge [sflag:s29], $0x1  }
0xb4: {  	[sflag:s29] =	ssyncadd.s32 $0xFFFFFFFF  }
0xb5: {  	_ =	strace $0x90000048  }
0xb6: {  	_ =	sfence  }
0xb7: {  	s30 =	sld [smem:$0x0];
	_ =	sdelay $0x2  }
0xb8: {  	s31 =	sshll.u32 s1, $0xD;
	s1 =	sshrl.u32 s1, $0x2  }
0xb9: {  	s3 =	sand.u32 $0x4000, s31;
	s1 =	sadd.s32 s1, s30  }
0xba: {  	s0 =	sor.u32 s3, s0;
	s1 =	sshll.u32 s1, $0x11  }
0xbb: {  	s0 =	sor.u32 s1, s0  }
0xbc: {  	s0 =	sadd.s32 $0x8F2B, s0  }
0xbd: {  	[sflag:s0] =	ssyncadd.remote.s32 $0x1  }
0xbe: {  	_ =	sfence.sel $0xFFFF  }
0xbf: {  	[dreg:$0x0] =	wrdreg $0xFFFFFFFF;
	(pc) =	sbr.abs _section_cstart, $3  }
0xc0: {  	[dreg:$0x1] =	wrdreg $0xFFFFFFFF  }
0xc1: {  	_ =	task.clear_ibuf [dreg:s7], $0x2FFFF;
	_ =	strace $0x9FFFFFFF  }
0xc2: {  	(tm) =	ssettm $0x7FFFFFFF  }
0xc3: {  	_ =	shalt  }
tec
execute0_lowered:
.L_overlay_start_1:
0x0: {  	(tag) =	ssettag $0x1  }
0x1: {  	s0 =	rddreg [dreg:$0x0];
	s1 =	srdreg.scid  }
0x2: {  	s3 =	stileid.u32;
	s2 =	rddreg [dreg:$0x1];
	s11 =	simm.s32 $0x5  }
0x3: {  	s12 =	simm.s32 $0x80;
	s13 =	simm.s32 $0x1000;
	s14 =	simm.s32 $0x100  }
0x4: {  	s16 =	simm.s32 $0xC800;
	s17 =	simm.s32 $0x1;
	s18 =	simm.s32 $0x10800  }
0x5: {  	s19 =	simm.s32 $0x14800;
	s20 =	simm.s32 $0x400;
	s21 =	simm.s32 $0x8000  }
0x6: {  	s22 =	simm.s32 $0x16800;
	s23 =	simm.s32 $0x2;
	s24 =	simm.s32 $0x18800  }
0x7: {  	s25 =	simm.s32 $0x1A800;
	s26 =	simm.s32 $0x3;
	s28 =	simm.s32 $0x4  }
0x8: {  	v0 =	vlaneseq.u32;
	s29 =	simm.s32 $0x0;
	s1 =	sand.u32 $0x1, s1;
	s4 =	sshll.u32 s3, $0x1  }
0x9: {  	s3 =	simm.s32 $0x0;
	s5 =	sadd.s32 $0x19800, s0;
	v1 =	vand.u32 $0x7, v0;
	s8 =	sor.u32 s1, s4  }
0xa: {  	v4 =	vmul.u32 $0x40, v0;
	v8 =	vshrl.u32 v0, $0x3;
	[smem:$0x7FF] =	sst s3;
	s1 =	ssub.s32 $0x2, s1;
	v2 =	vor.u32 $0x78, v1;
	s4 =	sshll.u32 s8, $0x4  }
0xb: {  	v3 =	vor.u32 $0x800, v1;
	v5 =	vor.u32 $0x1000, v1;
	v6 =	vor.u32 $0x1800, v1;
	_ =	strace $0x80000047;
	s31 =	sshrl.u32 s1, $0x1;
	s8 =	sshll.u32 s8, $0xA  }
0xc: {  	v8 =	vmul.u32 $0x8, v8;
	v9 =	vor.u32 $0x2000, v1;
	v10 =	vor.u32 $0x2800, v1;
	s7 =	sadd.s32 s4, s0;
	s4 =	sadd.s32 $0xF42C00, s0;
	s0 =	ssub.s32 s1, s31  }
0xd: {  	v11 =	vor.u32 $0x3000, v1;
	v12 =	vor.u32 $0x3800, v1;
	v7 =	vor.u32 $0x2000, v4;
	s6 =	sadd.s32 $0x800, s7;
	s7 =	sadd.s32 $0xD000, s7;
	s9 =	smax.u32 s0, $0x1  }
.LBB2_1:
0xe: {  	s0 =	simm.s32 $0x9600  }
0xf: {  	[tilespmem:s0], [sflag:$0x5] =	stream.linear.gather [hbm4b:s5+s3], $0x3200, $0x38;
	[tilespmem:$0x1C800] =	vst v63  }
0x10: {  	_ =	swait.ge [sflag:s11], $0x3200  }
0x11: {  	[sflag:s11] =	ssyncset.done $0x0  }
0x12: {  	[sflag:s11] =	ssyncadd.s32 $0xFFFFCE00  }
0x13: {  	[tilespmem:s3], [sflag:$0x5] =	stream.strided.gather [hbm4b:s6+s12], $0x3200, s13, s12, $0x38;
	[tilespmem:$0x1C800] =	vst v63  }
0x14: {  	_ =	swait.ge [sflag:s11], $0x3200  }
0x15: {  	[sflag:s11] =	ssyncset.done $0x0  }
0x16: {  	s0 =	simm.s32 $0x40;
	[sflag:s11] =	ssyncadd.s32 $0xFFFFCE00  }
0x17: {  	s1 =	simm.s32 $0x80;
	s10 =	simm.s32 $0x0;
	v13 =	vld [tilespmem:s0+$0xFFFFFFC0]  }
.LBB2_2:
0x18: {  	p0 =	sne.s32 s1, $0x3180;
	_ =	sdelay $0x2  }
0x19: {  	s15 =	sand.u32 $0x3F80, s10;
	s10 =	smov.u32 s1  }
0x1a: {  	[tilespmem:s15+$0x3200] =	vst v13  }
0x1b: {  	v13 =	vld [tilespmem:s0+$0xFFFFFFD0];
	_ =	sdelay $0x4  }
0x1c: {  	[tilespmem:s15+$0x3210] =	vst v13  }
0x1d: {  	v13 =	vld [tilespmem:s0+$0xFFFFFFE0];
	_ =	sdelay $0x4  }
0x1e: {  	[tilespmem:s15+$0x3220] =	vst v13  }
0x1f: {  	v13 =	vld [tilespmem:s0+$0xFFFFFFF0];
	_ =	sdelay $0x4  }
0x20: {  	[tilespmem:s15+$0x3230] =	vst v13  }
0x21: {  	v13 =	vld [tilespmem:s0+$0x0];
	_ =	sdelay $0x4  }
0x22: {  	[tilespmem:s15+$0x3240] =	vst v13  }
0x23: {  	v13 =	vld [tilespmem:s0+$0x10];
	_ =	sdelay $0x4  }
0x24: {  	[tilespmem:s15+$0x3250] =	vst v13  }
0x25: {  	v13 =	vld [tilespmem:s0+$0x20];
	_ =	sdelay $0x4  }
0x26: {  	[tilespmem:s15+$0x3260] =	vst v13  }
0x27: {  	v13 =	vld [tilespmem:s0+$0x30];
	_ =	sdelay $0x1  }
.Ltmp0:
0x28: {  	(pc) =	sbr.rel @p0 .LBB2_2-.Ltmp0, $3  }
0x29: {  	_ =	sdelay $0x1  }
0x2a: {  	s0 =	sadd.s32 $0x80, s0;
	[tilespmem:s15+$0x3270] =	vst v13  }
0x2b: {  	s1 =	sadd.s32 $0x80, s1;
	v13 =	vld [tilespmem:s0+$0xFFFFFFC0]  }
0x2c: {  	_ =	sdelay $0x2  }
0x2d: {  	s1 =	sand.u32 $0x3F80, s10  }
0x2e: {  	[tilespmem:s1+$0x3200] =	vst v13  }
0x2f: {  	v13 =	vld [tilespmem:s0+$0xFFFFFFD0];
	_ =	sdelay $0x4  }
0x30: {  	[tilespmem:s1+$0x3210] =	vst v13  }
0x31: {  	v13 =	vld [tilespmem:s0+$0xFFFFFFE0];
	_ =	sdelay $0x4  }
0x32: {  	[tilespmem:s1+$0x3220] =	vst v13  }
0x33: {  	v13 =	vld [tilespmem:s0+$0xFFFFFFF0];
	_ =	sdelay $0x4  }
0x34: {  	[tilespmem:s1+$0x3230] =	vst v13  }
0x35: {  	v13 =	vld [tilespmem:s0+$0x0];
	_ =	sdelay $0x4  }
0x36: {  	[tilespmem:s1+$0x3240] =	vst v13  }
0x37: {  	v13 =	vld [tilespmem:s0+$0x10];
	_ =	sdelay $0x4  }
0x38: {  	[tilespmem:s1+$0x3250] =	vst v13  }
0x39: {  	v13 =	vld [tilespmem:s0+$0x20];
	_ =	sdelay $0x4  }
0x3a: {  	[tilespmem:s1+$0x3260] =	vst v13  }
0x3b: {  	v13 =	vld [tilespmem:s0+$0x30];
	_ =	sdelay $0x4  }
0x3c: {  	[tilespmem:s1+$0x3270] =	vst v13;
	s1 =	simm.s32 $0x0  }
0x3d: {  	[tilespmem:s1], [sflag:$0x5] =	stream.strided.gather [hbm4b:s7+s12], $0x3200, s13, s12, $0x38;
	[tilespmem:$0x1C800] =	vst v63  }
0x3e: {  	_ =	swait.ge [sflag:s11], $0x3200  }
0x3f: {  	[sflag:s11] =	ssyncset.done $0x0  }
0x40: {  	s0 =	simm.s32 $0x40;
	[sflag:s11] =	ssyncadd.s32 $0xFFFFCE00  }
0x41: {  	s10 =	simm.s32 $0x80;
	v13 =	vld [tilespmem:s0+$0xFFFFFFC0]  }
.LBB2_4:
0x42: {  	p0 =	sne.s32 s10, $0x3180  }
0x43: {  	s15 =	sadd.s32 $0x3200, s1  }
0x44: {  	s30 =	sand.u32 $0x80, s1;
	s1 =	smov.u32 s10;
	s15 =	sand.u32 $0x7F00, s15  }
0x45: {  	s15 =	sor.u32 s30, s15  }
0x46: {  	[tilespmem:s15+$0x3200] =	vst v13  }
0x47: {  	v13 =	vld [tilespmem:s0+$0xFFFFFFD0];
	_ =	sdelay $0x4  }
0x48: {  	[tilespmem:s15+$0x3210] =	vst v13  }
0x49: {  	v13 =	vld [tilespmem:s0+$0xFFFFFFE0];
	_ =	sdelay $0x4  }
0x4a: {  	[tilespmem:s15+$0x3220] =	vst v13  }
0x4b: {  	v13 =	vld [tilespmem:s0+$0xFFFFFFF0];
	_ =	sdelay $0x4  }
0x4c: {  	[tilespmem:s15+$0x3230] =	vst v13  }
0x4d: {  	v13 =	vld [tilespmem:s0+$0x0];
	_ =	sdelay $0x4  }
0x4e: {  	[tilespmem:s15+$0x3240] =	vst v13  }
0x4f: {  	v13 =	vld [tilespmem:s0+$0x10];
	_ =	sdelay $0x4  }
0x50: {  	[tilespmem:s15+$0x3250] =	vst v13  }
0x51: {  	v13 =	vld [tilespmem:s0+$0x20];
	_ =	sdelay $0x4  }
0x52: {  	[tilespmem:s15+$0x3260] =	vst v13  }
0x53: {  	v13 =	vld [tilespmem:s0+$0x30];
	_ =	sdelay $0x1  }
.Ltmp1:
0x54: {  	(pc) =	sbr.rel @p0 .LBB2_4-.Ltmp1, $3  }
0x55: {  	_ =	sdelay $0x1  }
0x56: {  	s0 =	sadd.s32 $0x80, s0;
	[tilespmem:s15+$0x3270] =	vst v13  }
0x57: {  	s10 =	sadd.s32 $0x80, s10;
	v13 =	vld [tilespmem:s0+$0xFFFFFFC0]  }
0x58: {  	_ = 	snop  }
0x59: {  	s10 =	sadd.s32 $0x3200, s1  }
0x5a: {  	s15 =	sand.u32 $0x80, s1;
	s10 =	sand.u32 $0x7F00, s10  }
0x5b: {  	s1 =	sor.u32 s15, s10  }
0x5c: {  	[tilespmem:s1+$0x3200] =	vst v13  }
0x5d: {  	v13 =	vld [tilespmem:s0+$0xFFFFFFD0];
	_ =	sdelay $0x4  }
0x5e: {  	[tilespmem:s1+$0x3210] =	vst v13  }
0x5f: {  	v13 =	vld [tilespmem:s0+$0xFFFFFFE0];
	_ =	sdelay $0x4  }
0x60: {  	[tilespmem:s1+$0x3220] =	vst v13  }
0x61: {  	v13 =	vld [tilespmem:s0+$0xFFFFFFF0];
	_ =	sdelay $0x4  }
0x62: {  	[tilespmem:s1+$0x3230] =	vst v13  }
0x63: {  	v13 =	vld [tilespmem:s0+$0x0];
	_ =	sdelay $0x4  }
0x64: {  	[tilespmem:s1+$0x3240] =	vst v13  }
0x65: {  	v13 =	vld [tilespmem:s0+$0x10];
	_ =	sdelay $0x4  }
0x66: {  	[tilespmem:s1+$0x3250] =	vst v13  }
0x67: {  	v13 =	vld [tilespmem:s0+$0x20];
	_ =	sdelay $0x4  }
0x68: {  	[tilespmem:s1+$0x3260] =	vst v13  }
0x69: {  	v13 =	vld [tilespmem:s0+$0x30];
	_ =	sdelay $0x4  }
0x6a: {  	s31 =	simm.s32 $0x3200;
	s30 =	simm.s32 $0x0;
	[tilespmem:s1+$0x3270] =	vst v13  }
0x6b: {  	[tilespmem:s16], [sflag:$0x1] =	stream.indirect.gather [hbm4b:s4+s14], $0x40, s31, s14, $0xb8;
	[tilespmem:$0x1C800] =	vst v63  }
.LBB2_6:
0x6c: {  	_ =	swait.ge [sflag:s17], $0x4000  }
0x6d: {  	p0 =	seq.s32 s30, $0x0;
	[sflag:s17] =	ssyncset.done $0x0  }
0x6e: {  	s0 =	simm.s32 @!p0 $0x4;
	[sflag:s17] =	ssyncadd.s32 $0xFFFFC000  }
0x6f: {  	_ =	swait.ge @!p0 [sflag:s0], $0x2000  }
0x70: {  	s1 =	sshll.u32 s30, $0x1;
	[sflag:s0] =	ssyncset.done @!p0 $0x0  }
0x71: {  	s31 =	sor.u32 $0x1, s1;
	[sflag:s0] =	ssyncadd.s32 @!p0 $0xFFFFE000  }
0x72: {  	s1 =	sshll.u32 s31, $0x8;
	_ =	swait.ge @!p0 [sflag:s0], $0x2000  }
0x73: {  	s15 =	sshll.u32 s30, $0x8;
	s1 =	sand.u32 $0x3FFFFF00, s1;
	[sflag:s0] =	ssyncset.done @!p0 $0x0  }
0x74: {  	s12 =	sadd.s32 $0x3200, s1;
	[sflag:s0] =	ssyncadd.s32 @!p0 $0xFFFFE000;
	s0 =	sand.u32 $0x3FFFFF00, s15  }
0x75: {  	[tilespmem:s18], [sflag:$0x2] =	stream.indirect.gather [hbm4b:s4+s14], $0x40, s12, s14, $0xb8;
	[tilespmem:$0x1C800] =	vst v63  }
0x76: {  	v16 =	vld [tilespmem:s0+$0x9600]  }
0x77: {  	v15 =	vld [tilespmem:s0+$0x9610]  }
0x78: {  	v14 =	vld [tilespmem:s0+$0x9620]  }
0x79: {  	v13 =	vld [tilespmem:s0+$0x9630];
	s0 =	simm.s32 $0xC880  }
0x7a: {  	v17 =	vld [tilespmem:s0+$0xFFFFFF80]  }
0x7b: {  	v18 =	vld [tilespmem:s0+$0xFFFFFF90]  }
0x7c: {  	v19 =	vld [tilespmem:s0+$0xFFFFFFA0]  }
0x7d: {  	v20 =	vld [tilespmem:s0+$0xFFFFFFB0]  }
0x7e: {  	v21 =	vld [tilespmem:s0+$0xFFFFFFC0]  }
0x7f: {  	v22 =	vld [tilespmem:s0+$0xFFFFFFD0];
	v17 =	vadd.f32 v17, v16  }
0x80: {  	v24 =	vld [tilespmem:s0+$0x0];
	v18 =	vadd.f32 v18, v15  }
0x81: {  	v23 =	vld [tilespmem:s0+$0xFFFFFFE0];
	[tilespmem:s0+$0xFFFFFF80] =	vst v17;
	v17 =	vadd.f32 v19, v14  }
0x82: {  	v25 =	vld [tilespmem:s0+$0x10];
	[tilespmem:s0+$0xFFFFFF90] =	vst v18;
	v18 =	vadd.f32 v20, v13  }
0x83: {  	[tilespmem:s0+$0xFFFFFFA0] =	vst v17;
	v17 =	vadd.f32 v21, v16;
	v21 =	vld [tilespmem:s0+$0x20]  }
0x84: {  	v26 =	vld [tilespmem:s0+$0x30];
	[tilespmem:s0+$0xFFFFFFB0] =	vst v18;
	v18 =	vadd.f32 v22, v15  }
0x85: {  	v19 =	vld [tilespmem:s0+$0x40];
	v22 =	vadd.f32 v24, v16;
	[tilespmem:s0+$0xFFFFFFC0] =	vst v17  }
0x86: {  	v20 =	vld [tilespmem:s0+$0x50];
	v17 =	vadd.f32 v23, v14;
	[tilespmem:s0+$0xFFFFFFD0] =	vst v18  }
0x87: {  	v23 =	vadd.f32 v25, v15;
	v18 =	vld [tilespmem:s0+$0x60];
	[tilespmem:s0+$0x0] =	vst v22  }
0x88: {  	[tilespmem:s0+$0xFFFFFFE0] =	vst v17;
	v22 =	vadd.f32 v21, v14;
	v21 =	vld [tilespmem:s0+$0x70]  }
0x89: {  	s10 =	simm.s32 $0xC980;
	s1 =	simm.s32 $0x0;
	v17 =	vld [tilespmem:s0+$0xFFFFFFF0];
	[tilespmem:s0+$0x10] =	vst v23;
	v23 =	vadd.f32 v26, v13  }
.LBB2_7:
0x8a: {  	v24 =	vld [tilespmem:s10+$0xFFFFFF80];
	[tilespmem:s0+$0x20] =	vst v22;
	v19 =	vadd.f32 v19, v16  }
0x8b: {  	v22 =	vld [tilespmem:s10+$0xFFFFFF90];
	[tilespmem:s0+$0x30] =	vst v23;
	v20 =	vadd.f32 v20, v15  }
0x8c: {  	v23 =	vld [tilespmem:s10+$0xFFFFFFA0];
	[tilespmem:s0+$0x40] =	vst v19;
	v18 =	vadd.f32 v18, v14  }
0x8d: {  	v19 =	vld [tilespmem:s10+$0xFFFFFFB0];
	[tilespmem:s0+$0x50] =	vst v20;
	v20 =	vadd.f32 v21, v13  }
0x8e: {  	v21 =	vld [tilespmem:s10+$0xFFFFFFC0];
	v17 =	vadd.f32 v17, v13;
	[tilespmem:s0+$0x60] =	vst v18  }
0x8f: {  	v18 =	vadd.f32 v24, v16;
	v24 =	vld [tilespmem:s10+$0xFFFFFFD0];
	[tilespmem:s0+$0x70] =	vst v20  }
0x90: {  	v20 =	vadd.f32 v22, v15;
	v22 =	vld [tilespmem:s10+$0xFFFFFFE0];
	[tilespmem:s0+$0xFFFFFFF0] =	vst v17;
	s0 =	smov.u32 s10  }
0x91: {  	[tilespmem:s10+$0xFFFFFF80] =	vst v18;
	v17 =	vadd.f32 v23, v14;
	v18 =	vld [tilespmem:s10+$0x0]  }
0x92: {  	[tilespmem:s10+$0xFFFFFF90] =	vst v20;
	v19 =	vadd.f32 v19, v13;
	v23 =	vld [tilespmem:s10+$0x10]  }
0x93: {  	s1 =	sadd.s32 $0x4, s1;
	[tilespmem:s10+$0xFFFFFFA0] =	vst v17;
	v17 =	vadd.f32 v21, v16;
	v21 =	vld [tilespmem:s10+$0x20]  }
0x94: {  	p1 =	slt.u32 s1, $0x7C;
	[tilespmem:s10+$0xFFFFFFB0] =	vst v19;
	v20 =	vadd.f32 v24, v15;
	v24 =	vld [tilespmem:s10+$0x30]  }
.Ltmp2:
0x95: {  	[tilespmem:s10+$0xFFFFFFC0] =	vst v17;
	v17 =	vadd.f32 v22, v14;
	v19 =	vld [tilespmem:s10+$0x40];
	(pc) =	sbr.rel @p1 .LBB2_7-.Ltmp2, $4  }
0x96: {  	[tilespmem:s10+$0xFFFFFFD0] =	vst v20;
	v22 =	vadd.f32 v18, v16;
	v20 =	vld [tilespmem:s10+$0x50]  }
0x97: {  	[tilespmem:s10+$0xFFFFFFE0] =	vst v17;
	v23 =	vadd.f32 v23, v15;
	v18 =	vld [tilespmem:s10+$0x60]  }
0x98: {  	[tilespmem:s10+$0x0] =	vst v22;
	v22 =	vadd.f32 v21, v14;
	v21 =	vld [tilespmem:s10+$0x70]  }
0x99: {  	s10 =	sadd.s32 $0x100, s10;
	v17 =	vld [tilespmem:s0+$0xFFFFFFF0];
	[tilespmem:s0+$0x10] =	vst v23;
	v23 =	vadd.f32 v24, v13  }
0x9a: {  	s1 =	simm.s32 $0x0  }
0x9b: {  	s15 =	sand.u32 $0x70, s1;
	s10 =	sand.u32 $0xC, s1  }
0x9c: {  	[tilespmem:s0+$0x20] =	vst v22;
	v16 =	vadd.f32 v19, v16;
	v24 =	vor.u32 s15, v0;
	v19 =	vadd.s32 s10, v0  }
0x9d: {  	[tilespmem:s0+$0x30] =	vst v23;
	v15 =	vadd.f32 v20, v15;
	v52 =	vshll.u32 v24, $0x6;
	v53 =	vand.u32 $0xF, v19  }
0x9e: {  	[tilespmem:s0+$0x40] =	vst v16;
	v14 =	vadd.f32 v18, v14;
	v16 =	vor.u32 v53, v52  }
0x9f: {  	[tilespmem:s0+$0x50] =	vst v15;
	v15 =	vadd.f32 v21, v13  }
0xa0: {  	v13 =	vadd.f32 v17, v13;
	[tilespmem:s0+$0x60] =	vst v14;
	v14 =	vshll.u32 v19, $0x7  }
0xa1: {  	v17 =	vand.u32 v2, v24;
	[tilespmem:s0+$0x70] =	vst v15;
	v15 =	vand.u32 $0x380, v14  }
0xa2: {  	[tilespmem:s0+$0xFFFFFFF0] =	vst v13;
	v13 =	vand.u32 $0x400, v14;
	v18 =	vor.u32 v15, v17  }
0xa3: {  	v54 =	vor.u32 $0x10, v52;
	v18 =	vor.u32 v13, v18;
	v16 =	vld.idx.msk [tilespmem:v16+s16+$0x0], $0xffff  }
0xa4: {  	v55 =	vor.u32 v19, v54;
	_ =	sdelay $0x1  }
0xa5: {  	v24 =	vand.u32 $0x78, v24  }
0xa6: {  	v15 =	vor.u32 v24, v15  }
0xa7: {  	v13 =	vor.u32 v13, v15;
	[tilespmem:v18+s19+$0x0] =	vst.idx.msk $0xffff, v16  }
0xa8: {  	v56 =	vor.u32 $0x20, v52;
	v18 =	vor.u32 v3, v13;
	v16 =	vld.idx.msk [tilespmem:v55+s16+$0x0], $0xffff  }
0xa9: {  	v22 =	vor.u32 v53, v56;
	_ =	sdelay $0x3  }
0xaa: {  	[tilespmem:v18+s19+$0x0] =	vst.idx.msk $0xffff, v16  }
0xab: {  	v13 =	vor.u32 v5, v13;
	v18 =	vor.u32 $0x30, v52;
	v16 =	vld.idx.msk [tilespmem:v22+s16+$0x0], $0xffff  }
0xac: {  	v19 =	vor.u32 v19, v18;
	_ =	sdelay $0x2  }
0xad: {  	s15 =	sor.u32 $0x1, s10;
	v14 =	vand.u32 $0xC00, v14  }
0xae: {  	[tilespmem:v13+s19+$0x0] =	vst.idx.msk $0xffff, v16;
	v13 =	vor.u32 v14, v15;
	v14 =	vadd.s32 s15, v0  }
0xaf: {  	v15 =	vld.idx.msk [tilespmem:v19+s16+$0x0], $0xffff;
	v13 =	vor.u32 v6, v13;
	v16 =	vand.u32 $0xF, v14  }
0xb0: {  	v19 =	vor.u32 v52, v16;
	_ =	sdelay $0x1  }
0xb1: {  	v57 =	vshll.u32 v14, $0x7  }
0xb2: {  	v25 =	vand.u32 $0x380, v57  }
0xb3: {  	[tilespmem:v13+s19+$0x0] =	vst.idx.msk $0xffff, v15;
	v13 =	vand.u32 $0x400, v57;
	v15 =	vor.u32 v25, v17  }
0xb4: {  	v19 =	vld.idx.msk [tilespmem:v19+s16+$0x0], $0xffff;
	v15 =	vor.u32 v13, v15  }
0xb5: {  	v58 =	vor.u32 v14, v54;
	_ =	sdelay $0x2  }
0xb6: {  	v13 =	vor.u32 v24, v13  }
0xb7: {  	v13 =	vor.u32 v25, v13;
	[tilespmem:v15+s19+$0x0] =	vst.idx.msk $0xffff, v19  }
0xb8: {  	v19 =	vor.u32 v3, v13;
	v15 =	vld.idx.msk [tilespmem:v58+s16+$0x0], $0xffff  }
0xb9: {  	v16 =	vor.u32 v16, v56;
	_ =	sdelay $0x3  }
0xba: {  	[tilespmem:v19+s19+$0x0] =	vst.idx.msk $0xffff, v15  }
0xbb: {  	v15 =	vld.idx.msk [tilespmem:v16+s16+$0x0], $0xffff;
	v16 =	vor.u32 v5, v13  }
0xbc: {  	v14 =	vor.u32 v14, v18;
	_ =	sdelay $0x2  }
0xbd: {  	s12 =	sor.u32 $0x2, s10  }
0xbe: {  	[tilespmem:v16+s19+$0x0] =	vst.idx.msk $0xffff, v15;
	v15 =	vadd.s32 s12, v0  }
0xbf: {  	v13 =	vor.u32 v6, v13;
	v14 =	vld.idx.msk [tilespmem:v14+s16+$0x0], $0xffff;
	v16 =	vand.u32 $0xF, v15  }
0xc0: {  	v19 =	vor.u32 v52, v16;
	_ =	sdelay $0x1  }
0xc1: {  	v59 =	vshll.u32 v15, $0x7  }
0xc2: {  	v60 =	vand.u32 $0x380, v59  }
0xc3: {  	[tilespmem:v13+s19+$0x0] =	vst.idx.msk $0xffff, v14;
	v13 =	vand.u32 $0x400, v59;
	v14 =	vor.u32 v60, v17  }
0xc4: {  	v19 =	vld.idx.msk [tilespmem:v19+s16+$0x0], $0xffff;
	v14 =	vor.u32 v13, v14  }
0xc5: {  	v61 =	vor.u32 v15, v54;
	_ =	sdelay $0x2  }
0xc6: {  	v13 =	vor.u32 v24, v13  }
0xc7: {  	v13 =	vor.u32 v60, v13;
	[tilespmem:v14+s19+$0x0] =	vst.idx.msk $0xffff, v19  }
0xc8: {  	v19 =	vor.u32 v3, v13;
	v14 =	vld.idx.msk [tilespmem:v61+s16+$0x0], $0xffff  }
0xc9: {  	v16 =	vor.u32 v16, v56;
	_ =	sdelay $0x3  }
0xca: {  	[tilespmem:v19+s19+$0x0] =	vst.idx.msk $0xffff, v14  }
0xcb: {  	v14 =	vld.idx.msk [tilespmem:v16+s16+$0x0], $0xffff;
	v16 =	vor.u32 v5, v13  }
0xcc: {  	v15 =	vor.u32 v15, v18;
	_ =	sdelay $0x2  }
0xcd: {  	s15 =	sor.u32 $0x3, s10  }
0xce: {  	v19 =	vadd.s32 s15, v0;
	[tilespmem:v16+s19+$0x0] =	vst.idx.msk $0xffff, v14  }
0xcf: {  	v13 =	vor.u32 v6, v13;
	v14 =	vld.idx.msk [tilespmem:v15+s16+$0x0], $0xffff;
	v15 =	vand.u32 $0xF, v19  }
0xd0: {  	v16 =	vor.u32 v52, v15;
	_ =	sdelay $0x1  }
0xd1: {  	v62 =	vshll.u32 v19, $0x7  }
0xd2: {  	v63 =	vand.u32 $0x380, v62  }
0xd3: {  	[tilespmem:v13+s19+$0x0] =	vst.idx.msk $0xffff, v14;
	v13 =	vand.u32 $0x400, v62;
	v14 =	vor.u32 v63, v17  }
0xd4: {  	v16 =	vld.idx.msk [tilespmem:v16+s16+$0x0], $0xffff;
	v14 =	vor.u32 v13, v14  }
0xd5: {  	v17 =	vor.u32 v19, v54;
	_ =	sdelay $0x2  }
0xd6: {  	v13 =	vor.u32 v24, v13  }
0xd7: {  	[tilespmem:v14+s19+$0x0] =	vst.idx.msk $0xffff, v16;
	v14 =	vor.u32 v63, v13  }
0xd8: {  	v13 =	vld.idx.msk [tilespmem:v17+s16+$0x0], $0xffff;
	v16 =	vor.u32 v3, v14  }
0xd9: {  	v15 =	vor.u32 v15, v56;
	_ =	sdelay $0x3  }
0xda: {  	[tilespmem:v16+s19+$0x0] =	vst.idx.msk $0xffff, v13  }
0xdb: {  	v16 =	vor.u32 v5, v14;
	v13 =	vld.idx.msk [tilespmem:v15+s16+$0x0], $0xffff  }
0xdc: {  	v15 =	vor.u32 v19, v18  }
.LBB2_9:
0xdd: {  	_ =	sdelay $0x1  }
0xde: {  	s1 =	sadd.s32 $0x4, s1  }
0xdf: {  	s10 =	sand.u32 $0x70, s1;
	s0 =	sand.u32 $0xC, s1;
	p1 =	slt.u32 s1, $0x7C;
	[tilespmem:v16+s19+$0x0] =	vst.idx.msk $0xffff, v13  }
0xe0: {  	v17 =	vor.u32 s10, v0;
	v19 =	vadd.s32 s0, v0;
	v15 =	vld.idx.msk [tilespmem:v15+s16+$0x0], $0xffff  }
0xe1: {  	v16 =	vor.u32 v6, v14;
	v13 =	vshll.u32 v17, $0x6;
	v18 =	vand.u32 $0xF, v19  }
0xe2: {  	v20 =	vor.u32 v18, v13;
	_ =	sdelay $0x2  }
0xe3: {  	v21 =	vshll.u32 v19, $0x7  }
0xe4: {  	v14 =	vand.u32 v2, v17;
	v22 =	vand.u32 $0x380, v21;
	[tilespmem:v16+s19+$0x0] =	vst.idx.msk $0xffff, v15  }
0xe5: {  	v23 =	vand.u32 $0x400, v21;
	v15 =	vor.u32 v22, v14;
	v20 =	vld.idx.msk [tilespmem:v20+s16+$0x0], $0xffff  }
0xe6: {  	v16 =	vor.u32 $0x10, v13;
	v24 =	vor.u32 v23, v15  }
0xe7: {  	v25 =	vor.u32 v19, v16;
	_ =	sdelay $0x2  }
0xe8: {  	v15 =	vand.u32 $0x78, v17  }
0xe9: {  	[tilespmem:v24+s19+$0x0] =	vst.idx.msk $0xffff, v20;
	v20 =	vor.u32 v15, v22  }
0xea: {  	v22 =	vld.idx.msk [tilespmem:v25+s16+$0x0], $0xffff;
	v23 =	vor.u32 v23, v20  }
0xeb: {  	v17 =	vor.u32 $0x20, v13;
	v24 =	vor.u32 v3, v23  }
0xec: {  	v18 =	vor.u32 v18, v17;
	_ =	sdelay $0x3  }
0xed: {  	[tilespmem:v24+s19+$0x0] =	vst.idx.msk $0xffff, v22  }
0xee: {  	v22 =	vld.idx.msk [tilespmem:v18+s16+$0x0], $0xffff  }
0xef: {  	v23 =	vor.u32 v5, v23;
	v18 =	vor.u32 $0x30, v13  }
0xf0: {  	v19 =	vor.u32 v19, v18;
	_ =	sdelay $0x3  }
0xf1: {  	s10 =	sor.u32 $0x1, s0;
	v21 =	vand.u32 $0xC00, v21;
	[tilespmem:v23+s19+$0x0] =	vst.idx.msk $0xffff, v22  }
0xf2: {  	v20 =	vor.u32 v21, v20;
	v21 =	vadd.s32 s10, v0;
	v19 =	vld.idx.msk [tilespmem:v19+s16+$0x0], $0xffff  }
0xf3: {  	v20 =	vor.u32 v6, v20;
	v22 =	vand.u32 $0xF, v21  }
0xf4: {  	v23 =	vor.u32 v13, v22;
	_ =	sdelay $0x2  }
0xf5: {  	v24 =	vshll.u32 v21, $0x7  }
0xf6: {  	[tilespmem:v20+s19+$0x0] =	vst.idx.msk $0xffff, v19;
	v19 =	vand.u32 $0x380, v24  }
0xf7: {  	v20 =	vld.idx.msk [tilespmem:v23+s16+$0x0], $0xffff;
	v23 =	vand.u32 $0x400, v24;
	v24 =	vor.u32 v19, v14  }
0xf8: {  	v24 =	vor.u32 v23, v24  }
0xf9: {  	v25 =	vor.u32 v21, v16;
	_ =	sdelay $0x3  }
0xfa: {  	[tilespmem:v24+s19+$0x0] =	vst.idx.msk $0xffff, v20;
	v20 =	vor.u32 v15, v23  }
0xfb: {  	v23 =	vld.idx.msk [tilespmem:v25+s16+$0x0], $0xffff;
	v19 =	vor.u32 v19, v20  }
0xfc: {  	v20 =	vor.u32 v3, v19  }
0xfd: {  	v22 =	vor.u32 v22, v17;
	_ =	sdelay $0x3  }
0xfe: {  	[tilespmem:v20+s19+$0x0] =	vst.idx.msk $0xffff, v23  }
0xff: {  	v20 =	vld.idx.msk [tilespmem:v22+s16+$0x0], $0xffff  }
0x100: {  	v22 =	vor.u32 v5, v19  }
0x101: {  	v21 =	vor.u32 v21, v18;
	_ =	sdelay $0x3  }
0x102: {  	s10 =	sor.u32 $0x2, s0;
	[tilespmem:v22+s19+$0x0] =	vst.idx.msk $0xffff, v20  }
0x103: {  	v20 =	vld.idx.msk [tilespmem:v21+s16+$0x0], $0xffff;
	v21 =	vadd.s32 s10, v0  }
0x104: {  	v19 =	vor.u32 v6, v19;
	v22 =	vand.u32 $0xF, v21  }
0x105: {  	v23 =	vor.u32 v13, v22;
	_ =	sdelay $0x2  }
0x106: {  	v24 =	vshll.u32 v21, $0x7  }
0x107: {  	[tilespmem:v19+s19+$0x0] =	vst.idx.msk $0xffff, v20;
	v19 =	vand.u32 $0x380, v24  }
0x108: {  	v20 =	vld.idx.msk [tilespmem:v23+s16+$0x0], $0xffff;
	v23 =	vand.u32 $0x400, v24;
	v24 =	vor.u32 v19, v14  }
0x109: {  	v24 =	vor.u32 v23, v24  }
0x10a: {  	v25 =	vor.u32 v21, v16;
	_ =	sdelay $0x3  }
0x10b: {  	[tilespmem:v24+s19+$0x0] =	vst.idx.msk $0xffff, v20;
	v20 =	vor.u32 v15, v23  }
0x10c: {  	v23 =	vld.idx.msk [tilespmem:v25+s16+$0x0], $0xffff;
	v19 =	vor.u32 v19, v20  }
0x10d: {  	v20 =	vor.u32 v3, v19  }
0x10e: {  	v22 =	vor.u32 v22, v17;
	_ =	sdelay $0x3  }
0x10f: {  	[tilespmem:v20+s19+$0x0] =	vst.idx.msk $0xffff, v23  }
0x110: {  	v20 =	vld.idx.msk [tilespmem:v22+s16+$0x0], $0xffff  }
0x111: {  	v22 =	vor.u32 v5, v19  }
0x112: {  	v21 =	vor.u32 v21, v18;
	_ =	sdelay $0x3  }
0x113: {  	s0 =	sor.u32 $0x3, s0;
	[tilespmem:v22+s19+$0x0] =	vst.idx.msk $0xffff, v20  }
0x114: {  	v20 =	vld.idx.msk [tilespmem:v21+s16+$0x0], $0xffff;
	v21 =	vadd.s32 s0, v0  }
0x115: {  	v19 =	vor.u32 v6, v19;
	v22 =	vand.u32 $0xF, v21  }
0x116: {  	v13 =	vor.u32 v13, v22;
	_ =	sdelay $0x2  }
0x117: {  	v23 =	vshll.u32 v21, $0x7  }
0x118: {  	[tilespmem:v19+s19+$0x0] =	vst.idx.msk $0xffff, v20;
	v19 =	vand.u32 $0x380, v23  }
0x119: {  	v20 =	vand.u32 $0x400, v23;
	v13 =	vld.idx.msk [tilespmem:v13+s16+$0x0], $0xffff;
	v14 =	vor.u32 v19, v14  }
0x11a: {  	v14 =	vor.u32 v20, v14  }
0x11b: {  	v16 =	vor.u32 v21, v16;
	_ =	sdelay $0x3  }
0x11c: {  	[tilespmem:v14+s19+$0x0] =	vst.idx.msk $0xffff, v13;
	v13 =	vor.u32 v15, v20  }
0x11d: {  	v15 =	vld.idx.msk [tilespmem:v16+s16+$0x0], $0xffff;
	v14 =	vor.u32 v19, v13  }
0x11e: {  	v13 =	vor.u32 v3, v14  }
0x11f: {  	v16 =	vor.u32 v22, v17;
	_ =	sdelay $0x2  }
.Ltmp3:
0x120: {  	(pc) =	sbr.rel @p1 .LBB2_9-.Ltmp3, $4  }
0x121: {  	[tilespmem:v13+s19+$0x0] =	vst.idx.msk $0xffff, v15  }
0x122: {  	v13 =	vld.idx.msk [tilespmem:v16+s16+$0x0], $0xffff  }
0x123: {  	v16 =	vor.u32 v5, v14  }
0x124: {  	v15 =	vor.u32 v21, v18  }
0x125: {  	_ =	sdelay $0x3  }
0x126: {  	[tilespmem:v16+s19+$0x0] =	vst.idx.msk $0xffff, v13  }
0x127: {  	v14 =	vor.u32 v6, v14;
	v13 =	vld.idx.msk [tilespmem:v15+s16+$0x0], $0xffff;
	_ =	sdelay $0x1  }
0x128: {  	s0 =	sshll.u32 s30, $0x14  }
0x129: {  	s1 =	sshll.u32 s30, $0x2;
	s0 =	sor.u32 s8, s0  }
0x12a: {  	s1 =	sor.u32 $0x1, s1;
	s0 =	sshrl.u32 s0, $0x3  }
0x12b: {  	s15 =	sshll.u32 s1, $0x6;
	s0 =	sadd.s32 s2, s0;
	[tilespmem:v14+s19+$0x0] =	vst.idx.msk $0xffff, v13  }
0x12c: {  	[hbm4b:s0+s20] =	stream.strided.scatter [tilespmem:s19], [sflag:$0x3], $0x2000, s21, s20, $0x38;
	[tilespmem:$0x1C800] =	vst v63  }
0x12d: {  	s0 =	sand.u32 $0x3FFFFF40, s15  }
0x12e: {  	v16 =	vld [tilespmem:s0+$0x9600]  }
0x12f: {  	v15 =	vld [tilespmem:s0+$0x9610]  }
0x130: {  	v13 =	vld [tilespmem:s0+$0x9620]  }
0x131: {  	s10 =	simm.s32 $0xE8F0;
	v14 =	vld [tilespmem:s0+$0x9630]  }
0x132: {  	v17 =	vld [tilespmem:s10+$0xFFFFFF10]  }
0x133: {  	v18 =	vld [tilespmem:s10+$0xFFFFFF20]  }
0x134: {  	v19 =	vld [tilespmem:s10+$0xFFFFFF30]  }
0x135: {  	v20 =	vld [tilespmem:s10+$0xFFFFFF40]  }
0x136: {  	v21 =	vld [tilespmem:s10+$0xFFFFFF50]  }
0x137: {  	v22 =	vld [tilespmem:s10+$0xFFFFFF60];
	v17 =	vadd.f32 v17, v16  }
0x138: {  	v23 =	vld [tilespmem:s10+$0xFFFFFF70];
	v18 =	vadd.f32 v18, v15  }
0x139: {  	[tilespmem:s10+$0xFFFFFF10] =	vst v17;
	v17 =	vadd.f32 v19, v13;
	v19 =	vld [tilespmem:s10+$0xFFFFFF80]  }
0x13a: {  	[tilespmem:s10+$0xFFFFFF20] =	vst v18;
	v18 =	vadd.f32 v20, v14;
	v20 =	vld [tilespmem:s10+$0xFFFFFF90]  }
0x13b: {  	v24 =	vld [tilespmem:s10+$0xFFFFFFA0];
	[tilespmem:s10+$0xFFFFFF30] =	vst v17;
	v17 =	vadd.f32 v21, v16  }
0x13c: {  	v25 =	vld [tilespmem:s10+$0xFFFFFFB0];
	[tilespmem:s10+$0xFFFFFF40] =	vst v18;
	v18 =	vadd.f32 v22, v15  }
0x13d: {  	v21 =	vld [tilespmem:s10+$0xFFFFFFC0];
	[tilespmem:s10+$0xFFFFFF50] =	vst v17;
	v17 =	vadd.f32 v23, v13  }
0x13e: {  	[tilespmem:s10+$0xFFFFFF60] =	vst v18;
	v22 =	vadd.f32 v19, v14;
	v19 =	vld [tilespmem:s10+$0xFFFFFFD0]  }
0x13f: {  	v18 =	vld [tilespmem:s10+$0xFFFFFFE0];
	v20 =	vadd.f32 v20, v16;
	[tilespmem:s10+$0xFFFFFF70] =	vst v17  }
0x140: {  	v17 =	vld [tilespmem:s10+$0x0];
	[tilespmem:s10+$0xFFFFFF80] =	vst v22;
	v22 =	vadd.f32 v24, v15  }
0x141: {  	s15 =	simm.s32 $0xE9F0;
	s0 =	simm.s32 $0x0;
	v23 =	vadd.f32 v25, v13;
	[tilespmem:s10+$0xFFFFFF90] =	vst v20;
	v20 =	vld [tilespmem:s10+$0xFFFFFFF0]  }
.LBB2_11:
0x142: {  	v24 =	vld [tilespmem:s15+$0xFFFFFF10];
	[tilespmem:s10+$0xFFFFFFA0] =	vst v22;
	v21 =	vadd.f32 v21, v14  }
0x143: {  	v22 =	vld [tilespmem:s15+$0xFFFFFF20];
	[tilespmem:s10+$0xFFFFFFB0] =	vst v23;
	v19 =	vadd.f32 v19, v16  }
0x144: {  	v23 =	vld [tilespmem:s15+$0xFFFFFF30];
	[tilespmem:s10+$0xFFFFFFC0] =	vst v21;
	v18 =	vadd.f32 v18, v15  }
0x145: {  	v21 =	vld [tilespmem:s15+$0xFFFFFF40];
	[tilespmem:s10+$0xFFFFFFD0] =	vst v19;
	v17 =	vadd.f32 v17, v14  }
0x146: {  	v19 =	vld [tilespmem:s15+$0xFFFFFF50];
	[tilespmem:s10+$0xFFFFFFE0] =	vst v18;
	v18 =	vadd.f32 v20, v13  }
0x147: {  	v20 =	vadd.f32 v24, v16;
	v24 =	vld [tilespmem:s15+$0xFFFFFF60];
	[tilespmem:s10+$0x0] =	vst v17  }
0x148: {  	v17 =	vadd.f32 v22, v15;
	v22 =	vld [tilespmem:s15+$0xFFFFFF70];
	[tilespmem:s10+$0xFFFFFFF0] =	vst v18;
	s10 =	smov.u32 s15  }
0x149: {  	[tilespmem:s15+$0xFFFFFF10] =	vst v20;
	v18 =	vadd.f32 v23, v13;
	v20 =	vld [tilespmem:s15+$0xFFFFFF80]  }
0x14a: {  	[tilespmem:s15+$0xFFFFFF20] =	vst v17;
	v17 =	vadd.f32 v21, v14;
	v23 =	vld [tilespmem:s15+$0xFFFFFF90]  }
0x14b: {  	s0 =	sadd.s32 $0x4, s0;
	[tilespmem:s15+$0xFFFFFF30] =	vst v18;
	v18 =	vadd.f32 v19, v16;
	v25 =	vld [tilespmem:s15+$0xFFFFFFA0]  }
0x14c: {  	p1 =	slt.u32 s0, $0x7C;
	[tilespmem:s15+$0xFFFFFF40] =	vst v17;
	v17 =	vadd.f32 v24, v15;
	v24 =	vld [tilespmem:s15+$0xFFFFFFB0]  }
.Ltmp4:
0x14d: {  	[tilespmem:s15+$0xFFFFFF50] =	vst v18;
	v18 =	vadd.f32 v22, v13;
	v21 =	vld [tilespmem:s15+$0xFFFFFFC0];
	(pc) =	sbr.rel @p1 .LBB2_11-.Ltmp4, $4  }
0x14e: {  	[tilespmem:s15+$0xFFFFFF60] =	vst v17;
	v17 =	vadd.f32 v20, v14;
	v19 =	vld [tilespmem:s15+$0xFFFFFFD0]  }
0x14f: {  	[tilespmem:s15+$0xFFFFFF70] =	vst v18;
	v20 =	vadd.f32 v23, v16;
	v18 =	vld [tilespmem:s15+$0xFFFFFFE0]  }
0x150: {  	[tilespmem:s15+$0xFFFFFF80] =	vst v17;
	v22 =	vadd.f32 v25, v15;
	v17 =	vld [tilespmem:s15+$0x0]  }
0x151: {  	s15 =	sadd.s32 $0x100, s15;
	[tilespmem:s10+$0xFFFFFF90] =	vst v20;
	v23 =	vadd.f32 v24, v13;
	v20 =	vld [tilespmem:s10+$0xFFFFFFF0]  }
0x152: {  	s0 =	simm.s32 $0x0  }
0x153: {  	s12 =	sand.u32 $0x70, s0  }
0x154: {  	s15 =	sand.u32 $0xC, s0;
	v24 =	vmov s12  }
0x155: {  	[tilespmem:s10+$0xFFFFFFA0] =	vst v22;
	v21 =	vadd.f32 v21, v14;
	v44 =	vadd.s32 s15, v0;
	v43 =	vshll.u32 v24, $0x6  }
0x156: {  	[tilespmem:s10+$0xFFFFFFB0] =	vst v23;
	v16 =	vadd.f32 v19, v16;
	v45 =	vand.u32 $0xF, v44;
	v19 =	vor.u32 v7, v43  }
0x157: {  	[tilespmem:s10+$0xFFFFFFC0] =	vst v21;
	v15 =	vadd.f32 v18, v15;
	v18 =	vor.u32 v45, v19  }
0x158: {  	[tilespmem:s10+$0xFFFFFFD0] =	vst v16;
	v14 =	vadd.f32 v17, v14;
	v16 =	vshll.u32 v44, $0x7  }
0x159: {  	v17 =	vor.u32 s12, v8;
	[tilespmem:s10+$0xFFFFFFE0] =	vst v15;
	v13 =	vadd.f32 v20, v13;
	v15 =	vand.u32 $0x380, v16  }
0x15a: {  	[tilespmem:s10+$0x0] =	vst v14;
	v14 =	vand.u32 $0x400, v16;
	v15 =	vor.u32 v17, v15  }
0x15b: {  	[tilespmem:s10+$0xFFFFFFF0] =	vst v13;
	v13 =	vor.u32 v14, v15  }
0x15c: {  	v46 =	vor.u32 $0x10, v19;
	v14 =	vld.idx.msk [tilespmem:v18+s16+$0x0], $0xffff;
	v18 =	vor.u32 v9, v13  }
0x15d: {  	v47 =	vor.u32 v44, v46;
	_ =	sdelay $0x3  }
0x15e: {  	[tilespmem:v18+s19+$0x0] =	vst.idx.msk $0xffff, v14  }
0x15f: {  	v48 =	vor.u32 $0x20, v19;
	v18 =	vor.u32 v10, v13;
	v14 =	vld.idx.msk [tilespmem:v47+s16+$0x0], $0xffff  }
0x160: {  	v22 =	vor.u32 v45, v48;
	_ =	sdelay $0x3  }
0x161: {  	[tilespmem:v18+s19+$0x0] =	vst.idx.msk $0xffff, v14  }
0x162: {  	v13 =	vor.u32 v11, v13;
	v18 =	vor.u32 $0x30, v19;
	v14 =	vld.idx.msk [tilespmem:v22+s16+$0x0], $0xffff  }
0x163: {  	v49 =	vor.u32 v44, v18;
	_ =	sdelay $0x2  }
0x164: {  	s12 =	sor.u32 $0x1, s15;
	v16 =	vand.u32 $0xC00, v16  }
0x165: {  	[tilespmem:v13+s19+$0x0] =	vst.idx.msk $0xffff, v14;
	v13 =	vor.u32 v16, v15;
	v14 =	vadd.s32 s12, v0  }
0x166: {  	v15 =	vld.idx.msk [tilespmem:v49+s16+$0x0], $0xffff;
	v13 =	vor.u32 v12, v13;
	v16 =	vand.u32 $0xF, v14  }
0x167: {  	v50 =	vor.u32 v19, v16  }
0x168: {  	v51 =	vshll.u32 v14, $0x7  }
0x169: {  	v52 =	vand.u32 $0x400, v51  }
0x16a: {  	v23 =	vand.u32 $0x380, v51;
	v24 =	vor.u32 v17, v52  }
0x16b: {  	[tilespmem:v13+s19+$0x0] =	vst.idx.msk $0xffff, v15;
	v13 =	vor.u32 v23, v24  }
0x16c: {  	v15 =	vld.idx.msk [tilespmem:v50+s16+$0x0], $0xffff;
	v53 =	vor.u32 v9, v13  }
0x16d: {  	v54 =	vor.u32 v14, v46;
	_ =	sdelay $0x3  }
0x16e: {  	[tilespmem:v53+s19+$0x0] =	vst.idx.msk $0xffff, v15  }
0x16f: {  	v55 =	vor.u32 v10, v13;
	v15 =	vld.idx.msk [tilespmem:v54+s16+$0x0], $0xffff  }
0x170: {  	v16 =	vor.u32 v16, v48;
	_ =	sdelay $0x3  }
0x171: {  	[tilespmem:v55+s19+$0x0] =	vst.idx.msk $0xffff, v15  }
0x172: {  	v15 =	vld.idx.msk [tilespmem:v16+s16+$0x0], $0xffff;
	v16 =	vor.u32 v11, v13  }
0x173: {  	v14 =	vor.u32 v14, v18;
	_ =	sdelay $0x2  }
0x174: {  	s12 =	sor.u32 $0x2, s15  }
0x175: {  	[tilespmem:v16+s19+$0x0] =	vst.idx.msk $0xffff, v15;
	v15 =	vadd.s32 s12, v0  }
0x176: {  	v13 =	vor.u32 v12, v13;
	v14 =	vld.idx.msk [tilespmem:v14+s16+$0x0], $0xffff;
	v16 =	vand.u32 $0xF, v15  }
0x177: {  	v56 =	vor.u32 v19, v16  }
0x178: {  	v57 =	vshll.u32 v15, $0x7  }
0x179: {  	v58 =	vand.u32 $0x400, v57  }
0x17a: {  	v23 =	vand.u32 $0x380, v57;
	v24 =	vor.u32 v17, v58  }
0x17b: {  	[tilespmem:v13+s19+$0x0] =	vst.idx.msk $0xffff, v14;
	v13 =	vor.u32 v23, v24  }
0x17c: {  	v14 =	vld.idx.msk [tilespmem:v56+s16+$0x0], $0xffff;
	v59 =	vor.u32 v9, v13  }
0x17d: {  	v60 =	vor.u32 v15, v46;
	_ =	sdelay $0x3  }
0x17e: {  	[tilespmem:v59+s19+$0x0] =	vst.idx.msk $0xffff, v14  }
0x17f: {  	v61 =	vor.u32 v10, v13;
	v14 =	vld.idx.msk [tilespmem:v60+s16+$0x0], $0xffff  }
0x180: {  	v16 =	vor.u32 v16, v48;
	_ =	sdelay $0x3  }
0x181: {  	[tilespmem:v61+s19+$0x0] =	vst.idx.msk $0xffff, v14  }
0x182: {  	v14 =	vld.idx.msk [tilespmem:v16+s16+$0x0], $0xffff;
	v16 =	vor.u32 v11, v13  }
0x183: {  	v15 =	vor.u32 v15, v18;
	_ =	sdelay $0x2  }
0x184: {  	s15 =	sor.u32 $0x3, s15  }
0x185: {  	v62 =	vadd.s32 s15, v0;
	[tilespmem:v16+s19+$0x0] =	vst.idx.msk $0xffff, v14  }
0x186: {  	v13 =	vor.u32 v12, v13;
	v14 =	vld.idx.msk [tilespmem:v15+s16+$0x0], $0xffff;
	v15 =	vand.u32 $0xF, v62  }
0x187: {  	v16 =	vor.u32 v19, v15  }
0x188: {  	v19 =	vshll.u32 v62, $0x7  }
0x189: {  	v63 =	vand.u32 $0x400, v19  }
0x18a: {  	v19 =	vand.u32 $0x380, v19;
	v17 =	vor.u32 v17, v63  }
0x18b: {  	[tilespmem:v13+s19+$0x0] =	vst.idx.msk $0xffff, v14;
	v14 =	vor.u32 v19, v17  }
0x18c: {  	v13 =	vld.idx.msk [tilespmem:v16+s16+$0x0], $0xffff;
	v16 =	vor.u32 v9, v14  }
0x18d: {  	v17 =	vor.u32 v62, v46;
	_ =	sdelay $0x3  }
0x18e: {  	[tilespmem:v16+s19+$0x0] =	vst.idx.msk $0xffff, v13  }
0x18f: {  	v16 =	vor.u32 v10, v14;
	v13 =	vld.idx.msk [tilespmem:v17+s16+$0x0], $0xffff  }
0x190: {  	v15 =	vor.u32 v15, v48;
	_ =	sdelay $0x3  }
0x191: {  	[tilespmem:v16+s19+$0x0] =	vst.idx.msk $0xffff, v13  }
0x192: {  	v16 =	vor.u32 v11, v14;
	v13 =	vld.idx.msk [tilespmem:v15+s16+$0x0], $0xffff  }
0x193: {  	v15 =	vor.u32 v62, v18  }
.LBB2_13:
0x194: {  	_ = 	snop  }
0x195: {  	s0 =	sadd.s32 $0x4, s0  }
0x196: {  	s12 =	sand.u32 $0x70, s0;
	p1 =	slt.u32 s0, $0x7C  }
0x197: {  	s10 =	sand.u32 $0xC, s0;
	v17 =	vmov s12;
	[tilespmem:v16+s19+$0x0] =	vst.idx.msk $0xffff, v13  }
0x198: {  	v18 =	vadd.s32 s10, v0;
	v13 =	vshll.u32 v17, $0x6;
	v15 =	vld.idx.msk [tilespmem:v15+s16+$0x0], $0xffff  }
0x199: {  	v16 =	vor.u32 v12, v14;
	v17 =	vand.u32 $0xF, v18;
	v13 =	vor.u32 v7, v13  }
0x19a: {  	v19 =	vor.u32 v17, v13;
	_ =	sdelay $0x1  }
0x19b: {  	v20 =	vshll.u32 v18, $0x7  }
0x19c: {  	v14 =	vor.u32 s12, v8;
	v21 =	vand.u32 $0x380, v20  }
0x19d: {  	v22 =	vand.u32 $0x400, v20;
	v21 =	vor.u32 v14, v21;
	[tilespmem:v16+s19+$0x0] =	vst.idx.msk $0xffff, v15  }
0x19e: {  	v16 =	vld.idx.msk [tilespmem:v19+s16+$0x0], $0xffff;
	v19 =	vor.u32 v22, v21  }
0x19f: {  	v15 =	vor.u32 $0x10, v13;
	v22 =	vor.u32 v9, v19  }
0x1a0: {  	v23 =	vor.u32 v18, v15;
	_ =	sdelay $0x3  }
0x1a1: {  	[tilespmem:v22+s19+$0x0] =	vst.idx.msk $0xffff, v16  }
0x1a2: {  	v22 =	vld.idx.msk [tilespmem:v23+s16+$0x0], $0xffff  }
0x1a3: {  	v16 =	vor.u32 $0x20, v13;
	v23 =	vor.u32 v10, v19  }
0x1a4: {  	v17 =	vor.u32 v17, v16;
	_ =	sdelay $0x3  }
0x1a5: {  	[tilespmem:v23+s19+$0x0] =	vst.idx.msk $0xffff, v22  }
0x1a6: {  	v22 =	vld.idx.msk [tilespmem:v17+s16+$0x0], $0xffff  }
0x1a7: {  	v19 =	vor.u32 v11, v19;
	v17 =	vor.u32 $0x30, v13  }
0x1a8: {  	v18 =	vor.u32 v18, v17;
	_ =	sdelay $0x3  }
0x1a9: {  	s12 =	sor.u32 $0x1, s10;
	v20 =	vand.u32 $0xC00, v20;
	[tilespmem:v19+s19+$0x0] =	vst.idx.msk $0xffff, v22  }
0x1aa: {  	v19 =	vor.u32 v20, v21;
	v20 =	vadd.s32 s12, v0;
	v18 =	vld.idx.msk [tilespmem:v18+s16+$0x0], $0xffff  }
0x1ab: {  	v19 =	vor.u32 v12, v19;
	v21 =	vand.u32 $0xF, v20  }
0x1ac: {  	v22 =	vor.u32 v13, v21;
	_ =	sdelay $0x1  }
0x1ad: {  	v23 =	vshll.u32 v20, $0x7  }
0x1ae: {  	v24 =	vand.u32 $0x400, v23  }
0x1af: {  	[tilespmem:v19+s19+$0x0] =	vst.idx.msk $0xffff, v18;
	v18 =	vand.u32 $0x380, v23;
	v19 =	vor.u32 v14, v24  }
0x1b0: {  	v22 =	vld.idx.msk [tilespmem:v22+s16+$0x0], $0xffff;
	v18 =	vor.u32 v18, v19  }
0x1b1: {  	v19 =	vor.u32 v9, v18  }
0x1b2: {  	v23 =	vor.u32 v20, v15;
	_ =	sdelay $0x3  }
0x1b3: {  	[tilespmem:v19+s19+$0x0] =	vst.idx.msk $0xffff, v22  }
0x1b4: {  	v19 =	vld.idx.msk [tilespmem:v23+s16+$0x0], $0xffff  }
0x1b5: {  	v22 =	vor.u32 v10, v18  }
0x1b6: {  	v21 =	vor.u32 v21, v16;
	_ =	sdelay $0x3  }
0x1b7: {  	[tilespmem:v22+s19+$0x0] =	vst.idx.msk $0xffff, v19  }
0x1b8: {  	v19 =	vld.idx.msk [tilespmem:v21+s16+$0x0], $0xffff  }
0x1b9: {  	v21 =	vor.u32 v11, v18  }
0x1ba: {  	v20 =	vor.u32 v20, v17;
	_ =	sdelay $0x3  }
0x1bb: {  	s12 =	sor.u32 $0x2, s10;
	[tilespmem:v21+s19+$0x0] =	vst.idx.msk $0xffff, v19  }
0x1bc: {  	v19 =	vld.idx.msk [tilespmem:v20+s16+$0x0], $0xffff;
	v20 =	vadd.s32 s12, v0  }
0x1bd: {  	v18 =	vor.u32 v12, v18;
	v21 =	vand.u32 $0xF, v20  }
0x1be: {  	v22 =	vor.u32 v13, v21;
	_ =	sdelay $0x1  }
0x1bf: {  	v23 =	vshll.u32 v20, $0x7  }
0x1c0: {  	v24 =	vand.u32 $0x400, v23  }
0x1c1: {  	[tilespmem:v18+s19+$0x0] =	vst.idx.msk $0xffff, v19;
	v18 =	vand.u32 $0x380, v23;
	v19 =	vor.u32 v14, v24  }
0x1c2: {  	v22 =	vld.idx.msk [tilespmem:v22+s16+$0x0], $0xffff;
	v18 =	vor.u32 v18, v19  }
0x1c3: {  	v19 =	vor.u32 v9, v18  }
0x1c4: {  	v23 =	vor.u32 v20, v15;
	_ =	sdelay $0x3  }
0x1c5: {  	[tilespmem:v19+s19+$0x0] =	vst.idx.msk $0xffff, v22  }
0x1c6: {  	v19 =	vld.idx.msk [tilespmem:v23+s16+$0x0], $0xffff  }
0x1c7: {  	v22 =	vor.u32 v10, v18  }
0x1c8: {  	v21 =	vor.u32 v21, v16;
	_ =	sdelay $0x3  }
0x1c9: {  	[tilespmem:v22+s19+$0x0] =	vst.idx.msk $0xffff, v19  }
0x1ca: {  	v19 =	vld.idx.msk [tilespmem:v21+s16+$0x0], $0xffff  }
0x1cb: {  	v21 =	vor.u32 v11, v18  }
0x1cc: {  	v20 =	vor.u32 v20, v17;
	_ =	sdelay $0x3  }
0x1cd: {  	s10 =	sor.u32 $0x3, s10;
	[tilespmem:v21+s19+$0x0] =	vst.idx.msk $0xffff, v19  }
0x1ce: {  	v19 =	vld.idx.msk [tilespmem:v20+s16+$0x0], $0xffff;
	v20 =	vadd.s32 s10, v0  }
0x1cf: {  	v18 =	vor.u32 v12, v18;
	v21 =	vand.u32 $0xF, v20  }
0x1d0: {  	v13 =	vor.u32 v13, v21;
	_ =	sdelay $0x1  }
0x1d1: {  	v22 =	vshll.u32 v20, $0x7  }
0x1d2: {  	v23 =	vand.u32 $0x400, v22  }
0x1d3: {  	v14 =	vor.u32 v14, v23;
	[tilespmem:v18+s19+$0x0] =	vst.idx.msk $0xffff, v19;
	v18 =	vand.u32 $0x380, v22  }
0x1d4: {  	v13 =	vld.idx.msk [tilespmem:v13+s16+$0x0], $0xffff;
	v14 =	vor.u32 v18, v14  }
0x1d5: {  	v18 =	vor.u32 v9, v14  }
0x1d6: {  	v15 =	vor.u32 v20, v15;
	_ =	sdelay $0x3  }
0x1d7: {  	[tilespmem:v18+s19+$0x0] =	vst.idx.msk $0xffff, v13  }
0x1d8: {  	v13 =	vld.idx.msk [tilespmem:v15+s16+$0x0], $0xffff  }
0x1d9: {  	v15 =	vor.u32 v10, v14  }
0x1da: {  	v16 =	vor.u32 v21, v16;
	_ =	sdelay $0x2  }
.Ltmp5:
0x1db: {  	(pc) =	sbr.rel @p1 .LBB2_13-.Ltmp5, $4  }
0x1dc: {  	[tilespmem:v15+s19+$0x0] =	vst.idx.msk $0xffff, v13  }
0x1dd: {  	v13 =	vld.idx.msk [tilespmem:v16+s16+$0x0], $0xffff  }
0x1de: {  	v16 =	vor.u32 v11, v14  }
0x1df: {  	v15 =	vor.u32 v20, v17  }
0x1e0: {  	_ =	sdelay $0x3  }
0x1e1: {  	[tilespmem:v16+s19+$0x0] =	vst.idx.msk $0xffff, v13  }
0x1e2: {  	v14 =	vor.u32 v12, v14;
	v13 =	vld.idx.msk [tilespmem:v15+s16+$0x0], $0xffff;
	_ =	sdelay $0x1  }
0x1e3: {  	s0 =	sshll.u32 s1, $0x12  }
0x1e4: {  	s0 =	sor.u32 s8, s0  }
0x1e5: {  	s0 =	sshrl.u32 s0, $0x3  }
0x1e6: {  	s0 =	sadd.s32 s2, s0;
	[tilespmem:v14+s19+$0x0] =	vst.idx.msk $0xffff, v13  }
0x1e7: {  	[hbm4b:s0+s20] =	stream.strided.scatter [tilespmem:s22], [sflag:$0x3], $0x2000, s21, s20, $0x38;
	[tilespmem:$0x1C800] =	vst v63  }
0x1e8: {  	_ =	swait.ge [sflag:s23], $0x4000  }
0x1e9: {  	[sflag:s23] =	ssyncset.done $0x0  }
0x1ea: {  	s0 =	simm.s32 @!p0 $0x3;
	[sflag:s23] =	ssyncadd.s32 $0xFFFFC000  }
0x1eb: {  	_ =	swait.ge @!p0 [sflag:s0], $0x2000  }
0x1ec: {  	[sflag:s0] =	ssyncset.done @!p0 $0x0  }
0x1ed: {  	[sflag:s0] =	ssyncadd.s32 @!p0 $0xFFFFE000  }
0x1ee: {  	p1 =	seq.s32 @!p0 s30, $0x31;
	_ =	swait.ge @!p0 [sflag:s0], $0x2000  }
0x1ef: {  	p1 =	por p0, !p1;
	[sflag:s0] =	ssyncset.done @!p0 $0x0  }
0x1f0: {  	[sflag:s0] =	ssyncadd.s32 @!p0 $0xFFFFE000;
	s0 =	sshll.u32 @p1 s30, $0x9  }
0x1f1: {  	s0 =	sand.u32 @p1 $0x3FFFFE00, s0  }
0x1f2: {  	s15 =	sshll.u32 s31, $0x7;
	s0 =	sadd.s32 @p1 $0x3400, s0  }
0x1f3: {  	[tilespmem:s16], [sflag:$0x1] =	stream.indirect.gather @p1 [hbm4b:s4+s14], $0x40, s0, s14, $0xb8;
	[tilespmem:$0x1C800] =	vst v63  }
0x1f4: {  	s0 =	sand.u32 $0x3FFFFF80, s15  }
0x1f5: {  	v16 =	vld [tilespmem:s0+$0x9600]  }
0x1f6: {  	v13 =	vld [tilespmem:s0+$0x9610]  }
0x1f7: {  	v14 =	vld [tilespmem:s0+$0x9620]  }
0x1f8: {  	v15 =	vld [tilespmem:s0+$0x9630];
	s0 =	simm.s32 $0x10800  }
0x1f9: {  	v18 =	vld [tilespmem:s0+$0xA0]  }
0x1fa: {  	v19 =	vld [tilespmem:s0+$0x40]  }
0x1fb: {  	v20 =	vld [tilespmem:s0+$0xE0]  }
0x1fc: {  	v21 =	vld [tilespmem:s0+$0xD0]  }
0x1fd: {  	v24 =	vld [tilespmem:s0+$0x20]  }
0x1fe: {  	v17 =	vld [tilespmem:s0+$0x90]  }
0x1ff: {  	v25 =	vld [tilespmem:s0+$0xC0]  }
0x200: {  	v26 =	vld [tilespmem:s0+$0x10]  }
0x201: {  	v27 =	vld [tilespmem:s0+$0xB0];
	v18 =	vadd.f32 v18, v14  }
0x202: {  	v28 =	vld [tilespmem:s0+$0x0];
	v21 =	vadd.f32 v21, v13  }
0x203: {  	v29 =	vld [tilespmem:s0+$0x50];
	v24 =	vadd.f32 v24, v14;
	[tilespmem:s0+$0xA0] =	vst v18  }
0x204: {  	v23 =	vld [tilespmem:s0+$0xF0];
	v30 =	vadd.f32 v25, v16;
	[tilespmem:s0+$0xD0] =	vst v21  }
0x205: {  	v22 =	vld [tilespmem:s0+$0x80];
	v18 =	vadd.f32 v19, v16;
	[tilespmem:s0+$0x20] =	vst v24  }
0x206: {  	v19 =	vadd.f32 v20, v14;
	v21 =	vld [tilespmem:s0+$0x70];
	[tilespmem:s0+$0xC0] =	vst v30  }
0x207: {  	v25 =	vadd.f32 v28, v16;
	v20 =	vld [tilespmem:s0+$0x60];
	[tilespmem:s0+$0x40] =	vst v18;
	v18 =	vadd.f32 v26, v13  }
0x208: {  	s1 =	simm.s32 $0x0;
	s10 =	simm.s32 $0x10900;
	v24 =	vld [tilespmem:s0+$0x30];
	[tilespmem:s0+$0xE0] =	vst v19;
	v26 =	vadd.f32 v29, v13;
	v19 =	vadd.f32 v27, v15  }
.LBB2_15:
0x209: {  	v27 =	vld [tilespmem:s10+$0xA0];
	s1 =	sadd.s32 $0x4, s1;
	[tilespmem:s0+$0x0] =	vst v25;
	v17 =	vadd.f32 v17, v13;
	v23 =	vadd.f32 v23, v15  }
0x20a: {  	v25 =	vld [tilespmem:s10+$0x40];
	p0 =	slt.u32 s1, $0x7C;
	[tilespmem:s0+$0x50] =	vst v26;
	v22 =	vadd.f32 v22, v16  }
0x20b: {  	v26 =	vld [tilespmem:s10+$0xE0];
	v21 =	vadd.f32 v21, v15;
	[tilespmem:s0+$0xF0] =	vst v23  }
0x20c: {  	v28 =	vld [tilespmem:s10+$0x20];
	v20 =	vadd.f32 v20, v14;
	[tilespmem:s0+$0x80] =	vst v22  }
0x20d: {  	v22 =	vld [tilespmem:s10+$0xD0];
	v23 =	vadd.f32 v24, v15;
	[tilespmem:s0+$0x90] =	vst v17  }
0x20e: {  	v17 =	vld [tilespmem:s10+$0x90];
	v24 =	vadd.f32 v27, v14;
	[tilespmem:s0+$0x10] =	vst v18  }
0x20f: {  	v18 =	vld [tilespmem:s10+$0x10];
	[tilespmem:s0+$0x30] =	vst v23  }
0x210: {  	v27 =	vld [tilespmem:s10+$0xC0];
	v26 =	vadd.f32 v26, v14;
	[tilespmem:s0+$0xB0] =	vst v19  }
0x211: {  	v19 =	vld [tilespmem:s10+$0x0];
	[tilespmem:s0+$0x70] =	vst v21  }
0x212: {  	v29 =	vld [tilespmem:s10+$0xB0];
	v21 =	vadd.f32 v22, v13;
	[tilespmem:s0+$0x60] =	vst v20;
	s0 =	smov.u32 s10  }
0x213: {  	v30 =	vld [tilespmem:s10+$0x50];
	[tilespmem:s10+$0xA0] =	vst v24  }
.Ltmp6:
0x214: {  	v20 =	vadd.f32 v25, v16;
	[tilespmem:s10+$0xD0] =	vst v21;
	v23 =	vld [tilespmem:s10+$0xF0];
	(pc) =	sbr.rel @p0 .LBB2_15-.Ltmp6, $4  }
0x215: {  	v22 =	vld [tilespmem:s10+$0x80];
	v24 =	vadd.f32 v27, v16;
	[tilespmem:s10+$0xE0] =	vst v26  }
0x216: {  	v26 =	vadd.f32 v28, v14;
	[tilespmem:s10+$0x40] =	vst v20;
	v21 =	vld [tilespmem:s10+$0x70]  }
0x217: {  	v18 =	vadd.f32 v18, v13;
	v25 =	vadd.f32 v19, v16;
	v20 =	vld [tilespmem:s10+$0x60];
	[tilespmem:s10+$0xC0] =	vst v24  }
0x218: {  	v19 =	vadd.f32 v29, v15;
	s10 =	sadd.s32 $0x100, s10;
	[tilespmem:s0+$0x20] =	vst v26;
	v24 =	vld [tilespmem:s0+$0x30];
	v26 =	vadd.f32 v30, v13  }
0x219: {  	[tilespmem:s0+$0x0] =	vst v25;
	s1 =	simm.s32 $0x0  }
0x21a: {  	[tilespmem:s0+$0x10] =	vst v18;
	v16 =	vadd.f32 v22, v16;
	s12 =	sand.u32 $0x70, s1  }
0x21b: {  	v17 =	vadd.f32 v17, v13;
	[tilespmem:s0+$0x50] =	vst v26;
	s10 =	sand.u32 $0xC, s1;
	v13 =	vmov s12  }
0x21c: {  	v22 =	vadd.s32 s10, v0;
	[tilespmem:s0+$0x80] =	vst v16;
	v16 =	vshll.u32 v13, $0x6;
	v13 =	vor.u32 $0x4000, v4  }
0x21d: {  	v23 =	vadd.f32 v23, v15;
	[tilespmem:s0+$0xB0] =	vst v19;
	v47 =	vor.u32 v13, v16;
	v16 =	vand.u32 $0xF, v22  }
0x21e: {  	[tilespmem:s0+$0x90] =	vst v17;
	v14 =	vadd.f32 v20, v14;
	v17 =	vor.u32 v16, v47  }
0x21f: {  	[tilespmem:s0+$0xF0] =	vst v23;
	v18 =	vshll.u32 v22, $0x7;
	v23 =	vadd.f32 v24, v15;
	v15 =	vadd.f32 v21, v15  }
0x220: {  	v21 =	vor.u32 s12, v8;
	v19 =	vand.u32 $0x380, v18;
	[tilespmem:s0+$0x60] =	vst v14  }
0x221: {  	v19 =	vor.u32 v21, v19;
	[tilespmem:s0+$0x70] =	vst v15;
	v15 =	vand.u32 $0x400, v18  }
0x222: {  	v14 =	vor.u32 $0x4000, v1;
	[tilespmem:s0+$0x30] =	vst v23;
	v20 =	vor.u32 v15, v19  }
0x223: {  	v23 =	vor.u32 $0x10, v47;
	v15 =	vld.idx.msk [tilespmem:v17+s16+$0x0], $0xffff;
	v17 =	vor.u32 v14, v20  }
0x224: {  	v48 =	vor.u32 v22, v23;
	_ =	sdelay $0x3  }
0x225: {  	[tilespmem:v17+s19+$0x0] =	vst.idx.msk $0xffff, v15;
	v15 =	vor.u32 $0x4800, v1  }
0x226: {  	v50 =	vor.u32 $0x20, v47;
	v17 =	vld.idx.msk [tilespmem:v48+s16+$0x0], $0xffff;
	v49 =	vor.u32 v15, v20  }
0x227: {  	v27 =	vor.u32 v16, v50;
	_ =	sdelay $0x3  }
0x228: {  	v16 =	vor.u32 $0x5000, v1;
	[tilespmem:v49+s19+$0x0] =	vst.idx.msk $0xffff, v17  }
0x229: {  	v51 =	vor.u32 $0x30, v47;
	v20 =	vor.u32 v16, v20;
	v17 =	vld.idx.msk [tilespmem:v27+s16+$0x0], $0xffff  }
0x22a: {  	v22 =	vor.u32 v22, v51;
	_ =	sdelay $0x2  }
0x22b: {  	s15 =	sor.u32 $0x1, s10;
	v18 =	vand.u32 $0xC00, v18  }
0x22c: {  	v18 =	vor.u32 v18, v19;
	v19 =	vadd.s32 s15, v0;
	[tilespmem:v20+s19+$0x0] =	vst.idx.msk $0xffff, v17;
	v17 =	vor.u32 $0x5800, v1  }
0x22d: {  	v20 =	vld.idx.msk [tilespmem:v22+s16+$0x0], $0xffff;
	v18 =	vor.u32 v17, v18;
	v22 =	vand.u32 $0xF, v19  }
0x22e: {  	v52 =	vor.u32 v47, v22  }
0x22f: {  	v28 =	vshll.u32 v19, $0x7  }
0x230: {  	v29 =	vand.u32 $0x400, v28  }
0x231: {  	v28 =	vand.u32 $0x380, v28;
	v29 =	vor.u32 v21, v29  }
0x232: {  	[tilespmem:v18+s19+$0x0] =	vst.idx.msk $0xffff, v20;
	v18 =	vor.u32 v28, v29  }
0x233: {  	v20 =	vld.idx.msk [tilespmem:v52+s16+$0x0], $0xffff;
	v53 =	vor.u32 v14, v18  }
0x234: {  	v54 =	vor.u32 v19, v23;
	_ =	sdelay $0x3  }
0x235: {  	[tilespmem:v53+s19+$0x0] =	vst.idx.msk $0xffff, v20  }
0x236: {  	v55 =	vor.u32 v15, v18;
	v20 =	vld.idx.msk [tilespmem:v54+s16+$0x0], $0xffff  }
0x237: {  	v22 =	vor.u32 v22, v50;
	_ =	sdelay $0x3  }
0x238: {  	[tilespmem:v55+s19+$0x0] =	vst.idx.msk $0xffff, v20  }
0x239: {  	v20 =	vld.idx.msk [tilespmem:v22+s16+$0x0], $0xffff;
	v22 =	vor.u32 v16, v18  }
0x23a: {  	v19 =	vor.u32 v19, v51;
	_ =	sdelay $0x2  }
0x23b: {  	s12 =	sor.u32 $0x2, s10  }
0x23c: {  	[tilespmem:v22+s19+$0x0] =	vst.idx.msk $0xffff, v20;
	v20 =	vadd.s32 s12, v0  }
0x23d: {  	v18 =	vor.u32 v17, v18;
	v19 =	vld.idx.msk [tilespmem:v19+s16+$0x0], $0xffff;
	v22 =	vand.u32 $0xF, v20  }
0x23e: {  	v56 =	vor.u32 v47, v22  }
0x23f: {  	v57 =	vshll.u32 v20, $0x7  }
0x240: {  	v58 =	vand.u32 $0x400, v57  }
0x241: {  	v28 =	vand.u32 $0x380, v57;
	v29 =	vor.u32 v21, v58  }
0x242: {  	[tilespmem:v18+s19+$0x0] =	vst.idx.msk $0xffff, v19;
	v18 =	vor.u32 v28, v29  }
0x243: {  	v19 =	vld.idx.msk [tilespmem:v56+s16+$0x0], $0xffff;
	v59 =	vor.u32 v14, v18  }
0x244: {  	v60 =	vor.u32 v20, v23;
	_ =	sdelay $0x3  }
0x245: {  	[tilespmem:v59+s19+$0x0] =	vst.idx.msk $0xffff, v19  }
0x246: {  	v61 =	vor.u32 v15, v18;
	v19 =	vld.idx.msk [tilespmem:v60+s16+$0x0], $0xffff  }
0x247: {  	v22 =	vor.u32 v22, v50;
	_ =	sdelay $0x3  }
0x248: {  	[tilespmem:v61+s19+$0x0] =	vst.idx.msk $0xffff, v19  }
0x249: {  	v19 =	vld.idx.msk [tilespmem:v22+s16+$0x0], $0xffff;
	v22 =	vor.u32 v16, v18  }
0x24a: {  	v20 =	vor.u32 v20, v51;
	_ =	sdelay $0x2  }
0x24b: {  	s15 =	sor.u32 $0x3, s10  }
0x24c: {  	[tilespmem:v22+s19+$0x0] =	vst.idx.msk $0xffff, v19;
	v22 =	vadd.s32 s15, v0  }
0x24d: {  	v18 =	vor.u32 v17, v18;
	v19 =	vld.idx.msk [tilespmem:v20+s16+$0x0], $0xffff;
	v20 =	vand.u32 $0xF, v22  }
0x24e: {  	v24 =	vor.u32 v47, v20  }
0x24f: {  	v62 =	vshll.u32 v22, $0x7  }
0x250: {  	v63 =	vand.u32 $0x400, v62  }
0x251: {  	v27 =	vand.u32 $0x380, v62;
	v21 =	vor.u32 v21, v63  }
0x252: {  	[tilespmem:v18+s19+$0x0] =	vst.idx.msk $0xffff, v19;
	v19 =	vor.u32 v27, v21  }
0x253: {  	v18 =	vld.idx.msk [tilespmem:v24+s16+$0x0], $0xffff;
	v21 =	vor.u32 v14, v19  }
0x254: {  	v23 =	vor.u32 v22, v23;
	_ =	sdelay $0x3  }
0x255: {  	[tilespmem:v21+s19+$0x0] =	vst.idx.msk $0xffff, v18  }
0x256: {  	v21 =	vor.u32 v15, v19;
	v18 =	vld.idx.msk [tilespmem:v23+s16+$0x0], $0xffff  }
0x257: {  	v20 =	vor.u32 v20, v50;
	_ =	sdelay $0x3  }
0x258: {  	[tilespmem:v21+s19+$0x0] =	vst.idx.msk $0xffff, v18  }
0x259: {  	v21 =	vor.u32 v16, v19;
	v18 =	vld.idx.msk [tilespmem:v20+s16+$0x0], $0xffff  }
0x25a: {  	v20 =	vor.u32 v22, v51  }
.LBB2_17:
0x25b: {  	_ = 	snop  }
0x25c: {  	s1 =	sadd.s32 $0x4, s1  }
0x25d: {  	s10 =	sand.u32 $0x70, s1;
	p0 =	slt.u32 s1, $0x7C  }
0x25e: {  	s0 =	sand.u32 $0xC, s1;
	v22 =	vmov s10;
	[tilespmem:v21+s19+$0x0] =	vst.idx.msk $0xffff, v18  }
0x25f: {  	v23 =	vadd.s32 s0, v0;
	v18 =	vshll.u32 v22, $0x6;
	v20 =	vld.idx.msk [tilespmem:v20+s16+$0x0], $0xffff  }
0x260: {  	v21 =	vor.u32 v17, v19;
	v22 =	vand.u32 $0xF, v23;
	v18 =	vor.u32 v13, v18  }
0x261: {  	v24 =	vor.u32 v22, v18;
	_ =	sdelay $0x1  }
0x262: {  	v25 =	vshll.u32 v23, $0x7  }
0x263: {  	v19 =	vor.u32 s10, v8;
	v26 =	vand.u32 $0x380, v25  }
0x264: {  	v27 =	vand.u32 $0x400, v25;
	v26 =	vor.u32 v19, v26;
	[tilespmem:v21+s19+$0x0] =	vst.idx.msk $0xffff, v20  }
0x265: {  	v21 =	vld.idx.msk [tilespmem:v24+s16+$0x0], $0xffff;
	v24 =	vor.u32 v27, v26  }
0x266: {  	v20 =	vor.u32 $0x10, v18;
	v27 =	vor.u32 v14, v24  }
0x267: {  	v28 =	vor.u32 v23, v20;
	_ =	sdelay $0x3  }
0x268: {  	[tilespmem:v27+s19+$0x0] =	vst.idx.msk $0xffff, v21  }
0x269: {  	v27 =	vld.idx.msk [tilespmem:v28+s16+$0x0], $0xffff  }
0x26a: {  	v21 =	vor.u32 $0x20, v18;
	v28 =	vor.u32 v15, v24  }
0x26b: {  	v22 =	vor.u32 v22, v21;
	_ =	sdelay $0x3  }
0x26c: {  	[tilespmem:v28+s19+$0x0] =	vst.idx.msk $0xffff, v27  }
0x26d: {  	v27 =	vld.idx.msk [tilespmem:v22+s16+$0x0], $0xffff  }
0x26e: {  	v24 =	vor.u32 v16, v24;
	v22 =	vor.u32 $0x30, v18  }
0x26f: {  	v23 =	vor.u32 v23, v22;
	_ =	sdelay $0x3  }
0x270: {  	s10 =	sor.u32 $0x1, s0;
	v25 =	vand.u32 $0xC00, v25;
	[tilespmem:v24+s19+$0x0] =	vst.idx.msk $0xffff, v27  }
0x271: {  	v24 =	vor.u32 v25, v26;
	v25 =	vadd.s32 s10, v0;
	v23 =	vld.idx.msk [tilespmem:v23+s16+$0x0], $0xffff  }
0x272: {  	v24 =	vor.u32 v17, v24;
	v26 =	vand.u32 $0xF, v25  }
0x273: {  	v27 =	vor.u32 v18, v26;
	_ =	sdelay $0x1  }
0x274: {  	v28 =	vshll.u32 v25, $0x7  }
0x275: {  	v29 =	vand.u32 $0x400, v28  }
0x276: {  	[tilespmem:v24+s19+$0x0] =	vst.idx.msk $0xffff, v23;
	v23 =	vand.u32 $0x380, v28;
	v24 =	vor.u32 v19, v29  }
0x277: {  	v27 =	vld.idx.msk [tilespmem:v27+s16+$0x0], $0xffff;
	v23 =	vor.u32 v23, v24  }
0x278: {  	v24 =	vor.u32 v14, v23  }
0x279: {  	v28 =	vor.u32 v25, v20;
	_ =	sdelay $0x3  }
0x27a: {  	[tilespmem:v24+s19+$0x0] =	vst.idx.msk $0xffff, v27  }
0x27b: {  	v24 =	vld.idx.msk [tilespmem:v28+s16+$0x0], $0xffff  }
0x27c: {  	v27 =	vor.u32 v15, v23  }
0x27d: {  	v26 =	vor.u32 v26, v21;
	_ =	sdelay $0x3  }
0x27e: {  	[tilespmem:v27+s19+$0x0] =	vst.idx.msk $0xffff, v24  }
0x27f: {  	v24 =	vld.idx.msk [tilespmem:v26+s16+$0x0], $0xffff  }
0x280: {  	v26 =	vor.u32 v16, v23  }
0x281: {  	v25 =	vor.u32 v25, v22;
	_ =	sdelay $0x3  }
0x282: {  	s10 =	sor.u32 $0x2, s0;
	[tilespmem:v26+s19+$0x0] =	vst.idx.msk $0xffff, v24  }
0x283: {  	v24 =	vld.idx.msk [tilespmem:v25+s16+$0x0], $0xffff;
	v25 =	vadd.s32 s10, v0  }
0x284: {  	v23 =	vor.u32 v17, v23;
	v26 =	vand.u32 $0xF, v25  }
0x285: {  	v27 =	vor.u32 v18, v26;
	_ =	sdelay $0x1  }
0x286: {  	v28 =	vshll.u32 v25, $0x7  }
0x287: {  	v29 =	vand.u32 $0x400, v28  }
0x288: {  	[tilespmem:v23+s19+$0x0] =	vst.idx.msk $0xffff, v24;
	v23 =	vand.u32 $0x380, v28;
	v24 =	vor.u32 v19, v29  }
0x289: {  	v27 =	vld.idx.msk [tilespmem:v27+s16+$0x0], $0xffff;
	v23 =	vor.u32 v23, v24  }
0x28a: {  	v24 =	vor.u32 v14, v23  }
0x28b: {  	v28 =	vor.u32 v25, v20;
	_ =	sdelay $0x3  }
0x28c: {  	[tilespmem:v24+s19+$0x0] =	vst.idx.msk $0xffff, v27  }
0x28d: {  	v24 =	vld.idx.msk [tilespmem:v28+s16+$0x0], $0xffff  }
0x28e: {  	v27 =	vor.u32 v15, v23  }
0x28f: {  	v26 =	vor.u32 v26, v21;
	_ =	sdelay $0x3  }
0x290: {  	[tilespmem:v27+s19+$0x0] =	vst.idx.msk $0xffff, v24  }
0x291: {  	v24 =	vld.idx.msk [tilespmem:v26+s16+$0x0], $0xffff  }
0x292: {  	v26 =	vor.u32 v16, v23  }
0x293: {  	v25 =	vor.u32 v25, v22;
	_ =	sdelay $0x3  }
0x294: {  	s0 =	sor.u32 $0x3, s0;
	[tilespmem:v26+s19+$0x0] =	vst.idx.msk $0xffff, v24  }
0x295: {  	v24 =	vld.idx.msk [tilespmem:v25+s16+$0x0], $0xffff;
	v25 =	vadd.s32 s0, v0  }
0x296: {  	v23 =	vor.u32 v17, v23;
	v26 =	vand.u32 $0xF, v25  }
0x297: {  	v18 =	vor.u32 v18, v26;
	_ =	sdelay $0x1  }
0x298: {  	v27 =	vshll.u32 v25, $0x7  }
0x299: {  	v28 =	vand.u32 $0x400, v27  }
0x29a: {  	v19 =	vor.u32 v19, v28;
	[tilespmem:v23+s19+$0x0] =	vst.idx.msk $0xffff, v24;
	v23 =	vand.u32 $0x380, v27  }
0x29b: {  	v18 =	vld.idx.msk [tilespmem:v18+s16+$0x0], $0xffff;
	v19 =	vor.u32 v23, v19  }
0x29c: {  	v23 =	vor.u32 v14, v19  }
0x29d: {  	v20 =	vor.u32 v25, v20;
	_ =	sdelay $0x3  }
0x29e: {  	[tilespmem:v23+s19+$0x0] =	vst.idx.msk $0xffff, v18  }
0x29f: {  	v18 =	vld.idx.msk [tilespmem:v20+s16+$0x0], $0xffff  }
0x2a0: {  	v20 =	vor.u32 v15, v19  }
0x2a1: {  	v21 =	vor.u32 v26, v21;
	_ =	sdelay $0x2  }
.Ltmp7:
0x2a2: {  	(pc) =	sbr.rel @p0 .LBB2_17-.Ltmp7, $4  }
0x2a3: {  	[tilespmem:v20+s19+$0x0] =	vst.idx.msk $0xffff, v18  }
0x2a4: {  	v18 =	vld.idx.msk [tilespmem:v21+s16+$0x0], $0xffff  }
0x2a5: {  	v21 =	vor.u32 v16, v19  }
0x2a6: {  	v20 =	vor.u32 v25, v22  }
0x2a7: {  	_ =	sdelay $0x3  }
0x2a8: {  	[tilespmem:v21+s19+$0x0] =	vst.idx.msk $0xffff, v18  }
0x2a9: {  	v14 =	vor.u32 v17, v19;
	v13 =	vld.idx.msk [tilespmem:v20+s16+$0x0], $0xffff;
	_ =	sdelay $0x1  }
0x2aa: {  	s0 =	sshll.u32 s31, $0x13  }
0x2ab: {  	s0 =	sor.u32 s8, s0  }
0x2ac: {  	s31 =	sshllo.u32 s31, $0x1;
	s0 =	sshrl.u32 s0, $0x3  }
0x2ad: {  	s15 =	sshll.u32 s31, $0x6;
	s0 =	sadd.s32 s2, s0;
	[tilespmem:v14+s19+$0x0] =	vst.idx.msk $0xffff, v13  }
0x2ae: {  	[hbm4b:s0+s20] =	stream.strided.scatter [tilespmem:s24], [sflag:$0x4], $0x2000, s21, s20, $0x38;
	[tilespmem:$0x1C800] =	vst v63  }
0x2af: {  	s0 =	sand.u32 $0x3FFFFFC0, s15  }
0x2b0: {  	v16 =	vld [tilespmem:s0+$0x9600]  }
0x2b1: {  	v13 =	vld [tilespmem:s0+$0x9610]  }
0x2b2: {  	v14 =	vld [tilespmem:s0+$0x9620]  }
0x2b3: {  	v15 =	vld [tilespmem:s0+$0x9630];
	s0 =	simm.s32 $0x12800  }
0x2b4: {  	v18 =	vld [tilespmem:s0+$0xA0]  }
0x2b5: {  	v19 =	vld [tilespmem:s0+$0x40]  }
0x2b6: {  	v20 =	vld [tilespmem:s0+$0xE0]  }
0x2b7: {  	v21 =	vld [tilespmem:s0+$0xD0]  }
0x2b8: {  	v24 =	vld [tilespmem:s0+$0x20]  }
0x2b9: {  	v17 =	vld [tilespmem:s0+$0x90]  }
0x2ba: {  	v25 =	vld [tilespmem:s0+$0xC0]  }
0x2bb: {  	v26 =	vld [tilespmem:s0+$0x10]  }
0x2bc: {  	v27 =	vld [tilespmem:s0+$0xB0];
	v18 =	vadd.f32 v18, v14  }
0x2bd: {  	v28 =	vld [tilespmem:s0+$0x0];
	v21 =	vadd.f32 v21, v13  }
0x2be: {  	v29 =	vld [tilespmem:s0+$0x50];
	v24 =	vadd.f32 v24, v14;
	[tilespmem:s0+$0xA0] =	vst v18  }
0x2bf: {  	v23 =	vld [tilespmem:s0+$0xF0];
	v30 =	vadd.f32 v25, v16;
	[tilespmem:s0+$0xD0] =	vst v21  }
0x2c0: {  	v22 =	vld [tilespmem:s0+$0x80];
	v18 =	vadd.f32 v19, v16;
	[tilespmem:s0+$0x20] =	vst v24  }
0x2c1: {  	v19 =	vadd.f32 v20, v14;
	v21 =	vld [tilespmem:s0+$0x70];
	[tilespmem:s0+$0xC0] =	vst v30  }
0x2c2: {  	v25 =	vadd.f32 v28, v16;
	v20 =	vld [tilespmem:s0+$0x60];
	[tilespmem:s0+$0x40] =	vst v18;
	v18 =	vadd.f32 v26, v13  }
0x2c3: {  	s1 =	simm.s32 $0x0;
	s10 =	simm.s32 $0x12900;
	v24 =	vld [tilespmem:s0+$0x30];
	[tilespmem:s0+$0xE0] =	vst v19;
	v26 =	vadd.f32 v29, v13;
	v19 =	vadd.f32 v27, v15  }
.LBB2_19:
0x2c4: {  	v27 =	vld [tilespmem:s10+$0xA0];
	s1 =	sadd.s32 $0x4, s1;
	[tilespmem:s0+$0x0] =	vst v25;
	v17 =	vadd.f32 v17, v13;
	v23 =	vadd.f32 v23, v15  }
0x2c5: {  	v25 =	vld [tilespmem:s10+$0x40];
	p0 =	slt.u32 s1, $0x7C;
	[tilespmem:s0+$0x50] =	vst v26;
	v22 =	vadd.f32 v22, v16  }
0x2c6: {  	v26 =	vld [tilespmem:s10+$0xE0];
	v21 =	vadd.f32 v21, v15;
	[tilespmem:s0+$0xF0] =	vst v23  }
0x2c7: {  	v28 =	vld [tilespmem:s10+$0x20];
	v20 =	vadd.f32 v20, v14;
	[tilespmem:s0+$0x80] =	vst v22  }
0x2c8: {  	v22 =	vld [tilespmem:s10+$0xD0];
	v23 =	vadd.f32 v24, v15;
	[tilespmem:s0+$0x90] =	vst v17  }
0x2c9: {  	v17 =	vld [tilespmem:s10+$0x90];
	v24 =	vadd.f32 v27, v14;
	[tilespmem:s0+$0x10] =	vst v18  }
0x2ca: {  	v18 =	vld [tilespmem:s10+$0x10];
	[tilespmem:s0+$0x30] =	vst v23  }
0x2cb: {  	v27 =	vld [tilespmem:s10+$0xC0];
	v26 =	vadd.f32 v26, v14;
	[tilespmem:s0+$0xB0] =	vst v19  }
0x2cc: {  	v19 =	vld [tilespmem:s10+$0x0];
	[tilespmem:s0+$0x70] =	vst v21  }
0x2cd: {  	v29 =	vld [tilespmem:s10+$0xB0];
	v21 =	vadd.f32 v22, v13;
	[tilespmem:s0+$0x60] =	vst v20;
	s0 =	smov.u32 s10  }
0x2ce: {  	v30 =	vld [tilespmem:s10+$0x50];
	[tilespmem:s10+$0xA0] =	vst v24  }
.Ltmp8:
0x2cf: {  	v20 =	vadd.f32 v25, v16;
	[tilespmem:s10+$0xD0] =	vst v21;
	v23 =	vld [tilespmem:s10+$0xF0];
	(pc) =	sbr.rel @p0 .LBB2_19-.Ltmp8, $4  }
0x2d0: {  	v22 =	vld [tilespmem:s10+$0x80];
	v24 =	vadd.f32 v27, v16;
	[tilespmem:s10+$0xE0] =	vst v26  }
0x2d1: {  	v26 =	vadd.f32 v28, v14;
	[tilespmem:s10+$0x40] =	vst v20;
	v21 =	vld [tilespmem:s10+$0x70]  }
0x2d2: {  	v18 =	vadd.f32 v18, v13;
	v25 =	vadd.f32 v19, v16;
	v20 =	vld [tilespmem:s10+$0x60];
	[tilespmem:s10+$0xC0] =	vst v24  }
0x2d3: {  	v19 =	vadd.f32 v29, v15;
	s10 =	sadd.s32 $0x100, s10;
	[tilespmem:s0+$0x20] =	vst v26;
	v24 =	vld [tilespmem:s0+$0x30];
	v26 =	vadd.f32 v30, v13  }
0x2d4: {  	[tilespmem:s0+$0x0] =	vst v25;
	s1 =	simm.s32 $0x0  }
0x2d5: {  	[tilespmem:s0+$0x10] =	vst v18;
	v16 =	vadd.f32 v22, v16;
	s12 =	sand.u32 $0x70, s1  }
0x2d6: {  	v17 =	vadd.f32 v17, v13;
	[tilespmem:s0+$0x50] =	vst v26;
	s10 =	sand.u32 $0xC, s1;
	v13 =	vmov s12  }
0x2d7: {  	v22 =	vadd.s32 s10, v0;
	[tilespmem:s0+$0x80] =	vst v16;
	v16 =	vshll.u32 v13, $0x6;
	v13 =	vor.u32 $0x6000, v4  }
0x2d8: {  	v23 =	vadd.f32 v23, v15;
	[tilespmem:s0+$0xB0] =	vst v19;
	v47 =	vor.u32 v13, v16;
	v16 =	vand.u32 $0xF, v22  }
0x2d9: {  	[tilespmem:s0+$0x90] =	vst v17;
	v14 =	vadd.f32 v20, v14;
	v17 =	vor.u32 v16, v47  }
0x2da: {  	[tilespmem:s0+$0xF0] =	vst v23;
	v18 =	vshll.u32 v22, $0x7;
	v23 =	vadd.f32 v24, v15;
	v15 =	vadd.f32 v21, v15  }
0x2db: {  	v21 =	vor.u32 s12, v8;
	v19 =	vand.u32 $0x380, v18;
	[tilespmem:s0+$0x60] =	vst v14  }
0x2dc: {  	v19 =	vor.u32 v21, v19;
	[tilespmem:s0+$0x70] =	vst v15;
	v15 =	vand.u32 $0x400, v18  }
0x2dd: {  	v14 =	vor.u32 $0x6000, v1;
	[tilespmem:s0+$0x30] =	vst v23;
	v20 =	vor.u32 v15, v19  }
0x2de: {  	v23 =	vor.u32 $0x10, v47;
	v15 =	vld.idx.msk [tilespmem:v17+s16+$0x0], $0xffff;
	v17 =	vor.u32 v14, v20  }
0x2df: {  	v48 =	vor.u32 v22, v23;
	_ =	sdelay $0x3  }
0x2e0: {  	[tilespmem:v17+s19+$0x0] =	vst.idx.msk $0xffff, v15;
	v15 =	vor.u32 $0x6800, v1  }
0x2e1: {  	v50 =	vor.u32 $0x20, v47;
	v17 =	vld.idx.msk [tilespmem:v48+s16+$0x0], $0xffff;
	v49 =	vor.u32 v15, v20  }
0x2e2: {  	v27 =	vor.u32 v16, v50;
	_ =	sdelay $0x3  }
0x2e3: {  	v16 =	vor.u32 $0x7000, v1;
	[tilespmem:v49+s19+$0x0] =	vst.idx.msk $0xffff, v17  }
0x2e4: {  	v51 =	vor.u32 $0x30, v47;
	v20 =	vor.u32 v16, v20;
	v17 =	vld.idx.msk [tilespmem:v27+s16+$0x0], $0xffff  }
0x2e5: {  	v22 =	vor.u32 v22, v51;
	_ =	sdelay $0x2  }
0x2e6: {  	s15 =	sor.u32 $0x1, s10;
	v18 =	vand.u32 $0xC00, v18  }
0x2e7: {  	v18 =	vor.u32 v18, v19;
	v19 =	vadd.s32 s15, v0;
	[tilespmem:v20+s19+$0x0] =	vst.idx.msk $0xffff, v17;
	v17 =	vor.u32 $0x7800, v1  }
0x2e8: {  	v20 =	vld.idx.msk [tilespmem:v22+s16+$0x0], $0xffff;
	v18 =	vor.u32 v17, v18;
	v22 =	vand.u32 $0xF, v19  }
0x2e9: {  	v52 =	vor.u32 v47, v22  }
0x2ea: {  	v28 =	vshll.u32 v19, $0x7  }
0x2eb: {  	v29 =	vand.u32 $0x400, v28  }
0x2ec: {  	v28 =	vand.u32 $0x380, v28;
	v29 =	vor.u32 v21, v29  }
0x2ed: {  	[tilespmem:v18+s19+$0x0] =	vst.idx.msk $0xffff, v20;
	v18 =	vor.u32 v28, v29  }
0x2ee: {  	v20 =	vld.idx.msk [tilespmem:v52+s16+$0x0], $0xffff;
	v53 =	vor.u32 v14, v18  }
0x2ef: {  	v54 =	vor.u32 v19, v23;
	_ =	sdelay $0x3  }
0x2f0: {  	[tilespmem:v53+s19+$0x0] =	vst.idx.msk $0xffff, v20  }
0x2f1: {  	v55 =	vor.u32 v15, v18;
	v20 =	vld.idx.msk [tilespmem:v54+s16+$0x0], $0xffff  }
0x2f2: {  	v22 =	vor.u32 v22, v50;
	_ =	sdelay $0x3  }
0x2f3: {  	[tilespmem:v55+s19+$0x0] =	vst.idx.msk $0xffff, v20  }
0x2f4: {  	v20 =	vld.idx.msk [tilespmem:v22+s16+$0x0], $0xffff;
	v22 =	vor.u32 v16, v18  }
0x2f5: {  	v19 =	vor.u32 v19, v51;
	_ =	sdelay $0x2  }
0x2f6: {  	s12 =	sor.u32 $0x2, s10  }
0x2f7: {  	[tilespmem:v22+s19+$0x0] =	vst.idx.msk $0xffff, v20;
	v20 =	vadd.s32 s12, v0  }
0x2f8: {  	v18 =	vor.u32 v17, v18;
	v19 =	vld.idx.msk [tilespmem:v19+s16+$0x0], $0xffff;
	v22 =	vand.u32 $0xF, v20  }
0x2f9: {  	v56 =	vor.u32 v47, v22  }
0x2fa: {  	v57 =	vshll.u32 v20, $0x7  }
0x2fb: {  	v58 =	vand.u32 $0x400, v57  }
0x2fc: {  	v28 =	vand.u32 $0x380, v57;
	v29 =	vor.u32 v21, v58  }
0x2fd: {  	[tilespmem:v18+s19+$0x0] =	vst.idx.msk $0xffff, v19;
	v18 =	vor.u32 v28, v29  }
0x2fe: {  	v19 =	vld.idx.msk [tilespmem:v56+s16+$0x0], $0xffff;
	v59 =	vor.u32 v14, v18  }
0x2ff: {  	v60 =	vor.u32 v20, v23;
	_ =	sdelay $0x3  }
0x300: {  	[tilespmem:v59+s19+$0x0] =	vst.idx.msk $0xffff, v19  }
0x301: {  	v61 =	vor.u32 v15, v18;
	v19 =	vld.idx.msk [tilespmem:v60+s16+$0x0], $0xffff  }
0x302: {  	v22 =	vor.u32 v22, v50;
	_ =	sdelay $0x3  }
0x303: {  	[tilespmem:v61+s19+$0x0] =	vst.idx.msk $0xffff, v19  }
0x304: {  	v19 =	vld.idx.msk [tilespmem:v22+s16+$0x0], $0xffff;
	v22 =	vor.u32 v16, v18  }
0x305: {  	v20 =	vor.u32 v20, v51;
	_ =	sdelay $0x2  }
0x306: {  	s15 =	sor.u32 $0x3, s10  }
0x307: {  	[tilespmem:v22+s19+$0x0] =	vst.idx.msk $0xffff, v19;
	v22 =	vadd.s32 s15, v0  }
0x308: {  	v18 =	vor.u32 v17, v18;
	v19 =	vld.idx.msk [tilespmem:v20+s16+$0x0], $0xffff;
	v20 =	vand.u32 $0xF, v22  }
0x309: {  	v24 =	vor.u32 v47, v20  }
0x30a: {  	v62 =	vshll.u32 v22, $0x7  }
0x30b: {  	v63 =	vand.u32 $0x400, v62  }
0x30c: {  	v27 =	vand.u32 $0x380, v62;
	v21 =	vor.u32 v21, v63  }
0x30d: {  	[tilespmem:v18+s19+$0x0] =	vst.idx.msk $0xffff, v19;
	v19 =	vor.u32 v27, v21  }
0x30e: {  	v18 =	vld.idx.msk [tilespmem:v24+s16+$0x0], $0xffff;
	v21 =	vor.u32 v14, v19  }
0x30f: {  	v23 =	vor.u32 v22, v23;
	_ =	sdelay $0x3  }
0x310: {  	[tilespmem:v21+s19+$0x0] =	vst.idx.msk $0xffff, v18  }
0x311: {  	v21 =	vor.u32 v15, v19;
	v18 =	vld.idx.msk [tilespmem:v23+s16+$0x0], $0xffff  }
0x312: {  	v20 =	vor.u32 v20, v50;
	_ =	sdelay $0x3  }
0x313: {  	[tilespmem:v21+s19+$0x0] =	vst.idx.msk $0xffff, v18  }
0x314: {  	v21 =	vor.u32 v16, v19;
	v18 =	vld.idx.msk [tilespmem:v20+s16+$0x0], $0xffff  }
0x315: {  	v20 =	vor.u32 v22, v51  }
.LBB2_21:
0x316: {  	_ = 	snop  }
0x317: {  	s1 =	sadd.s32 $0x4, s1  }
0x318: {  	s10 =	sand.u32 $0x70, s1;
	p0 =	slt.u32 s1, $0x7C  }
0x319: {  	s0 =	sand.u32 $0xC, s1;
	v22 =	vmov s10;
	[tilespmem:v21+s19+$0x0] =	vst.idx.msk $0xffff, v18  }
0x31a: {  	v23 =	vadd.s32 s0, v0;
	v18 =	vshll.u32 v22, $0x6;
	v20 =	vld.idx.msk [tilespmem:v20+s16+$0x0], $0xffff  }
0x31b: {  	v21 =	vor.u32 v17, v19;
	v22 =	vand.u32 $0xF, v23;
	v18 =	vor.u32 v13, v18  }
0x31c: {  	v24 =	vor.u32 v22, v18;
	_ =	sdelay $0x1  }
0x31d: {  	v25 =	vshll.u32 v23, $0x7  }
0x31e: {  	v19 =	vor.u32 s10, v8;
	v26 =	vand.u32 $0x380, v25  }
0x31f: {  	v27 =	vand.u32 $0x400, v25;
	v26 =	vor.u32 v19, v26;
	[tilespmem:v21+s19+$0x0] =	vst.idx.msk $0xffff, v20  }
0x320: {  	v21 =	vld.idx.msk [tilespmem:v24+s16+$0x0], $0xffff;
	v24 =	vor.u32 v27, v26  }
0x321: {  	v20 =	vor.u32 $0x10, v18;
	v27 =	vor.u32 v14, v24  }
0x322: {  	v28 =	vor.u32 v23, v20;
	_ =	sdelay $0x3  }
0x323: {  	[tilespmem:v27+s19+$0x0] =	vst.idx.msk $0xffff, v21  }
0x324: {  	v27 =	vld.idx.msk [tilespmem:v28+s16+$0x0], $0xffff  }
0x325: {  	v21 =	vor.u32 $0x20, v18;
	v28 =	vor.u32 v15, v24  }
0x326: {  	v22 =	vor.u32 v22, v21;
	_ =	sdelay $0x3  }
0x327: {  	[tilespmem:v28+s19+$0x0] =	vst.idx.msk $0xffff, v27  }
0x328: {  	v27 =	vld.idx.msk [tilespmem:v22+s16+$0x0], $0xffff  }
0x329: {  	v24 =	vor.u32 v16, v24;
	v22 =	vor.u32 $0x30, v18  }
0x32a: {  	v23 =	vor.u32 v23, v22;
	_ =	sdelay $0x3  }
0x32b: {  	s10 =	sor.u32 $0x1, s0;
	v25 =	vand.u32 $0xC00, v25;
	[tilespmem:v24+s19+$0x0] =	vst.idx.msk $0xffff, v27  }
0x32c: {  	v24 =	vor.u32 v25, v26;
	v25 =	vadd.s32 s10, v0;
	v23 =	vld.idx.msk [tilespmem:v23+s16+$0x0], $0xffff  }
0x32d: {  	v24 =	vor.u32 v17, v24;
	v26 =	vand.u32 $0xF, v25  }
0x32e: {  	v27 =	vor.u32 v18, v26;
	_ =	sdelay $0x1  }
0x32f: {  	v28 =	vshll.u32 v25, $0x7  }
0x330: {  	v29 =	vand.u32 $0x400, v28  }
0x331: {  	[tilespmem:v24+s19+$0x0] =	vst.idx.msk $0xffff, v23;
	v23 =	vand.u32 $0x380, v28;
	v24 =	vor.u32 v19, v29  }
0x332: {  	v27 =	vld.idx.msk [tilespmem:v27+s16+$0x0], $0xffff;
	v23 =	vor.u32 v23, v24  }
0x333: {  	v24 =	vor.u32 v14, v23  }
0x334: {  	v28 =	vor.u32 v25, v20;
	_ =	sdelay $0x3  }
0x335: {  	[tilespmem:v24+s19+$0x0] =	vst.idx.msk $0xffff, v27  }
0x336: {  	v24 =	vld.idx.msk [tilespmem:v28+s16+$0x0], $0xffff  }
0x337: {  	v27 =	vor.u32 v15, v23  }
0x338: {  	v26 =	vor.u32 v26, v21;
	_ =	sdelay $0x3  }
0x339: {  	[tilespmem:v27+s19+$0x0] =	vst.idx.msk $0xffff, v24  }
0x33a: {  	v24 =	vld.idx.msk [tilespmem:v26+s16+$0x0], $0xffff  }
0x33b: {  	v26 =	vor.u32 v16, v23  }
0x33c: {  	v25 =	vor.u32 v25, v22;
	_ =	sdelay $0x3  }
0x33d: {  	s10 =	sor.u32 $0x2, s0;
	[tilespmem:v26+s19+$0x0] =	vst.idx.msk $0xffff, v24  }
0x33e: {  	v24 =	vld.idx.msk [tilespmem:v25+s16+$0x0], $0xffff;
	v25 =	vadd.s32 s10, v0  }
0x33f: {  	v23 =	vor.u32 v17, v23;
	v26 =	vand.u32 $0xF, v25  }
0x340: {  	v27 =	vor.u32 v18, v26;
	_ =	sdelay $0x1  }
0x341: {  	v28 =	vshll.u32 v25, $0x7  }
0x342: {  	v29 =	vand.u32 $0x400, v28  }
0x343: {  	[tilespmem:v23+s19+$0x0] =	vst.idx.msk $0xffff, v24;
	v23 =	vand.u32 $0x380, v28;
	v24 =	vor.u32 v19, v29  }
0x344: {  	v27 =	vld.idx.msk [tilespmem:v27+s16+$0x0], $0xffff;
	v23 =	vor.u32 v23, v24  }
0x345: {  	v24 =	vor.u32 v14, v23  }
0x346: {  	v28 =	vor.u32 v25, v20;
	_ =	sdelay $0x3  }
0x347: {  	[tilespmem:v24+s19+$0x0] =	vst.idx.msk $0xffff, v27  }
0x348: {  	v24 =	vld.idx.msk [tilespmem:v28+s16+$0x0], $0xffff  }
0x349: {  	v27 =	vor.u32 v15, v23  }
0x34a: {  	v26 =	vor.u32 v26, v21;
	_ =	sdelay $0x3  }
0x34b: {  	[tilespmem:v27+s19+$0x0] =	vst.idx.msk $0xffff, v24  }
0x34c: {  	v24 =	vld.idx.msk [tilespmem:v26+s16+$0x0], $0xffff  }
0x34d: {  	v26 =	vor.u32 v16, v23  }
0x34e: {  	v25 =	vor.u32 v25, v22;
	_ =	sdelay $0x3  }
0x34f: {  	s0 =	sor.u32 $0x3, s0;
	[tilespmem:v26+s19+$0x0] =	vst.idx.msk $0xffff, v24  }
0x350: {  	v24 =	vld.idx.msk [tilespmem:v25+s16+$0x0], $0xffff;
	v25 =	vadd.s32 s0, v0  }
0x351: {  	v23 =	vor.u32 v17, v23;
	v26 =	vand.u32 $0xF, v25  }
0x352: {  	v18 =	vor.u32 v18, v26;
	_ =	sdelay $0x1  }
0x353: {  	v27 =	vshll.u32 v25, $0x7  }
0x354: {  	v28 =	vand.u32 $0x400, v27  }
0x355: {  	v19 =	vor.u32 v19, v28;
	[tilespmem:v23+s19+$0x0] =	vst.idx.msk $0xffff, v24;
	v23 =	vand.u32 $0x380, v27  }
0x356: {  	v18 =	vld.idx.msk [tilespmem:v18+s16+$0x0], $0xffff;
	v19 =	vor.u32 v23, v19  }
0x357: {  	v23 =	vor.u32 v14, v19  }
0x358: {  	v20 =	vor.u32 v25, v20;
	_ =	sdelay $0x3  }
0x359: {  	[tilespmem:v23+s19+$0x0] =	vst.idx.msk $0xffff, v18  }
0x35a: {  	v18 =	vld.idx.msk [tilespmem:v20+s16+$0x0], $0xffff  }
0x35b: {  	v20 =	vor.u32 v15, v19  }
0x35c: {  	v21 =	vor.u32 v26, v21;
	_ =	sdelay $0x2  }
.Ltmp9:
0x35d: {  	(pc) =	sbr.rel @p0 .LBB2_21-.Ltmp9, $4  }
0x35e: {  	[tilespmem:v20+s19+$0x0] =	vst.idx.msk $0xffff, v18  }
0x35f: {  	v18 =	vld.idx.msk [tilespmem:v21+s16+$0x0], $0xffff  }
0x360: {  	v21 =	vor.u32 v16, v19  }
0x361: {  	v20 =	vor.u32 v25, v22  }
0x362: {  	_ =	sdelay $0x3  }
0x363: {  	[tilespmem:v21+s19+$0x0] =	vst.idx.msk $0xffff, v18  }
0x364: {  	v14 =	vor.u32 v17, v19;
	s30 =	sadd.s32 $0x1, s30;
	v13 =	vld.idx.msk [tilespmem:v20+s16+$0x0], $0xffff  }
0x365: {  	p0 =	sne.s32 s30, $0x32  }
.Ltmp10:
0x366: {  	s0 =	sshll.u32 s31, $0x12;
	(pc) =	sbr.rel @p0 .LBB2_6-.Ltmp10, $4  }
0x367: {  	s0 =	sor.u32 s8, s0  }
0x368: {  	s0 =	sshrl.u32 s0, $0x3  }
0x369: {  	s0 =	sadd.s32 s2, s0;
	[tilespmem:v14+s19+$0x0] =	vst.idx.msk $0xffff, v13  }
0x36a: {  	[hbm4b:s0+s20] =	stream.strided.scatter [tilespmem:s25], [sflag:$0x4], $0x2000, s21, s20, $0x38;
	[tilespmem:$0x1C800] =	vst v63  }
0x36b: {  	_ =	swait.ge [sflag:s26], $0x2000  }
0x36c: {  	[sflag:s26] =	ssyncset.done $0x0  }
0x36d: {  	[sflag:s26] =	ssyncadd.s32 $0xFFFFE000  }
0x36e: {  	_ =	swait.ge [sflag:s26], $0x2000  }
0x36f: {  	[sflag:s26] =	ssyncset.done $0x0  }
0x370: {  	s29 =	sadd.s32 $0x1, s29;
	[sflag:s26] =	ssyncadd.s32 $0xFFFFE000  }
0x371: {  	p0 =	sne.s32 s29, s9;
	_ =	swait.ge [sflag:s28], $0x2000  }
.Ltmp11:
0x372: {  	[sflag:s28] =	ssyncset.done $0x0;
	(pc) =	sbr.rel @p0 .LBB2_1-.Ltmp11, $4  }
0x373: {  	[sflag:s28] =	ssyncadd.s32 $0xFFFFE000  }
0x374: {  	_ =	swait.ge [sflag:s28], $0x2000  }
0x375: {  	[sflag:s28] =	ssyncset.done $0x0  }
0x376: {  	s12 =	simm.s32 $0x80;
	[sflag:s28] =	ssyncadd.s32 $0xFFFFE000  }
0x377: {  	_ =	sfence.sel $0x180000  }
0x378: {  	[bflag:$0x0] =	sbarrier.arrive $0xFFFF  }
0x379: {  	_ =	strace $0x90000047  }
0x37a: {  	s0 =	stileid.u32;
	[bflag:$0x2] =	sbarrier.arrive $0xFFFF  }
0x37b: {  	p0 =	sne.s32 s0, $0x0;
	s0 =	rddreg [dreg:$0x2]  }
0x37c: {  	s0 =	sadd.s32 @!p0 $0x100000, s0  }
0x37d: {  	[sflag:s0] =	ssyncadd.tile.s32 @!p0 $0x1;
	_ =	shalt  }
.Lfunc_end2:
_tile_overlayer_lowered:
.L_overlay_start_2:
0x37e: {  	(tag) =	ssettag $0x2  }
0x37f: {  	s0 =	rddreg [dreg:$0x0];
	s2 =	stileid.u32  }
0x380: {  	s1 =	rddreg [dreg:$0x1];
	p0 =	sne.s32 s2, $0x0  }
0x381: {  	s3 =	rddreg [dreg:$0x2];
	[bflag:$0x3] =	sbarrier.arrive $0xFFFF;
	s2 =	simm.s32 @!p0 $0x1C05  }
0x382: {  	[timem:s3], [sflag:s2] =	dma.local @!p0 [hbm:s0], s1  }
0x383: {  	s0 =	simm.s32 @!p0 $0x5  }
0x384: {  	_ =	swait.ge @!p0 [sflag:s0], s1  }
0x385: {  	s1 =	ssub.s32 @!p0 $0x0, s1;
	[sflag:s0] =	ssyncset.done @!p0 $0x0  }
0x386: {  	[sflag:s0] =	ssyncadd.s32 @!p0 s1  }
0x387: {  	[bflag:$0x3] =	sbarrier.arrive $0xFFFF  }
0x388: {  	_ =	shalt  }

</sc_bundles>
